<compile_context>
chip_gen: v7x
topology: tpu7x:2x2x1
jax: 0.10.2.dev20260603
libtpu: 0.0.44.dev20260713+nightly
codegen_flags: <defaults>
</compile_context>

<pallas_src>
import functools

import jax
import jax.numpy as jnp
from jax import lax
from jax.experimental import pallas as pl
from jax.experimental.pallas import tpu as pltpu
from jax.experimental.pallas import tpu_sc as plsc

B = 16384
D = 64
MARGIN = 9.0
EMB_RANGE = (9.0 + 2.0) / 64.0
PHASE_SCALE = 3.141592653589793 / EMB_RANGE

NC = 2
NS = 16
L = 16
NW = NC * NS
PER_W = B // NW
CHUNK = 128
NCHUNK = PER_W // CHUNK
NBUF = 2

NUM_REL = 1000


def _trig_body(rel_ref, out_ref):
    ph = rel_ref[...] * jnp.float32(PHASE_SCALE)
    out_ref[:, :D] = jnp.cos(ph)
    out_ref[:, D:] = jnp.sin(ph)


_trig_table = pl.pallas_call(
    _trig_body,
    out_shape=jax.ShapeDtypeStruct((NUM_REL, 2 * D), jnp.float32),
)


def _sqrt(x):
    bits = lax.bitcast_convert_type(x, jnp.int32)
    seed = jnp.int32(0x5F3759DF) - lax.shift_right_logical(bits, 1)
    r = lax.bitcast_convert_type(seed, jnp.float32)
    for _ in range(2):
        r = r * (jnp.float32(1.5) - jnp.float32(0.5) * x * r * r)
    return x * r


_mesh = plsc.VectorSubcoreMesh(core_axis_name="c", subcore_axis_name="s")


@functools.partial(
    pl.kernel,
    out_type=jax.ShapeDtypeStruct((B,), jnp.float32),
    mesh=_mesh,
    compiler_params=pltpu.CompilerParams(needs_layout_passes=False),
    scratch_types=[
        pltpu.VMEM((PER_W,), jnp.int32),
        pltpu.VMEM((PER_W,), jnp.int32),
        pltpu.VMEM((PER_W,), jnp.int32),
        [pltpu.VMEM((CHUNK, 2 * D), jnp.float32) for _ in range(NBUF)],
        [pltpu.VMEM((CHUNK, 2 * D), jnp.float32) for _ in range(NBUF)],
        [pltpu.VMEM((CHUNK, 2 * D), jnp.float32) for _ in range(NBUF)],
        pltpu.VMEM((PER_W,), jnp.float32),
        [pltpu.SemaphoreType.DMA for _ in range(NBUF)],
    ],
)
def _rotate_score(h_hbm, r_hbm, t_hbm, ent_hbm, rel_hbm, out_hbm,
                  h_idx, r_idx, t_idx, h_bufs, r_bufs, t_bufs, out_v, sems):
    wid = lax.axis_index("s") * NC + lax.axis_index("c")
    base = wid * PER_W
    pltpu.sync_copy(h_hbm.at[pl.ds(base, PER_W)], h_idx)
    pltpu.sync_copy(r_hbm.at[pl.ds(base, PER_W)], r_idx)
    pltpu.sync_copy(t_hbm.at[pl.ds(base, PER_W)], t_idx)

    lanes = lax.iota(jnp.int32, L)

    def start(ci):
        sl = ci % NBUF
        off = ci * CHUNK
        return [
            pltpu.async_copy(
                ent_hbm.at[h_idx.at[pl.ds(off, CHUNK)]], h_bufs[sl], sems[sl]),
            pltpu.async_copy(
                rel_hbm.at[r_idx.at[pl.ds(off, CHUNK)]], r_bufs[sl], sems[sl]),
            pltpu.async_copy(
                ent_hbm.at[t_idx.at[pl.ds(off, CHUNK)]], t_bufs[sl], sems[sl]),
        ]

    last_lane = lanes == (L - 1)

    def compute(ci):
        sl = ci % NBUF
        off = ci * CHUNK
        h_rows, r_rows, t_rows = h_bufs[sl], r_bufs[sl], t_bufs[sl]

        @plsc.parallel_loop(0, CHUNK, unroll=2)
        def triple_body(c):
            acc = jnp.zeros((L,), jnp.float32)
            for j in range(D // L):
                re_h = h_rows[c, pl.ds(j * L, L)]
                im_h = h_rows[c, pl.ds(D + j * L, L)]
                re_t = t_rows[c, pl.ds(j * L, L)]
                im_t = t_rows[c, pl.ds(D + j * L, L)]
                cr = r_rows[c, pl.ds(j * L, L)]
                sr = r_rows[c, pl.ds(D + j * L, L)]
                dx = re_h * cr - im_h * sr - re_t
                dy = re_h * sr + im_h * cr - im_t
                acc = acc + _sqrt(dx * dx + dy * dy)
            vec = jnp.float32(MARGIN) - plsc.cumsum(acc)
            idx = jnp.full((L,), off + c, jnp.int32)
            plsc.store_scatter(out_v, [idx], vec, mask=last_lane)

    pending = [start(ci) for ci in range(NBUF - 1)]
    for ci in range(NCHUNK):
        if ci + NBUF - 1 < NCHUNK:
            pending.append(start(ci + NBUF - 1))
        for cp in pending.pop(0):
            cp.wait()
        compute(ci)

    pltpu.sync_copy(out_v, out_hbm.at[pl.ds(base, PER_W)])


def kernel(h, r, t, entity_embedding, relation_embedding):
    rel_cs = _trig_table(relation_embedding)
    return _rotate_score(h.astype(jnp.int32), r.astype(jnp.int32),
                         t.astype(jnp.int32), entity_embedding, rel_cs)

# --- scband reference (transcript-rebuilt; emitter-appended) ---
"""Pipeline reference for scband-rotat-emodel-70866960384070 (READ-ONLY COPY).

The authoritative reference and input builder live on the scoring server;
editing this copy changes nothing except your own understanding.
"""

import jax, jax.numpy as jnp
import numpy as np

NUM_ENTITIES = 1000000
NUM_RELATIONS = 1000
EMB_DIM = 64
MARGIN = 9.0
EPSILON = 2.0
EMB_RANGE = (MARGIN + EPSILON) / EMB_DIM
BATCH = 16384


def setup_inputs(seed: int = 0) -> dict:
    key = jax.random.key(seed)
    k1, k2, k3, k4, k5 = jax.random.split(key, 5)
    entity_embedding = jax.random.uniform(k1, (NUM_ENTITIES, EMB_DIM * 2), minval=-EMB_RANGE, maxval=EMB_RANGE, dtype=jnp.float32)
    relation_embedding = jax.random.uniform(k2, (NUM_RELATIONS, EMB_DIM), minval=-EMB_RANGE, maxval=EMB_RANGE, dtype=jnp.float32)
    h = jax.random.randint(k3, (BATCH,), 0, NUM_ENTITIES)
    r = jax.random.randint(k4, (BATCH,), 0, NUM_RELATIONS)
    t = jax.random.randint(k5, (BATCH,), 0, NUM_ENTITIES)
    return {"h": h, "r": r, "t": t, "entity_embedding": entity_embedding, "relation_embedding": relation_embedding}


def reference(h, r, t, entity_embedding, relation_embedding):
    # forward(h, r, t, mode='single')
    h_emb = jnp.take(entity_embedding, h, axis=0)  # [B, 2d]
    re_h, im_h = jnp.split(h_emb, 2, axis=-1)      # [B, d] each
    # get_relation_reim with conj flag all-False (score_from_head_emb default path)
    phase_r = jnp.take(relation_embedding, r, axis=0) / (EMB_RANGE / 3.141592653589793)
    re_r = jnp.cos(phase_r)
    im_r = jnp.sin(phase_r)
    re_hr = re_h * re_r - im_h * im_r
    im_hr = re_h * im_r + im_h * re_r
    # t.unsqueeze(1) -> 2D [B, 1] candidates
    t_ids = t[:, None]
    t_emb = jnp.take(entity_embedding, t_ids, axis=0)  # [B, 1, 2d]
    re_t, im_t = jnp.split(t_emb, 2, axis=-1)
    re_score = re_hr[:, None, :] - re_t
    im_score = im_hr[:, None, :] - im_t
    score = jnp.sqrt(re_score ** 2 + im_score ** 2)    # norm over stacked dim 0
    score = jnp.sum(score, axis=-1)                     # [B, 1]
    out = MARGIN - score
    return jnp.squeeze(out, axis=1)                     # [B]

if __name__ == "__main__":
    import jax
    _d = setup_inputs()
    print(jax.jit(kernel)(*tuple(_d.values())))

</pallas_src>

<mosaic_0001>
#map = affine_map<(d0, d1) -> (0)>
#map1 = affine_map<(d0, d1) -> (0, 0)>
module attributes {stable_mosaic.version = 14 : i64} {
  func.func @_rotate_score(%arg0: i32, %arg1: i32, %arg2: memref<16384xi32, #tpu.memory_space<hbm>>, %arg3: memref<16384xi32, #tpu.memory_space<hbm>>, %arg4: memref<16384xi32, #tpu.memory_space<hbm>>, %arg5: memref<1000000x128xf32, #tpu.memory_space<hbm>>, %arg6: memref<1000x128xf32, #tpu.memory_space<hbm>>, %arg7: memref<16384xf32, #tpu.memory_space<hbm>>, %arg8: memref<512xi32, #tpu.memory_space<vmem>>, %arg9: memref<512xi32, #tpu.memory_space<vmem>>, %arg10: memref<512xi32, #tpu.memory_space<vmem>>, %arg11: memref<128x128xf32, #tpu.memory_space<vmem>>, %arg12: memref<128x128xf32, #tpu.memory_space<vmem>>, %arg13: memref<128x128xf32, #tpu.memory_space<vmem>>, %arg14: memref<128x128xf32, #tpu.memory_space<vmem>>, %arg15: memref<128x128xf32, #tpu.memory_space<vmem>>, %arg16: memref<128x128xf32, #tpu.memory_space<vmem>>, %arg17: memref<512xf32, #tpu.memory_space<vmem>>, %arg18: memref<!tpu.dma_semaphore, #tpu.memory_space<semaphore_mem>>, %arg19: memref<!tpu.dma_semaphore, #tpu.memory_space<semaphore_mem>>) attributes {dimension_semantics = [#tpu.dimension_semantics<core_parallel>, #tpu.dimension_semantics<subcore_parallel>], iteration_bounds = array<i64: 2, 16>, scalar_prefetch = 0 : i64, scratch_operands = 12 : i64, tpu.core_type = #tpu.core_type<sc_vector_subcore>, window_params = [{transform_indices = #map}, {transform_indices = #map}, {transform_indices = #map}, {transform_indices = #map1}, {transform_indices = #map1}, {transform_indices = #map}]} {
    %mul3A = arith.constant 2 : i32
    %mul3A_0 = arith.muli %arg1, %mul3A : i32
    %add3A = arith.addi %mul3A_0, %arg0 : i32
    %mul3A_1 = arith.constant 512 : i32
    %mul3A_2 = arith.muli %add3A, %mul3A_1 : i32
    "tpu.region"() ({
      %run_scoped3A = tpu.sem_alloc : memref<!tpu.dma_semaphore, #tpu.memory_space<semaphore_mem>>
      %dma_start3A_134 = tpu.memref_slice %arg2[%mul3A_2] : memref<16384xi32, #tpu.memory_space<hbm>> -> memref<512xi32, #tpu.memory_space<hbm>>
      %dma_start3A_135 = tpu.memref_slice %arg2[%mul3A_2] : memref<16384xi32, #tpu.memory_space<hbm>> -> memref<512xi32, #tpu.memory_space<hbm>>
      tpu.enqueue_dma source(%dma_start3A_135 : memref<512xi32, #tpu.memory_space<hbm>>) target(%arg8 : memref<512xi32, #tpu.memory_space<vmem>>) target_semaphore(%run_scoped3A : memref<!tpu.dma_semaphore, #tpu.memory_space<semaphore_mem>>)
      %dma_wait3A_136 = tpu.memref_slice %arg2[%mul3A_2] : memref<16384xi32, #tpu.memory_space<hbm>> -> memref<512xi32, #tpu.memory_space<hbm>>
      %dma_wait3A_137 = tpu.memref_slice %arg2[%mul3A_2] : memref<16384xi32, #tpu.memory_space<hbm>> -> memref<512xi32, #tpu.memory_space<hbm>>
      tpu.wait_dma2 semaphore(%run_scoped3A : memref<!tpu.dma_semaphore, #tpu.memory_space<semaphore_mem>>) src(%dma_wait3A_137 : memref<512xi32, #tpu.memory_space<hbm>>) dst(%arg8 : memref<512xi32, #tpu.memory_space<vmem>>)
      tpu.yield
    }) : () -> ()
    "tpu.region"() ({
      %run_scoped3A = tpu.sem_alloc : memref<!tpu.dma_semaphore, #tpu.memory_space<semaphore_mem>>
      %dma_start3A_134 = tpu.memref_slice %arg3[%mul3A_2] : memref<16384xi32, #tpu.memory_space<hbm>> -> memref<512xi32, #tpu.memory_space<hbm>>
      %dma_start3A_135 = tpu.memref_slice %arg3[%mul3A_2] : memref<16384xi32, #tpu.memory_space<hbm>> -> memref<512xi32, #tpu.memory_space<hbm>>
      tpu.enqueue_dma source(%dma_start3A_135 : memref<512xi32, #tpu.memory_space<hbm>>) target(%arg9 : memref<512xi32, #tpu.memory_space<vmem>>) target_semaphore(%run_scoped3A : memref<!tpu.dma_semaphore, #tpu.memory_space<semaphore_mem>>)
      %dma_wait3A_136 = tpu.memref_slice %arg3[%mul3A_2] : memref<16384xi32, #tpu.memory_space<hbm>> -> memref<512xi32, #tpu.memory_space<hbm>>
      %dma_wait3A_137 = tpu.memref_slice %arg3[%mul3A_2] : memref<16384xi32, #tpu.memory_space<hbm>> -> memref<512xi32, #tpu.memory_space<hbm>>
      tpu.wait_dma2 semaphore(%run_scoped3A : memref<!tpu.dma_semaphore, #tpu.memory_space<semaphore_mem>>) src(%dma_wait3A_137 : memref<512xi32, #tpu.memory_space<hbm>>) dst(%arg9 : memref<512xi32, #tpu.memory_space<vmem>>)
      tpu.yield
    }) : () -> ()
    "tpu.region"() ({
      %run_scoped3A = tpu.sem_alloc : memref<!tpu.dma_semaphore, #tpu.memory_space<semaphore_mem>>
      %dma_start3A_134 = tpu.memref_slice %arg4[%mul3A_2] : memref<16384xi32, #tpu.memory_space<hbm>> -> memref<512xi32, #tpu.memory_space<hbm>>
      %dma_start3A_135 = tpu.memref_slice %arg4[%mul3A_2] : memref<16384xi32, #tpu.memory_space<hbm>> -> memref<512xi32, #tpu.memory_space<hbm>>
      tpu.enqueue_dma source(%dma_start3A_135 : memref<512xi32, #tpu.memory_space<hbm>>) target(%arg10 : memref<512xi32, #tpu.memory_space<vmem>>) target_semaphore(%run_scoped3A : memref<!tpu.dma_semaphore, #tpu.memory_space<semaphore_mem>>)
      %dma_wait3A_136 = tpu.memref_slice %arg4[%mul3A_2] : memref<16384xi32, #tpu.memory_space<hbm>> -> memref<512xi32, #tpu.memory_space<hbm>>
      %dma_wait3A_137 = tpu.memref_slice %arg4[%mul3A_2] : memref<16384xi32, #tpu.memory_space<hbm>> -> memref<512xi32, #tpu.memory_space<hbm>>
      tpu.wait_dma2 semaphore(%run_scoped3A : memref<!tpu.dma_semaphore, #tpu.memory_space<semaphore_mem>>) src(%dma_wait3A_137 : memref<512xi32, #tpu.memory_space<hbm>>) dst(%arg10 : memref<512xi32, #tpu.memory_space<vmem>>)
      tpu.yield
    }) : () -> ()
    %iota3A = tpu.iota {dimensions = array<i32: 0>} : vector<16xi32>
    %eq3A = arith.constant 15 : i32
    %eq3A_3 = vector.broadcast %eq3A : i32 to vector<16xi32>
    %eq3A_4 = arith.cmpi eq, %iota3A, %eq3A_3 : vector<16xi32>
    %dma_start3A = arith.constant 0 : i32
    %dma_start3A_5 = tpu.memref_slice %arg8[%dma_start3A] : memref<512xi32, #tpu.memory_space<vmem>> -> memref<128xi32, #tpu.memory_space<vmem>>
    %dma_start3A_6 = arith.constant 0 : i32
    %dma_start3A_7 = arith.constant 0 : i32
    %dma_start3A_8 = tpu.memref_slice %arg5[%dma_start3A_6, %dma_start3A_7] : memref<1000000x128xf32, #tpu.memory_space<hbm>> -> memref<1000000x128xf32, #tpu.memory_space<hbm>>
    tpu.enqueue_indirect_dma source(%dma_start3A_8 : memref<1000000x128xf32, #tpu.memory_space<hbm>>) target(%arg11 : memref<128x128xf32, #tpu.memory_space<vmem>>) offsets(%dma_start3A_5 : memref<128xi32, #tpu.memory_space<vmem>>) semaphore(%arg18 : memref<!tpu.dma_semaphore, #tpu.memory_space<semaphore_mem>>)
    %dma_start3A_9 = arith.constant 0 : i32
    %dma_start3A_10 = tpu.memref_slice %arg9[%dma_start3A_9] : memref<512xi32, #tpu.memory_space<vmem>> -> memref<128xi32, #tpu.memory_space<vmem>>
    %dma_start3A_11 = arith.constant 0 : i32
    %dma_start3A_12 = arith.constant 0 : i32
    %dma_start3A_13 = tpu.memref_slice %arg6[%dma_start3A_11, %dma_start3A_12] : memref<1000x128xf32, #tpu.memory_space<hbm>> -> memref<1000x128xf32, #tpu.memory_space<hbm>>
    tpu.enqueue_indirect_dma source(%dma_start3A_13 : memref<1000x128xf32, #tpu.memory_space<hbm>>) target(%arg13 : memref<128x128xf32, #tpu.memory_space<vmem>>) offsets(%dma_start3A_10 : memref<128xi32, #tpu.memory_space<vmem>>) semaphore(%arg18 : memref<!tpu.dma_semaphore, #tpu.memory_space<semaphore_mem>>)
    %dma_start3A_14 = arith.constant 0 : i32
    %dma_start3A_15 = tpu.memref_slice %arg10[%dma_start3A_14] : memref<512xi32, #tpu.memory_space<vmem>> -> memref<128xi32, #tpu.memory_space<vmem>>
    %dma_start3A_16 = arith.constant 0 : i32
    %dma_start3A_17 = arith.constant 0 : i32
    %dma_start3A_18 = tpu.memref_slice %arg5[%dma_start3A_16, %dma_start3A_17] : memref<1000000x128xf32, #tpu.memory_space<hbm>> -> memref<1000000x128xf32, #tpu.memory_space<hbm>>
    tpu.enqueue_indirect_dma source(%dma_start3A_18 : memref<1000000x128xf32, #tpu.memory_space<hbm>>) target(%arg15 : memref<128x128xf32, #tpu.memory_space<vmem>>) offsets(%dma_start3A_15 : memref<128xi32, #tpu.memory_space<vmem>>) semaphore(%arg18 : memref<!tpu.dma_semaphore, #tpu.memory_space<semaphore_mem>>)
    %dma_start3A_19 = arith.constant 128 : i32
    %dma_start3A_20 = tpu.memref_slice %arg8[%dma_start3A_19] : memref<512xi32, #tpu.memory_space<vmem>> -> memref<128xi32, #tpu.memory_space<vmem>>
    %dma_start3A_21 = arith.constant 0 : i32
    %dma_start3A_22 = arith.constant 0 : i32
    %dma_start3A_23 = tpu.memref_slice %arg5[%dma_start3A_21, %dma_start3A_22] : memref<1000000x128xf32, #tpu.memory_space<hbm>> -> memref<1000000x128xf32, #tpu.memory_space<hbm>>
    tpu.enqueue_indirect_dma source(%dma_start3A_23 : memref<1000000x128xf32, #tpu.memory_space<hbm>>) target(%arg12 : memref<128x128xf32, #tpu.memory_space<vmem>>) offsets(%dma_start3A_20 : memref<128xi32, #tpu.memory_space<vmem>>) semaphore(%arg19 : memref<!tpu.dma_semaphore, #tpu.memory_space<semaphore_mem>>)
    %dma_start3A_24 = arith.constant 128 : i32
    %dma_start3A_25 = tpu.memref_slice %arg9[%dma_start3A_24] : memref<512xi32, #tpu.memory_space<vmem>> -> memref<128xi32, #tpu.memory_space<vmem>>
    %dma_start3A_26 = arith.constant 0 : i32
    %dma_start3A_27 = arith.constant 0 : i32
    %dma_start3A_28 = tpu.memref_slice %arg6[%dma_start3A_26, %dma_start3A_27] : memref<1000x128xf32, #tpu.memory_space<hbm>> -> memref<1000x128xf32, #tpu.memory_space<hbm>>
    tpu.enqueue_indirect_dma source(%dma_start3A_28 : memref<1000x128xf32, #tpu.memory_space<hbm>>) target(%arg14 : memref<128x128xf32, #tpu.memory_space<vmem>>) offsets(%dma_start3A_25 : memref<128xi32, #tpu.memory_space<vmem>>) semaphore(%arg19 : memref<!tpu.dma_semaphore, #tpu.memory_space<semaphore_mem>>)
    %dma_start3A_29 = arith.constant 128 : i32
    %dma_start3A_30 = tpu.memref_slice %arg10[%dma_start3A_29] : memref<512xi32, #tpu.memory_space<vmem>> -> memref<128xi32, #tpu.memory_space<vmem>>
    %dma_start3A_31 = arith.constant 0 : i32
    %dma_start3A_32 = arith.constant 0 : i32
    %dma_start3A_33 = tpu.memref_slice %arg5[%dma_start3A_31, %dma_start3A_32] : memref<1000000x128xf32, #tpu.memory_space<hbm>> -> memref<1000000x128xf32, #tpu.memory_space<hbm>>
    tpu.enqueue_indirect_dma source(%dma_start3A_33 : memref<1000000x128xf32, #tpu.memory_space<hbm>>) target(%arg16 : memref<128x128xf32, #tpu.memory_space<vmem>>) offsets(%dma_start3A_30 : memref<128xi32, #tpu.memory_space<vmem>>) semaphore(%arg19 : memref<!tpu.dma_semaphore, #tpu.memory_space<semaphore_mem>>)
    %dma_wait3A = arith.constant 0 : i32
    %dma_wait3A_34 = tpu.memref_slice %arg8[%dma_wait3A] : memref<512xi32, #tpu.memory_space<vmem>> -> memref<128xi32, #tpu.memory_space<vmem>>
    %dma_wait3A_35 = arith.constant 0 : i32
    %dma_wait3A_36 = arith.constant 0 : i32
    %dma_wait3A_37 = tpu.memref_slice %arg5[%dma_wait3A_35, %dma_wait3A_36] : memref<1000000x128xf32, #tpu.memory_space<hbm>> -> memref<1000000x128xf32, #tpu.memory_space<hbm>>
    tpu.wait_indirect_dma semaphore(%arg18 : memref<!tpu.dma_semaphore, #tpu.memory_space<semaphore_mem>>) src(%dma_wait3A_37 : memref<1000000x128xf32, #tpu.memory_space<hbm>>) dst(%arg11 : memref<128x128xf32, #tpu.memory_space<vmem>>)
    %dma_wait3A_38 = arith.constant 0 : i32
    %dma_wait3A_39 = tpu.memref_slice %arg9[%dma_wait3A_38] : memref<512xi32, #tpu.memory_space<vmem>> -> memref<128xi32, #tpu.memory_space<vmem>>
    %dma_wait3A_40 = arith.constant 0 : i32
    %dma_wait3A_41 = arith.constant 0 : i32
    %dma_wait3A_42 = tpu.memref_slice %arg6[%dma_wait3A_40, %dma_wait3A_41] : memref<1000x128xf32, #tpu.memory_space<hbm>> -> memref<1000x128xf32, #tpu.memory_space<hbm>>
    tpu.wait_indirect_dma semaphore(%arg18 : memref<!tpu.dma_semaphore, #tpu.memory_space<semaphore_mem>>) src(%dma_wait3A_42 : memref<1000x128xf32, #tpu.memory_space<hbm>>) dst(%arg13 : memref<128x128xf32, #tpu.memory_space<vmem>>)
    %dma_wait3A_43 = arith.constant 0 : i32
    %dma_wait3A_44 = tpu.memref_slice %arg10[%dma_wait3A_43] : memref<512xi32, #tpu.memory_space<vmem>> -> memref<128xi32, #tpu.memory_space<vmem>>
    %dma_wait3A_45 = arith.constant 0 : i32
    %dma_wait3A_46 = arith.constant 0 : i32
    %dma_wait3A_47 = tpu.memref_slice %arg5[%dma_wait3A_45, %dma_wait3A_46] : memref<1000000x128xf32, #tpu.memory_space<hbm>> -> memref<1000000x128xf32, #tpu.memory_space<hbm>>
    tpu.wait_indirect_dma semaphore(%arg18 : memref<!tpu.dma_semaphore, #tpu.memory_space<semaphore_mem>>) src(%dma_wait3A_47 : memref<1000000x128xf32, #tpu.memory_space<hbm>>) dst(%arg15 : memref<128x128xf32, #tpu.memory_space<vmem>>)
    %parallel_loop3A = arith.constant 0 : i32
    %parallel_loop3A_48 = arith.constant 128 : i32
    %parallel_loop3A_49 = arith.constant 1 : i32
    scf.for %parallel_loop3A_134 = %parallel_loop3A to %parallel_loop3A_48 step %parallel_loop3A_49  : i32 {
      %parallel_loop3A_135 = arith.constant 0.000000e+00 : f32
      %parallel_loop3A_136 = vector.broadcast %parallel_loop3A_135 : f32 to vector<16xf32>
      %parallel_loop3A_137 = arith.index_cast %parallel_loop3A_134 : i32 to index
      %parallel_loop3A_138 = arith.constant 0 : index
      %parallel_loop3A_139 = tpu.vector_load %arg11[%parallel_loop3A_137, %parallel_loop3A_138] {strides = array<i32>} : memref<128x128xf32, #tpu.memory_space<vmem>>, vector<16xf32>,
      %parallel_loop3A_140 = arith.index_cast %parallel_loop3A_134 : i32 to index
      %parallel_loop3A_141 = arith.constant 64 : index
      %parallel_loop3A_142 = tpu.vector_load %arg11[%parallel_loop3A_140, %parallel_loop3A_141] {strides = array<i32>} : memref<128x128xf32, #tpu.memory_space<vmem>>, vector<16xf32>,
      %parallel_loop3A_143 = arith.index_cast %parallel_loop3A_134 : i32 to index
      %parallel_loop3A_144 = arith.constant 0 : index
      %parallel_loop3A_145 = tpu.vector_load %arg15[%parallel_loop3A_143, %parallel_loop3A_144] {strides = array<i32>} : memref<128x128xf32, #tpu.memory_space<vmem>>, vector<16xf32>,
      %parallel_loop3A_146 = arith.index_cast %parallel_loop3A_134 : i32 to index
      %parallel_loop3A_147 = arith.constant 64 : index
      %parallel_loop3A_148 = tpu.vector_load %arg15[%parallel_loop3A_146, %parallel_loop3A_147] {strides = array<i32>} : memref<128x128xf32, #tpu.memory_space<vmem>>, vector<16xf32>,
      %parallel_loop3A_149 = arith.index_cast %parallel_loop3A_134 : i32 to index
      %parallel_loop3A_150 = arith.constant 0 : index
      %parallel_loop3A_151 = tpu.vector_load %arg13[%parallel_loop3A_149, %parallel_loop3A_150] {strides = array<i32>} : memref<128x128xf32, #tpu.memory_space<vmem>>, vector<16xf32>,
      %parallel_loop3A_152 = arith.index_cast %parallel_loop3A_134 : i32 to index
      %parallel_loop3A_153 = arith.constant 64 : index
      %parallel_loop3A_154 = tpu.vector_load %arg13[%parallel_loop3A_152, %parallel_loop3A_153] {strides = array<i32>} : memref<128x128xf32, #tpu.memory_space<vmem>>, vector<16xf32>,
      %parallel_loop3A_155 = arith.mulf %parallel_loop3A_139, %parallel_loop3A_151 : vector<16xf32>
      %parallel_loop3A_156 = arith.mulf %parallel_loop3A_142, %parallel_loop3A_154 : vector<16xf32>
      %parallel_loop3A_157 = arith.subf %parallel_loop3A_155, %parallel_loop3A_156 : vector<16xf32>
      %parallel_loop3A_158 = arith.subf %parallel_loop3A_157, %parallel_loop3A_145 : vector<16xf32>
      %parallel_loop3A_159 = arith.mulf %parallel_loop3A_139, %parallel_loop3A_154 : vector<16xf32>
      %parallel_loop3A_160 = arith.mulf %parallel_loop3A_142, %parallel_loop3A_151 : vector<16xf32>
      %parallel_loop3A_161 = arith.addf %parallel_loop3A_159, %parallel_loop3A_160 : vector<16xf32>
      %parallel_loop3A_162 = arith.subf %parallel_loop3A_161, %parallel_loop3A_148 : vector<16xf32>
      %parallel_loop3A_163 = arith.mulf %parallel_loop3A_158, %parallel_loop3A_158 : vector<16xf32>
      %parallel_loop3A_164 = arith.mulf %parallel_loop3A_162, %parallel_loop3A_162 : vector<16xf32>
      %parallel_loop3A_165 = arith.addf %parallel_loop3A_163, %parallel_loop3A_164 : vector<16xf32>
      %parallel_loop3A_166 = tpu.bitcast %parallel_loop3A_165 : vector<16xf32> -> vector<16xi32>
      %parallel_loop3A_167 = arith.constant 1 : i32
      %parallel_loop3A_168 = vector.broadcast %parallel_loop3A_167 : i32 to vector<16xi32>
      %parallel_loop3A_169 = arith.shrui %parallel_loop3A_166, %parallel_loop3A_168 : vector<16xi32>
      %parallel_loop3A_170 = arith.constant 1597463007 : i32
      %parallel_loop3A_171 = vector.broadcast %parallel_loop3A_170 : i32 to vector<16xi32>
      %parallel_loop3A_172 = arith.subi %parallel_loop3A_171, %parallel_loop3A_169 : vector<16xi32>
      %parallel_loop3A_173 = tpu.bitcast %parallel_loop3A_172 : vector<16xi32> -> vector<16xf32>
      %parallel_loop3A_174 = arith.constant 5.000000e-01 : f32
      %parallel_loop3A_175 = vector.broadcast %parallel_loop3A_174 : f32 to vector<16xf32>
      %parallel_loop3A_176 = arith.mulf %parallel_loop3A_175, %parallel_loop3A_165 : vector<16xf32>
      %parallel_loop3A_177 = arith.mulf %parallel_loop3A_176, %parallel_loop3A_173 : vector<16xf32>
      %parallel_loop3A_178 = arith.mulf %parallel_loop3A_177, %parallel_loop3A_173 : vector<16xf32>
      %parallel_loop3A_179 = arith.constant 1.500000e+00 : f32
      %parallel_loop3A_180 = vector.broadcast %parallel_loop3A_179 : f32 to vector<16xf32>
      %parallel_loop3A_181 = arith.subf %parallel_loop3A_180, %parallel_loop3A_178 : vector<16xf32>
      %parallel_loop3A_182 = arith.mulf %parallel_loop3A_173, %parallel_loop3A_181 : vector<16xf32>
      %parallel_loop3A_183 = arith.constant 5.000000e-01 : f32
      %parallel_loop3A_184 = vector.broadcast %parallel_loop3A_183 : f32 to vector<16xf32>
      %parallel_loop3A_185 = arith.mulf %parallel_loop3A_184, %parallel_loop3A_165 : vector<16xf32>
      %parallel_loop3A_186 = arith.mulf %parallel_loop3A_185, %parallel_loop3A_182 : vector<16xf32>
      %parallel_loop3A_187 = arith.mulf %parallel_loop3A_186, %parallel_loop3A_182 : vector<16xf32>
      %parallel_loop3A_188 = arith.constant 1.500000e+00 : f32
      %parallel_loop3A_189 = vector.broadcast %parallel_loop3A_188 : f32 to vector<16xf32>
      %parallel_loop3A_190 = arith.subf %parallel_loop3A_189, %parallel_loop3A_187 : vector<16xf32>
      %parallel_loop3A_191 = arith.mulf %parallel_loop3A_182, %parallel_loop3A_190 : vector<16xf32>
      %parallel_loop3A_192 = arith.mulf %parallel_loop3A_165, %parallel_loop3A_191 : vector<16xf32>
      %parallel_loop3A_193 = arith.addf %parallel_loop3A_136, %parallel_loop3A_192 : vector<16xf32>
      %parallel_loop3A_194 = arith.index_cast %parallel_loop3A_134 : i32 to index
      %parallel_loop3A_195 = arith.constant 16 : index
      %parallel_loop3A_196 = tpu.vector_load %arg11[%parallel_loop3A_194, %parallel_loop3A_195] {strides = array<i32>} : memref<128x128xf32, #tpu.memory_space<vmem>>, vector<16xf32>,
      %parallel_loop3A_197 = arith.index_cast %parallel_loop3A_134 : i32 to index
      %parallel_loop3A_198 = arith.constant 80 : index
      %parallel_loop3A_199 = tpu.vector_load %arg11[%parallel_loop3A_197, %parallel_loop3A_198] {strides = array<i32>} : memref<128x128xf32, #tpu.memory_space<vmem>>, vector<16xf32>,
      %parallel_loop3A_200 = arith.index_cast %parallel_loop3A_134 : i32 to index
      %parallel_loop3A_201 = arith.constant 16 : index
      %parallel_loop3A_202 = tpu.vector_load %arg15[%parallel_loop3A_200, %parallel_loop3A_201] {strides = array<i32>} : memref<128x128xf32, #tpu.memory_space<vmem>>, vector<16xf32>,
      %parallel_loop3A_203 = arith.index_cast %parallel_loop3A_134 : i32 to index
      %parallel_loop3A_204 = arith.constant 80 : index
      %parallel_loop3A_205 = tpu.vector_load %arg15[%parallel_loop3A_203, %parallel_loop3A_204] {strides = array<i32>} : memref<128x128xf32, #tpu.memory_space<vmem>>, vector<16xf32>,
      %parallel_loop3A_206 = arith.index_cast %parallel_loop3A_134 : i32 to index
      %parallel_loop3A_207 = arith.constant 16 : index
      %parallel_loop3A_208 = tpu.vector_load %arg13[%parallel_loop3A_206, %parallel_loop3A_207] {strides = array<i32>} : memref<128x128xf32, #tpu.memory_space<vmem>>, vector<16xf32>,
      %parallel_loop3A_209 = arith.index_cast %parallel_loop3A_134 : i32 to index
      %parallel_loop3A_210 = arith.constant 80 : index
      %parallel_loop3A_211 = tpu.vector_load %arg13[%parallel_loop3A_209, %parallel_loop3A_210] {strides = array<i32>} : memref<128x128xf32, #tpu.memory_space<vmem>>, vector<16xf32>,
      %parallel_loop3A_212 = arith.mulf %parallel_loop3A_196, %parallel_loop3A_208 : vector<16xf32>
      %parallel_loop3A_213 = arith.mulf %parallel_loop3A_199, %parallel_loop3A_211 : vector<16xf32>
      %parallel_loop3A_214 = arith.subf %parallel_loop3A_212, %parallel_loop3A_213 : vector<16xf32>
      %parallel_loop3A_215 = arith.subf %parallel_loop3A_214, %parallel_loop3A_202 : vector<16xf32>
      %parallel_loop3A_216 = arith.mulf %parallel_loop3A_196, %parallel_loop3A_211 : vector<16xf32>
      %parallel_loop3A_217 = arith.mulf %parallel_loop3A_199, %parallel_loop3A_208 : vector<16xf32>
      %parallel_loop3A_218 = arith.addf %parallel_loop3A_216, %parallel_loop3A_217 : vector<16xf32>
      %parallel_loop3A_219 = arith.subf %parallel_loop3A_218, %parallel_loop3A_205 : vector<16xf32>
      %parallel_loop3A_220 = arith.mulf %parallel_loop3A_215, %parallel_loop3A_215 : vector<16xf32>
      %parallel_loop3A_221 = arith.mulf %parallel_loop3A_219, %parallel_loop3A_219 : vector<16xf32>
      %parallel_loop3A_222 = arith.addf %parallel_loop3A_220, %parallel_loop3A_221 : vector<16xf32>
      %parallel_loop3A_223 = tpu.bitcast %parallel_loop3A_222 : vector<16xf32> -> vector<16xi32>
      %parallel_loop3A_224 = arith.constant 1 : i32
      %parallel_loop3A_225 = vector.broadcast %parallel_loop3A_224 : i32 to vector<16xi32>
      %parallel_loop3A_226 = arith.shrui %parallel_loop3A_223, %parallel_loop3A_225 : vector<16xi32>
      %parallel_loop3A_227 = arith.constant 1597463007 : i32
      %parallel_loop3A_228 = vector.broadcast %parallel_loop3A_227 : i32 to vector<16xi32>
      %parallel_loop3A_229 = arith.subi %parallel_loop3A_228, %parallel_loop3A_226 : vector<16xi32>
      %parallel_loop3A_230 = tpu.bitcast %parallel_loop3A_229 : vector<16xi32> -> vector<16xf32>
      %parallel_loop3A_231 = arith.constant 5.000000e-01 : f32
      %parallel_loop3A_232 = vector.broadcast %parallel_loop3A_231 : f32 to vector<16xf32>
      %parallel_loop3A_233 = arith.mulf %parallel_loop3A_232, %parallel_loop3A_222 : vector<16xf32>
      %parallel_loop3A_234 = arith.mulf %parallel_loop3A_233, %parallel_loop3A_230 : vector<16xf32>
      %parallel_loop3A_235 = arith.mulf %parallel_loop3A_234, %parallel_loop3A_230 : vector<16xf32>
      %parallel_loop3A_236 = arith.constant 1.500000e+00 : f32
      %parallel_loop3A_237 = vector.broadcast %parallel_loop3A_236 : f32 to vector<16xf32>
      %parallel_loop3A_238 = arith.subf %parallel_loop3A_237, %parallel_loop3A_235 : vector<16xf32>
      %parallel_loop3A_239 = arith.mulf %parallel_loop3A_230, %parallel_loop3A_238 : vector<16xf32>
      %parallel_loop3A_240 = arith.constant 5.000000e-01 : f32
      %parallel_loop3A_241 = vector.broadcast %parallel_loop3A_240 : f32 to vector<16xf32>
      %parallel_loop3A_242 = arith.mulf %parallel_loop3A_241, %parallel_loop3A_222 : vector<16xf32>
      %parallel_loop3A_243 = arith.mulf %parallel_loop3A_242, %parallel_loop3A_239 : vector<16xf32>
      %parallel_loop3A_244 = arith.mulf %parallel_loop3A_243, %parallel_loop3A_239 : vector<16xf32>
      %parallel_loop3A_245 = arith.constant 1.500000e+00 : f32
      %parallel_loop3A_246 = vector.broadcast %parallel_loop3A_245 : f32 to vector<16xf32>
      %parallel_loop3A_247 = arith.subf %parallel_loop3A_246, %parallel_loop3A_244 : vector<16xf32>
      %parallel_loop3A_248 = arith.mulf %parallel_loop3A_239, %parallel_loop3A_247 : vector<16xf32>
      %parallel_loop3A_249 = arith.mulf %parallel_loop3A_222, %parallel_loop3A_248 : vector<16xf32>
      %parallel_loop3A_250 = arith.addf %parallel_loop3A_193, %parallel_loop3A_249 : vector<16xf32>
      %parallel_loop3A_251 = arith.index_cast %parallel_loop3A_134 : i32 to index
      %parallel_loop3A_252 = arith.constant 32 : index
      %parallel_loop3A_253 = tpu.vector_load %arg11[%parallel_loop3A_251, %parallel_loop3A_252] {strides = array<i32>} : memref<128x128xf32, #tpu.memory_space<vmem>>, vector<16xf32>,
      %parallel_loop3A_254 = arith.index_cast %parallel_loop3A_134 : i32 to index
      %parallel_loop3A_255 = arith.constant 96 : index
      %parallel_loop3A_256 = tpu.vector_load %arg11[%parallel_loop3A_254, %parallel_loop3A_255] {strides = array<i32>} : memref<128x128xf32, #tpu.memory_space<vmem>>, vector<16xf32>,
      %parallel_loop3A_257 = arith.index_cast %parallel_loop3A_134 : i32 to index
      %parallel_loop3A_258 = arith.constant 32 : index
      %parallel_loop3A_259 = tpu.vector_load %arg15[%parallel_loop3A_257, %parallel_loop3A_258] {strides = array<i32>} : memref<128x128xf32, #tpu.memory_space<vmem>>, vector<16xf32>,
      %parallel_loop3A_260 = arith.index_cast %parallel_loop3A_134 : i32 to index
      %parallel_loop3A_261 = arith.constant 96 : index
      %parallel_loop3A_262 = tpu.vector_load %arg15[%parallel_loop3A_260, %parallel_loop3A_261] {strides = array<i32>} : memref<128x128xf32, #tpu.memory_space<vmem>>, vector<16xf32>,
      %parallel_loop3A_263 = arith.index_cast %parallel_loop3A_134 : i32 to index
      %parallel_loop3A_264 = arith.constant 32 : index
      %parallel_loop3A_265 = tpu.vector_load %arg13[%parallel_loop3A_263, %parallel_loop3A_264] {strides = array<i32>} : memref<128x128xf32, #tpu.memory_space<vmem>>, vector<16xf32>,
      %parallel_loop3A_266 = arith.index_cast %parallel_loop3A_134 : i32 to index
      %parallel_loop3A_267 = arith.constant 96 : index
      %parallel_loop3A_268 = tpu.vector_load %arg13[%parallel_loop3A_266, %parallel_loop3A_267] {strides = array<i32>} : memref<128x128xf32, #tpu.memory_space<vmem>>, vector<16xf32>,
      %parallel_loop3A_269 = arith.mulf %parallel_loop3A_253, %parallel_loop3A_265 : vector<16xf32>
      %parallel_loop3A_270 = arith.mulf %parallel_loop3A_256, %parallel_loop3A_268 : vector<16xf32>
      %parallel_loop3A_271 = arith.subf %parallel_loop3A_269, %parallel_loop3A_270 : vector<16xf32>
      %parallel_loop3A_272 = arith.subf %parallel_loop3A_271, %parallel_loop3A_259 : vector<16xf32>
      %parallel_loop3A_273 = arith.mulf %parallel_loop3A_253, %parallel_loop3A_268 : vector<16xf32>
      %parallel_loop3A_274 = arith.mulf %parallel_loop3A_256, %parallel_loop3A_265 : vector<16xf32>
      %parallel_loop3A_275 = arith.addf %parallel_loop3A_273, %parallel_loop3A_274 : vector<16xf32>
      %parallel_loop3A_276 = arith.subf %parallel_loop3A_275, %parallel_loop3A_262 : vector<16xf32>
      %parallel_loop3A_277 = arith.mulf %parallel_loop3A_272, %parallel_loop3A_272 : vector<16xf32>
      %parallel_loop3A_278 = arith.mulf %parallel_loop3A_276, %parallel_loop3A_276 : vector<16xf32>
      %parallel_loop3A_279 = arith.addf %parallel_loop3A_277, %parallel_loop3A_278 : vector<16xf32>
      %parallel_loop3A_280 = tpu.bitcast %parallel_loop3A_279 : vector<16xf32> -> vector<16xi32>
      %parallel_loop3A_281 = arith.constant 1 : i32
      %parallel_loop3A_282 = vector.broadcast %parallel_loop3A_281 : i32 to vector<16xi32>
      %parallel_loop3A_283 = arith.shrui %parallel_loop3A_280, %parallel_loop3A_282 : vector<16xi32>
      %parallel_loop3A_284 = arith.constant 1597463007 : i32
      %parallel_loop3A_285 = vector.broadcast %parallel_loop3A_284 : i32 to vector<16xi32>
      %parallel_loop3A_286 = arith.subi %parallel_loop3A_285, %parallel_loop3A_283 : vector<16xi32>
      %parallel_loop3A_287 = tpu.bitcast %parallel_loop3A_286 : vector<16xi32> -> vector<16xf32>
      %parallel_loop3A_288 = arith.constant 5.000000e-01 : f32
      %parallel_loop3A_289 = vector.broadcast %parallel_loop3A_288 : f32 to vector<16xf32>
      %parallel_loop3A_290 = arith.mulf %parallel_loop3A_289, %parallel_loop3A_279 : vector<16xf32>
      %parallel_loop3A_291 = arith.mulf %parallel_loop3A_290, %parallel_loop3A_287 : vector<16xf32>
      %parallel_loop3A_292 = arith.mulf %parallel_loop3A_291, %parallel_loop3A_287 : vector<16xf32>
      %parallel_loop3A_293 = arith.constant 1.500000e+00 : f32
      %parallel_loop3A_294 = vector.broadcast %parallel_loop3A_293 : f32 to vector<16xf32>
      %parallel_loop3A_295 = arith.subf %parallel_loop3A_294, %parallel_loop3A_292 : vector<16xf32>
      %parallel_loop3A_296 = arith.mulf %parallel_loop3A_287, %parallel_loop3A_295 : vector<16xf32>
      %parallel_loop3A_297 = arith.constant 5.000000e-01 : f32
      %parallel_loop3A_298 = vector.broadcast %parallel_loop3A_297 : f32 to vector<16xf32>
      %parallel_loop3A_299 = arith.mulf %parallel_loop3A_298, %parallel_loop3A_279 : vector<16xf32>
      %parallel_loop3A_300 = arith.mulf %parallel_loop3A_299, %parallel_loop3A_296 : vector<16xf32>
      %parallel_loop3A_301 = arith.mulf %parallel_loop3A_300, %parallel_loop3A_296 : vector<16xf32>
      %parallel_loop3A_302 = arith.constant 1.500000e+00 : f32
      %parallel_loop3A_303 = vector.broadcast %parallel_loop3A_302 : f32 to vector<16xf32>
      %parallel_loop3A_304 = arith.subf %parallel_loop3A_303, %parallel_loop3A_301 : vector<16xf32>
      %parallel_loop3A_305 = arith.mulf %parallel_loop3A_296, %parallel_loop3A_304 : vector<16xf32>
      %parallel_loop3A_306 = arith.mulf %parallel_loop3A_279, %parallel_loop3A_305 : vector<16xf32>
      %parallel_loop3A_307 = arith.addf %parallel_loop3A_250, %parallel_loop3A_306 : vector<16xf32>
      %parallel_loop3A_308 = arith.index_cast %parallel_loop3A_134 : i32 to index
      %parallel_loop3A_309 = arith.constant 48 : index
      %parallel_loop3A_310 = tpu.vector_load %arg11[%parallel_loop3A_308, %parallel_loop3A_309] {strides = array<i32>} : memref<128x128xf32, #tpu.memory_space<vmem>>, vector<16xf32>,
      %parallel_loop3A_311 = arith.index_cast %parallel_loop3A_134 : i32 to index
      %parallel_loop3A_312 = arith.constant 112 : index
      %parallel_loop3A_313 = tpu.vector_load %arg11[%parallel_loop3A_311, %parallel_loop3A_312] {strides = array<i32>} : memref<128x128xf32, #tpu.memory_space<vmem>>, vector<16xf32>,
      %parallel_loop3A_314 = arith.index_cast %parallel_loop3A_134 : i32 to index
      %parallel_loop3A_315 = arith.constant 48 : index
      %parallel_loop3A_316 = tpu.vector_load %arg15[%parallel_loop3A_314, %parallel_loop3A_315] {strides = array<i32>} : memref<128x128xf32, #tpu.memory_space<vmem>>, vector<16xf32>,
      %parallel_loop3A_317 = arith.index_cast %parallel_loop3A_134 : i32 to index
      %parallel_loop3A_318 = arith.constant 112 : index
      %parallel_loop3A_319 = tpu.vector_load %arg15[%parallel_loop3A_317, %parallel_loop3A_318] {strides = array<i32>} : memref<128x128xf32, #tpu.memory_space<vmem>>, vector<16xf32>,
      %parallel_loop3A_320 = arith.index_cast %parallel_loop3A_134 : i32 to index
      %parallel_loop3A_321 = arith.constant 48 : index
      %parallel_loop3A_322 = tpu.vector_load %arg13[%parallel_loop3A_320, %parallel_loop3A_321] {strides = array<i32>} : memref<128x128xf32, #tpu.memory_space<vmem>>, vector<16xf32>,
      %parallel_loop3A_323 = arith.index_cast %parallel_loop3A_134 : i32 to index
      %parallel_loop3A_324 = arith.constant 112 : index
      %parallel_loop3A_325 = tpu.vector_load %arg13[%parallel_loop3A_323, %parallel_loop3A_324] {strides = array<i32>} : memref<128x128xf32, #tpu.memory_space<vmem>>, vector<16xf32>,
      %parallel_loop3A_326 = arith.mulf %parallel_loop3A_310, %parallel_loop3A_322 : vector<16xf32>
      %parallel_loop3A_327 = arith.mulf %parallel_loop3A_313, %parallel_loop3A_325 : vector<16xf32>
      %parallel_loop3A_328 = arith.subf %parallel_loop3A_326, %parallel_loop3A_327 : vector<16xf32>
      %parallel_loop3A_329 = arith.subf %parallel_loop3A_328, %parallel_loop3A_316 : vector<16xf32>
      %parallel_loop3A_330 = arith.mulf %parallel_loop3A_310, %parallel_loop3A_325 : vector<16xf32>
      %parallel_loop3A_331 = arith.mulf %parallel_loop3A_313, %parallel_loop3A_322 : vector<16xf32>
      %parallel_loop3A_332 = arith.addf %parallel_loop3A_330, %parallel_loop3A_331 : vector<16xf32>
      %parallel_loop3A_333 = arith.subf %parallel_loop3A_332, %parallel_loop3A_319 : vector<16xf32>
      %parallel_loop3A_334 = arith.mulf %parallel_loop3A_329, %parallel_loop3A_329 : vector<16xf32>
      %parallel_loop3A_335 = arith.mulf %parallel_loop3A_333, %parallel_loop3A_333 : vector<16xf32>
      %parallel_loop3A_336 = arith.addf %parallel_loop3A_334, %parallel_loop3A_335 : vector<16xf32>
      %parallel_loop3A_337 = tpu.bitcast %parallel_loop3A_336 : vector<16xf32> -> vector<16xi32>
      %parallel_loop3A_338 = arith.constant 1 : i32
      %parallel_loop3A_339 = vector.broadcast %parallel_loop3A_338 : i32 to vector<16xi32>
      %parallel_loop3A_340 = arith.shrui %parallel_loop3A_337, %parallel_loop3A_339 : vector<16xi32>
      %parallel_loop3A_341 = arith.constant 1597463007 : i32
      %parallel_loop3A_342 = vector.broadcast %parallel_loop3A_341 : i32 to vector<16xi32>
      %parallel_loop3A_343 = arith.subi %parallel_loop3A_342, %parallel_loop3A_340 : vector<16xi32>
      %parallel_loop3A_344 = tpu.bitcast %parallel_loop3A_343 : vector<16xi32> -> vector<16xf32>
      %parallel_loop3A_345 = arith.constant 5.000000e-01 : f32
      %parallel_loop3A_346 = vector.broadcast %parallel_loop3A_345 : f32 to vector<16xf32>
      %parallel_loop3A_347 = arith.mulf %parallel_loop3A_346, %parallel_loop3A_336 : vector<16xf32>
      %parallel_loop3A_348 = arith.mulf %parallel_loop3A_347, %parallel_loop3A_344 : vector<16xf32>
      %parallel_loop3A_349 = arith.mulf %parallel_loop3A_348, %parallel_loop3A_344 : vector<16xf32>
      %parallel_loop3A_350 = arith.constant 1.500000e+00 : f32
      %parallel_loop3A_351 = vector.broadcast %parallel_loop3A_350 : f32 to vector<16xf32>
      %parallel_loop3A_352 = arith.subf %parallel_loop3A_351, %parallel_loop3A_349 : vector<16xf32>
      %parallel_loop3A_353 = arith.mulf %parallel_loop3A_344, %parallel_loop3A_352 : vector<16xf32>
      %parallel_loop3A_354 = arith.constant 5.000000e-01 : f32
      %parallel_loop3A_355 = vector.broadcast %parallel_loop3A_354 : f32 to vector<16xf32>
      %parallel_loop3A_356 = arith.mulf %parallel_loop3A_355, %parallel_loop3A_336 : vector<16xf32>
      %parallel_loop3A_357 = arith.mulf %parallel_loop3A_356, %parallel_loop3A_353 : vector<16xf32>
      %parallel_loop3A_358 = arith.mulf %parallel_loop3A_357, %parallel_loop3A_353 : vector<16xf32>
      %parallel_loop3A_359 = arith.constant 1.500000e+00 : f32
      %parallel_loop3A_360 = vector.broadcast %parallel_loop3A_359 : f32 to vector<16xf32>
      %parallel_loop3A_361 = arith.subf %parallel_loop3A_360, %parallel_loop3A_358 : vector<16xf32>
      %parallel_loop3A_362 = arith.mulf %parallel_loop3A_353, %parallel_loop3A_361 : vector<16xf32>
      %parallel_loop3A_363 = arith.mulf %parallel_loop3A_336, %parallel_loop3A_362 : vector<16xf32>
      %parallel_loop3A_364 = arith.addf %parallel_loop3A_307, %parallel_loop3A_363 : vector<16xf32>
      %parallel_loop3A_365 = arith.constant true
      %parallel_loop3A_366 = vector.broadcast %parallel_loop3A_365 : i1 to vector<16xi1>
      %parallel_loop3A_367 = tpu.scan <sum>, %parallel_loop3A_364 masked %parallel_loop3A_366 : vector<16xf32>, vector<16xi1> -> vector<16xf32>
      %parallel_loop3A_368 = arith.constant 9.000000e+00 : f32
      %parallel_loop3A_369 = vector.broadcast %parallel_loop3A_368 : f32 to vector<16xf32>
      %parallel_loop3A_370 = arith.subf %parallel_loop3A_369, %parallel_loop3A_367 : vector<16xf32>
      %parallel_loop3A_371 = arith.constant 0 : i32
      %parallel_loop3A_372 = arith.addi %parallel_loop3A_371, %parallel_loop3A_134 : i32
      %parallel_loop3A_373 = vector.broadcast %parallel_loop3A_372 : i32 to vector<16xi32>
      tpu.vector_store_idx %arg17[%parallel_loop3A_373], %parallel_loop3A_370 masked %eq3A_4 : memref<512xf32, #tpu.memory_space<vmem>>[vector<16xi32>], vector<16xf32>, vector<16xi1>
    } {sc.loop_unroll_factor = 2 : i64, sc.parallel_access}
    %dma_start3A_50 = arith.constant 256 : i32
    %dma_start3A_51 = tpu.memref_slice %arg8[%dma_start3A_50] : memref<512xi32, #tpu.memory_space<vmem>> -> memref<128xi32, #tpu.memory_space<vmem>>
    %dma_start3A_52 = arith.constant 0 : i32
    %dma_start3A_53 = arith.constant 0 : i32
    %dma_start3A_54 = tpu.memref_slice %arg5[%dma_start3A_52, %dma_start3A_53] : memref<1000000x128xf32, #tpu.memory_space<hbm>> -> memref<1000000x128xf32, #tpu.memory_space<hbm>>
    tpu.enqueue_indirect_dma source(%dma_start3A_54 : memref<1000000x128xf32, #tpu.memory_space<hbm>>) target(%arg11 : memref<128x128xf32, #tpu.memory_space<vmem>>) offsets(%dma_start3A_51 : memref<128xi32, #tpu.memory_space<vmem>>) semaphore(%arg18 : memref<!tpu.dma_semaphore, #tpu.memory_space<semaphore_mem>>)
    %dma_start3A_55 = arith.constant 256 : i32
    %dma_start3A_56 = tpu.memref_slice %arg9[%dma_start3A_55] : memref<512xi32, #tpu.memory_space<vmem>> -> memref<128xi32, #tpu.memory_space<vmem>>
    %dma_start3A_57 = arith.constant 0 : i32
    %dma_start3A_58 = arith.constant 0 : i32
    %dma_start3A_59 = tpu.memref_slice %arg6[%dma_start3A_57, %dma_start3A_58] : memref<1000x128xf32, #tpu.memory_space<hbm>> -> memref<1000x128xf32, #tpu.memory_space<hbm>>
    tpu.enqueue_indirect_dma source(%dma_start3A_59 : memref<1000x128xf32, #tpu.memory_space<hbm>>) target(%arg13 : memref<128x128xf32, #tpu.memory_space<vmem>>) offsets(%dma_start3A_56 : memref<128xi32, #tpu.memory_space<vmem>>) semaphore(%arg18 : memref<!tpu.dma_semaphore, #tpu.memory_space<semaphore_mem>>)
    %dma_start3A_60 = arith.constant 256 : i32
    %dma_start3A_61 = tpu.memref_slice %arg10[%dma_start3A_60] : memref<512xi32, #tpu.memory_space<vmem>> -> memref<128xi32, #tpu.memory_space<vmem>>
    %dma_start3A_62 = arith.constant 0 : i32
    %dma_start3A_63 = arith.constant 0 : i32
    %dma_start3A_64 = tpu.memref_slice %arg5[%dma_start3A_62, %dma_start3A_63] : memref<1000000x128xf32, #tpu.memory_space<hbm>> -> memref<1000000x128xf32, #tpu.memory_space<hbm>>
    tpu.enqueue_indirect_dma source(%dma_start3A_64 : memref<1000000x128xf32, #tpu.memory_space<hbm>>) target(%arg15 : memref<128x128xf32, #tpu.memory_space<vmem>>) offsets(%dma_start3A_61 : memref<128xi32, #tpu.memory_space<vmem>>) semaphore(%arg18 : memref<!tpu.dma_semaphore, #tpu.memory_space<semaphore_mem>>)
    %dma_wait3A_65 = arith.constant 128 : i32
    %dma_wait3A_66 = tpu.memref_slice %arg8[%dma_wait3A_65] : memref<512xi32, #tpu.memory_space<vmem>> -> memref<128xi32, #tpu.memory_space<vmem>>
    %dma_wait3A_67 = arith.constant 0 : i32
    %dma_wait3A_68 = arith.constant 0 : i32
    %dma_wait3A_69 = tpu.memref_slice %arg5[%dma_wait3A_67, %dma_wait3A_68] : memref<1000000x128xf32, #tpu.memory_space<hbm>> -> memref<1000000x128xf32, #tpu.memory_space<hbm>>
    tpu.wait_indirect_dma semaphore(%arg19 : memref<!tpu.dma_semaphore, #tpu.memory_space<semaphore_mem>>) src(%dma_wait3A_69 : memref<1000000x128xf32, #tpu.memory_space<hbm>>) dst(%arg12 : memref<128x128xf32, #tpu.memory_space<vmem>>)
    %dma_wait3A_70 = arith.constant 128 : i32
    %dma_wait3A_71 = tpu.memref_slice %arg9[%dma_wait3A_70] : memref<512xi32, #tpu.memory_space<vmem>> -> memref<128xi32, #tpu.memory_space<vmem>>
    %dma_wait3A_72 = arith.constant 0 : i32
    %dma_wait3A_73 = arith.constant 0 : i32
    %dma_wait3A_74 = tpu.memref_slice %arg6[%dma_wait3A_72, %dma_wait3A_73] : memref<1000x128xf32, #tpu.memory_space<hbm>> -> memref<1000x128xf32, #tpu.memory_space<hbm>>
    tpu.wait_indirect_dma semaphore(%arg19 : memref<!tpu.dma_semaphore, #tpu.memory_space<semaphore_mem>>) src(%dma_wait3A_74 : memref<1000x128xf32, #tpu.memory_space<hbm>>) dst(%arg14 : memref<128x128xf32, #tpu.memory_space<vmem>>)
    %dma_wait3A_75 = arith.constant 128 : i32
    %dma_wait3A_76 = tpu.memref_slice %arg10[%dma_wait3A_75] : memref<512xi32, #tpu.memory_space<vmem>> -> memref<128xi32, #tpu.memory_space<vmem>>
    %dma_wait3A_77 = arith.constant 0 : i32
    %dma_wait3A_78 = arith.constant 0 : i32
    %dma_wait3A_79 = tpu.memref_slice %arg5[%dma_wait3A_77, %dma_wait3A_78] : memref<1000000x128xf32, #tpu.memory_space<hbm>> -> memref<1000000x128xf32, #tpu.memory_space<hbm>>
    tpu.wait_indirect_dma semaphore(%arg19 : memref<!tpu.dma_semaphore, #tpu.memory_space<semaphore_mem>>) src(%dma_wait3A_79 : memref<1000000x128xf32, #tpu.memory_space<hbm>>) dst(%arg16 : memref<128x128xf32, #tpu.memory_space<vmem>>)
    %parallel_loop3A_80 = arith.constant 0 : i32
    %parallel_loop3A_81 = arith.constant 128 : i32
    %parallel_loop3A_82 = arith.constant 1 : i32
    scf.for %parallel_loop3A_134 = %parallel_loop3A_80 to %parallel_loop3A_81 step %parallel_loop3A_82  : i32 {
      %parallel_loop3A_135 = arith.constant 0.000000e+00 : f32
      %parallel_loop3A_136 = vector.broadcast %parallel_loop3A_135 : f32 to vector<16xf32>
      %parallel_loop3A_137 = arith.index_cast %parallel_loop3A_134 : i32 to index
      %parallel_loop3A_138 = arith.constant 0 : index
      %parallel_loop3A_139 = tpu.vector_load %arg12[%parallel_loop3A_137, %parallel_loop3A_138] {strides = array<i32>} : memref<128x128xf32, #tpu.memory_space<vmem>>, vector<16xf32>,
      %parallel_loop3A_140 = arith.index_cast %parallel_loop3A_134 : i32 to index
      %parallel_loop3A_141 = arith.constant 64 : index
      %parallel_loop3A_142 = tpu.vector_load %arg12[%parallel_loop3A_140, %parallel_loop3A_141] {strides = array<i32>} : memref<128x128xf32, #tpu.memory_space<vmem>>, vector<16xf32>,
      %parallel_loop3A_143 = arith.index_cast %parallel_loop3A_134 : i32 to index
      %parallel_loop3A_144 = arith.constant 0 : index
      %parallel_loop3A_145 = tpu.vector_load %arg16[%parallel_loop3A_143, %parallel_loop3A_144] {strides = array<i32>} : memref<128x128xf32, #tpu.memory_space<vmem>>, vector<16xf32>,
      %parallel_loop3A_146 = arith.index_cast %parallel_loop3A_134 : i32 to index
      %parallel_loop3A_147 = arith.constant 64 : index
      %parallel_loop3A_148 = tpu.vector_load %arg16[%parallel_loop3A_146, %parallel_loop3A_147] {strides = array<i32>} : memref<128x128xf32, #tpu.memory_space<vmem>>, vector<16xf32>,
      %parallel_loop3A_149 = arith.index_cast %parallel_loop3A_134 : i32 to index
      %parallel_loop3A_150 = arith.constant 0 : index
      %parallel_loop3A_151 = tpu.vector_load %arg14[%parallel_loop3A_149, %parallel_loop3A_150] {strides = array<i32>} : memref<128x128xf32, #tpu.memory_space<vmem>>, vector<16xf32>,
      %parallel_loop3A_152 = arith.index_cast %parallel_loop3A_134 : i32 to index
      %parallel_loop3A_153 = arith.constant 64 : index
      %parallel_loop3A_154 = tpu.vector_load %arg14[%parallel_loop3A_152, %parallel_loop3A_153] {strides = array<i32>} : memref<128x128xf32, #tpu.memory_space<vmem>>, vector<16xf32>,
      %parallel_loop3A_155 = arith.mulf %parallel_loop3A_139, %parallel_loop3A_151 : vector<16xf32>
      %parallel_loop3A_156 = arith.mulf %parallel_loop3A_142, %parallel_loop3A_154 : vector<16xf32>
      %parallel_loop3A_157 = arith.subf %parallel_loop3A_155, %parallel_loop3A_156 : vector<16xf32>
      %parallel_loop3A_158 = arith.subf %parallel_loop3A_157, %parallel_loop3A_145 : vector<16xf32>
      %parallel_loop3A_159 = arith.mulf %parallel_loop3A_139, %parallel_loop3A_154 : vector<16xf32>
      %parallel_loop3A_160 = arith.mulf %parallel_loop3A_142, %parallel_loop3A_151 : vector<16xf32>
      %parallel_loop3A_161 = arith.addf %parallel_loop3A_159, %parallel_loop3A_160 : vector<16xf32>
      %parallel_loop3A_162 = arith.subf %parallel_loop3A_161, %parallel_loop3A_148 : vector<16xf32>
      %parallel_loop3A_163 = arith.mulf %parallel_loop3A_158, %parallel_loop3A_158 : vector<16xf32>
      %parallel_loop3A_164 = arith.mulf %parallel_loop3A_162, %parallel_loop3A_162 : vector<16xf32>
      %parallel_loop3A_165 = arith.addf %parallel_loop3A_163, %parallel_loop3A_164 : vector<16xf32>
      %parallel_loop3A_166 = tpu.bitcast %parallel_loop3A_165 : vector<16xf32> -> vector<16xi32>
      %parallel_loop3A_167 = arith.constant 1 : i32
      %parallel_loop3A_168 = vector.broadcast %parallel_loop3A_167 : i32 to vector<16xi32>
      %parallel_loop3A_169 = arith.shrui %parallel_loop3A_166, %parallel_loop3A_168 : vector<16xi32>
      %parallel_loop3A_170 = arith.constant 1597463007 : i32
      %parallel_loop3A_171 = vector.broadcast %parallel_loop3A_170 : i32 to vector<16xi32>
      %parallel_loop3A_172 = arith.subi %parallel_loop3A_171, %parallel_loop3A_169 : vector<16xi32>
      %parallel_loop3A_173 = tpu.bitcast %parallel_loop3A_172 : vector<16xi32> -> vector<16xf32>
      %parallel_loop3A_174 = arith.constant 5.000000e-01 : f32
      %parallel_loop3A_175 = vector.broadcast %parallel_loop3A_174 : f32 to vector<16xf32>
      %parallel_loop3A_176 = arith.mulf %parallel_loop3A_175, %parallel_loop3A_165 : vector<16xf32>
      %parallel_loop3A_177 = arith.mulf %parallel_loop3A_176, %parallel_loop3A_173 : vector<16xf32>
      %parallel_loop3A_178 = arith.mulf %parallel_loop3A_177, %parallel_loop3A_173 : vector<16xf32>
      %parallel_loop3A_179 = arith.constant 1.500000e+00 : f32
      %parallel_loop3A_180 = vector.broadcast %parallel_loop3A_179 : f32 to vector<16xf32>
      %parallel_loop3A_181 = arith.subf %parallel_loop3A_180, %parallel_loop3A_178 : vector<16xf32>
      %parallel_loop3A_182 = arith.mulf %parallel_loop3A_173, %parallel_loop3A_181 : vector<16xf32>
      %parallel_loop3A_183 = arith.constant 5.000000e-01 : f32
      %parallel_loop3A_184 = vector.broadcast %parallel_loop3A_183 : f32 to vector<16xf32>
      %parallel_loop3A_185 = arith.mulf %parallel_loop3A_184, %parallel_loop3A_165 : vector<16xf32>
      %parallel_loop3A_186 = arith.mulf %parallel_loop3A_185, %parallel_loop3A_182 : vector<16xf32>
      %parallel_loop3A_187 = arith.mulf %parallel_loop3A_186, %parallel_loop3A_182 : vector<16xf32>
      %parallel_loop3A_188 = arith.constant 1.500000e+00 : f32
      %parallel_loop3A_189 = vector.broadcast %parallel_loop3A_188 : f32 to vector<16xf32>
      %parallel_loop3A_190 = arith.subf %parallel_loop3A_189, %parallel_loop3A_187 : vector<16xf32>
      %parallel_loop3A_191 = arith.mulf %parallel_loop3A_182, %parallel_loop3A_190 : vector<16xf32>
      %parallel_loop3A_192 = arith.mulf %parallel_loop3A_165, %parallel_loop3A_191 : vector<16xf32>
      %parallel_loop3A_193 = arith.addf %parallel_loop3A_136, %parallel_loop3A_192 : vector<16xf32>
      %parallel_loop3A_194 = arith.index_cast %parallel_loop3A_134 : i32 to index
      %parallel_loop3A_195 = arith.constant 16 : index
      %parallel_loop3A_196 = tpu.vector_load %arg12[%parallel_loop3A_194, %parallel_loop3A_195] {strides = array<i32>} : memref<128x128xf32, #tpu.memory_space<vmem>>, vector<16xf32>,
      %parallel_loop3A_197 = arith.index_cast %parallel_loop3A_134 : i32 to index
      %parallel_loop3A_198 = arith.constant 80 : index
      %parallel_loop3A_199 = tpu.vector_load %arg12[%parallel_loop3A_197, %parallel_loop3A_198] {strides = array<i32>} : memref<128x128xf32, #tpu.memory_space<vmem>>, vector<16xf32>,
      %parallel_loop3A_200 = arith.index_cast %parallel_loop3A_134 : i32 to index
      %parallel_loop3A_201 = arith.constant 16 : index
      %parallel_loop3A_202 = tpu.vector_load %arg16[%parallel_loop3A_200, %parallel_loop3A_201] {strides = array<i32>} : memref<128x128xf32, #tpu.memory_space<vmem>>, vector<16xf32>,
      %parallel_loop3A_203 = arith.index_cast %parallel_loop3A_134 : i32 to index
      %parallel_loop3A_204 = arith.constant 80 : index
      %parallel_loop3A_205 = tpu.vector_load %arg16[%parallel_loop3A_203, %parallel_loop3A_204] {strides = array<i32>} : memref<128x128xf32, #tpu.memory_space<vmem>>, vector<16xf32>,
      %parallel_loop3A_206 = arith.index_cast %parallel_loop3A_134 : i32 to index
      %parallel_loop3A_207 = arith.constant 16 : index
      %parallel_loop3A_208 = tpu.vector_load %arg14[%parallel_loop3A_206, %parallel_loop3A_207] {strides = array<i32>} : memref<128x128xf32, #tpu.memory_space<vmem>>, vector<16xf32>,
      %parallel_loop3A_209 = arith.index_cast %parallel_loop3A_134 : i32 to index
      %parallel_loop3A_210 = arith.constant 80 : index
      %parallel_loop3A_211 = tpu.vector_load %arg14[%parallel_loop3A_209, %parallel_loop3A_210] {strides = array<i32>} : memref<128x128xf32, #tpu.memory_space<vmem>>, vector<16xf32>,
      %parallel_loop3A_212 = arith.mulf %parallel_loop3A_196, %parallel_loop3A_208 : vector<16xf32>
      %parallel_loop3A_213 = arith.mulf %parallel_loop3A_199, %parallel_loop3A_211 : vector<16xf32>
      %parallel_loop3A_214 = arith.subf %parallel_loop3A_212, %parallel_loop3A_213 : vector<16xf32>
      %parallel_loop3A_215 = arith.subf %parallel_loop3A_214, %parallel_loop3A_202 : vector<16xf32>
      %parallel_loop3A_216 = arith.mulf %parallel_loop3A_196, %parallel_loop3A_211 : vector<16xf32>
      %parallel_loop3A_217 = arith.mulf %parallel_loop3A_199, %parallel_loop3A_208 : vector<16xf32>
      %parallel_loop3A_218 = arith.addf %parallel_loop3A_216, %parallel_loop3A_217 : vector<16xf32>
      %parallel_loop3A_219 = arith.subf %parallel_loop3A_218, %parallel_loop3A_205 : vector<16xf32>
      %parallel_loop3A_220 = arith.mulf %parallel_loop3A_215, %parallel_loop3A_215 : vector<16xf32>
      %parallel_loop3A_221 = arith.mulf %parallel_loop3A_219, %parallel_loop3A_219 : vector<16xf32>
      %parallel_loop3A_222 = arith.addf %parallel_loop3A_220, %parallel_loop3A_221 : vector<16xf32>
      %parallel_loop3A_223 = tpu.bitcast %parallel_loop3A_222 : vector<16xf32> -> vector<16xi32>
      %parallel_loop3A_224 = arith.constant 1 : i32
      %parallel_loop3A_225 = vector.broadcast %parallel_loop3A_224 : i32 to vector<16xi32>
      %parallel_loop3A_226 = arith.shrui %parallel_loop3A_223, %parallel_loop3A_225 : vector<16xi32>
      %parallel_loop3A_227 = arith.constant 1597463007 : i32
      %parallel_loop3A_228 = vector.broadcast %parallel_loop3A_227 : i32 to vector<16xi32>
      %parallel_loop3A_229 = arith.subi %parallel_loop3A_228, %parallel_loop3A_226 : vector<16xi32>
      %parallel_loop3A_230 = tpu.bitcast %parallel_loop3A_229 : vector<16xi32> -> vector<16xf32>
      %parallel_loop3A_231 = arith.constant 5.000000e-01 : f32
      %parallel_loop3A_232 = vector.broadcast %parallel_loop3A_231 : f32 to vector<16xf32>
      %parallel_loop3A_233 = arith.mulf %parallel_loop3A_232, %parallel_loop3A_222 : vector<16xf32>
      %parallel_loop3A_234 = arith.mulf %parallel_loop3A_233, %parallel_loop3A_230 : vector<16xf32>
      %parallel_loop3A_235 = arith.mulf %parallel_loop3A_234, %parallel_loop3A_230 : vector<16xf32>
      %parallel_loop3A_236 = arith.constant 1.500000e+00 : f32
      %parallel_loop3A_237 = vector.broadcast %parallel_loop3A_236 : f32 to vector<16xf32>
      %parallel_loop3A_238 = arith.subf %parallel_loop3A_237, %parallel_loop3A_235 : vector<16xf32>
      %parallel_loop3A_239 = arith.mulf %parallel_loop3A_230, %parallel_loop3A_238 : vector<16xf32>
      %parallel_loop3A_240 = arith.constant 5.000000e-01 : f32
      %parallel_loop3A_241 = vector.broadcast %parallel_loop3A_240 : f32 to vector<16xf32>
      %parallel_loop3A_242 = arith.mulf %parallel_loop3A_241, %parallel_loop3A_222 : vector<16xf32>
      %parallel_loop3A_243 = arith.mulf %parallel_loop3A_242, %parallel_loop3A_239 : vector<16xf32>
      %parallel_loop3A_244 = arith.mulf %parallel_loop3A_243, %parallel_loop3A_239 : vector<16xf32>
      %parallel_loop3A_245 = arith.constant 1.500000e+00 : f32
      %parallel_loop3A_246 = vector.broadcast %parallel_loop3A_245 : f32 to vector<16xf32>
      %parallel_loop3A_247 = arith.subf %parallel_loop3A_246, %parallel_loop3A_244 : vector<16xf32>
      %parallel_loop3A_248 = arith.mulf %parallel_loop3A_239, %parallel_loop3A_247 : vector<16xf32>
      %parallel_loop3A_249 = arith.mulf %parallel_loop3A_222, %parallel_loop3A_248 : vector<16xf32>
      %parallel_loop3A_250 = arith.addf %parallel_loop3A_193, %parallel_loop3A_249 : vector<16xf32>
      %parallel_loop3A_251 = arith.index_cast %parallel_loop3A_134 : i32 to index
      %parallel_loop3A_252 = arith.constant 32 : index
      %parallel_loop3A_253 = tpu.vector_load %arg12[%parallel_loop3A_251, %parallel_loop3A_252] {strides = array<i32>} : memref<128x128xf32, #tpu.memory_space<vmem>>, vector<16xf32>,
      %parallel_loop3A_254 = arith.index_cast %parallel_loop3A_134 : i32 to index
      %parallel_loop3A_255 = arith.constant 96 : index
      %parallel_loop3A_256 = tpu.vector_load %arg12[%parallel_loop3A_254, %parallel_loop3A_255] {strides = array<i32>} : memref<128x128xf32, #tpu.memory_space<vmem>>, vector<16xf32>,
      %parallel_loop3A_257 = arith.index_cast %parallel_loop3A_134 : i32 to index
      %parallel_loop3A_258 = arith.constant 32 : index
      %parallel_loop3A_259 = tpu.vector_load %arg16[%parallel_loop3A_257, %parallel_loop3A_258] {strides = array<i32>} : memref<128x128xf32, #tpu.memory_space<vmem>>, vector<16xf32>,
      %parallel_loop3A_260 = arith.index_cast %parallel_loop3A_134 : i32 to index
      %parallel_loop3A_261 = arith.constant 96 : index
      %parallel_loop3A_262 = tpu.vector_load %arg16[%parallel_loop3A_260, %parallel_loop3A_261] {strides = array<i32>} : memref<128x128xf32, #tpu.memory_space<vmem>>, vector<16xf32>,
      %parallel_loop3A_263 = arith.index_cast %parallel_loop3A_134 : i32 to index
      %parallel_loop3A_264 = arith.constant 32 : index
      %parallel_loop3A_265 = tpu.vector_load %arg14[%parallel_loop3A_263, %parallel_loop3A_264] {strides = array<i32>} : memref<128x128xf32, #tpu.memory_space<vmem>>, vector<16xf32>,
      %parallel_loop3A_266 = arith.index_cast %parallel_loop3A_134 : i32 to index
      %parallel_loop3A_267 = arith.constant 96 : index
      %parallel_loop3A_268 = tpu.vector_load %arg14[%parallel_loop3A_266, %parallel_loop3A_267] {strides = array<i32>} : memref<128x128xf32, #tpu.memory_space<vmem>>, vector<16xf32>,
      %parallel_loop3A_269 = arith.mulf %parallel_loop3A_253, %parallel_loop3A_265 : vector<16xf32>
      %parallel_loop3A_270 = arith.mulf %parallel_loop3A_256, %parallel_loop3A_268 : vector<16xf32>
      %parallel_loop3A_271 = arith.subf %parallel_loop3A_269, %parallel_loop3A_270 : vector<16xf32>
      %parallel_loop3A_272 = arith.subf %parallel_loop3A_271, %parallel_loop3A_259 : vector<16xf32>
      %parallel_loop3A_273 = arith.mulf %parallel_loop3A_253, %parallel_loop3A_268 : vector<16xf32>
      %parallel_loop3A_274 = arith.mulf %parallel_loop3A_256, %parallel_loop3A_265 : vector<16xf32>
      %parallel_loop3A_275 = arith.addf %parallel_loop3A_273, %parallel_loop3A_274 : vector<16xf32>
      %parallel_loop3A_276 = arith.subf %parallel_loop3A_275, %parallel_loop3A_262 : vector<16xf32>
      %parallel_loop3A_277 = arith.mulf %parallel_loop3A_272, %parallel_loop3A_272 : vector<16xf32>
      %parallel_loop3A_278 = arith.mulf %parallel_loop3A_276, %parallel_loop3A_276 : vector<16xf32>
      %parallel_loop3A_279 = arith.addf %parallel_loop3A_277, %parallel_loop3A_278 : vector<16xf32>
      %parallel_loop3A_280 = tpu.bitcast %parallel_loop3A_279 : vector<16xf32> -> vector<16xi32>
      %parallel_loop3A_281 = arith.constant 1 : i32
      %parallel_loop3A_282 = vector.broadcast %parallel_loop3A_281 : i32 to vector<16xi32>
      %parallel_loop3A_283 = arith.shrui %parallel_loop3A_280, %parallel_loop3A_282 : vector<16xi32>
      %parallel_loop3A_284 = arith.constant 1597463007 : i32
      %parallel_loop3A_285 = vector.broadcast %parallel_loop3A_284 : i32 to vector<16xi32>
      %parallel_loop3A_286 = arith.subi %parallel_loop3A_285, %parallel_loop3A_283 : vector<16xi32>
      %parallel_loop3A_287 = tpu.bitcast %parallel_loop3A_286 : vector<16xi32> -> vector<16xf32>
      %parallel_loop3A_288 = arith.constant 5.000000e-01 : f32
      %parallel_loop3A_289 = vector.broadcast %parallel_loop3A_288 : f32 to vector<16xf32>
      %parallel_loop3A_290 = arith.mulf %parallel_loop3A_289, %parallel_loop3A_279 : vector<16xf32>
      %parallel_loop3A_291 = arith.mulf %parallel_loop3A_290, %parallel_loop3A_287 : vector<16xf32>
      %parallel_loop3A_292 = arith.mulf %parallel_loop3A_291, %parallel_loop3A_287 : vector<16xf32>
      %parallel_loop3A_293 = arith.constant 1.500000e+00 : f32
      %parallel_loop3A_294 = vector.broadcast %parallel_loop3A_293 : f32 to vector<16xf32>
      %parallel_loop3A_295 = arith.subf %parallel_loop3A_294, %parallel_loop3A_292 : vector<16xf32>
      %parallel_loop3A_296 = arith.mulf %parallel_loop3A_287, %parallel_loop3A_295 : vector<16xf32>
      %parallel_loop3A_297 = arith.constant 5.000000e-01 : f32
      %parallel_loop3A_298 = vector.broadcast %parallel_loop3A_297 : f32 to vector<16xf32>
      %parallel_loop3A_299 = arith.mulf %parallel_loop3A_298, %parallel_loop3A_279 : vector<16xf32>
      %parallel_loop3A_300 = arith.mulf %parallel_loop3A_299, %parallel_loop3A_296 : vector<16xf32>
      %parallel_loop3A_301 = arith.mulf %parallel_loop3A_300, %parallel_loop3A_296 : vector<16xf32>
      %parallel_loop3A_302 = arith.constant 1.500000e+00 : f32
      %parallel_loop3A_303 = vector.broadcast %parallel_loop3A_302 : f32 to vector<16xf32>
      %parallel_loop3A_304 = arith.subf %parallel_loop3A_303, %parallel_loop3A_301 : vector<16xf32>
      %parallel_loop3A_305 = arith.mulf %parallel_loop3A_296, %parallel_loop3A_304 : vector<16xf32>
      %parallel_loop3A_306 = arith.mulf %parallel_loop3A_279, %parallel_loop3A_305 : vector<16xf32>
      %parallel_loop3A_307 = arith.addf %parallel_loop3A_250, %parallel_loop3A_306 : vector<16xf32>
      %parallel_loop3A_308 = arith.index_cast %parallel_loop3A_134 : i32 to index
      %parallel_loop3A_309 = arith.constant 48 : index
      %parallel_loop3A_310 = tpu.vector_load %arg12[%parallel_loop3A_308, %parallel_loop3A_309] {strides = array<i32>} : memref<128x128xf32, #tpu.memory_space<vmem>>, vector<16xf32>,
      %parallel_loop3A_311 = arith.index_cast %parallel_loop3A_134 : i32 to index
      %parallel_loop3A_312 = arith.constant 112 : index
      %parallel_loop3A_313 = tpu.vector_load %arg12[%parallel_loop3A_311, %parallel_loop3A_312] {strides = array<i32>} : memref<128x128xf32, #tpu.memory_space<vmem>>, vector<16xf32>,
      %parallel_loop3A_314 = arith.index_cast %parallel_loop3A_134 : i32 to index
      %parallel_loop3A_315 = arith.constant 48 : index
      %parallel_loop3A_316 = tpu.vector_load %arg16[%parallel_loop3A_314, %parallel_loop3A_315] {strides = array<i32>} : memref<128x128xf32, #tpu.memory_space<vmem>>, vector<16xf32>,
      %parallel_loop3A_317 = arith.index_cast %parallel_loop3A_134 : i32 to index
      %parallel_loop3A_318 = arith.constant 112 : index
      %parallel_loop3A_319 = tpu.vector_load %arg16[%parallel_loop3A_317, %parallel_loop3A_318] {strides = array<i32>} : memref<128x128xf32, #tpu.memory_space<vmem>>, vector<16xf32>,
      %parallel_loop3A_320 = arith.index_cast %parallel_loop3A_134 : i32 to index
      %parallel_loop3A_321 = arith.constant 48 : index
      %parallel_loop3A_322 = tpu.vector_load %arg14[%parallel_loop3A_320, %parallel_loop3A_321] {strides = array<i32>} : memref<128x128xf32, #tpu.memory_space<vmem>>, vector<16xf32>,
      %parallel_loop3A_323 = arith.index_cast %parallel_loop3A_134 : i32 to index
      %parallel_loop3A_324 = arith.constant 112 : index
      %parallel_loop3A_325 = tpu.vector_load %arg14[%parallel_loop3A_323, %parallel_loop3A_324] {strides = array<i32>} : memref<128x128xf32, #tpu.memory_space<vmem>>, vector<16xf32>,
      %parallel_loop3A_326 = arith.mulf %parallel_loop3A_310, %parallel_loop3A_322 : vector<16xf32>
      %parallel_loop3A_327 = arith.mulf %parallel_loop3A_313, %parallel_loop3A_325 : vector<16xf32>
      %parallel_loop3A_328 = arith.subf %parallel_loop3A_326, %parallel_loop3A_327 : vector<16xf32>
      %parallel_loop3A_329 = arith.subf %parallel_loop3A_328, %parallel_loop3A_316 : vector<16xf32>
      %parallel_loop3A_330 = arith.mulf %parallel_loop3A_310, %parallel_loop3A_325 : vector<16xf32>
      %parallel_loop3A_331 = arith.mulf %parallel_loop3A_313, %parallel_loop3A_322 : vector<16xf32>
      %parallel_loop3A_332 = arith.addf %parallel_loop3A_330, %parallel_loop3A_331 : vector<16xf32>
      %parallel_loop3A_333 = arith.subf %parallel_loop3A_332, %parallel_loop3A_319 : vector<16xf32>
      %parallel_loop3A_334 = arith.mulf %parallel_loop3A_329, %parallel_loop3A_329 : vector<16xf32>
      %parallel_loop3A_335 = arith.mulf %parallel_loop3A_333, %parallel_loop3A_333 : vector<16xf32>
      %parallel_loop3A_336 = arith.addf %parallel_loop3A_334, %parallel_loop3A_335 : vector<16xf32>
      %parallel_loop3A_337 = tpu.bitcast %parallel_loop3A_336 : vector<16xf32> -> vector<16xi32>
      %parallel_loop3A_338 = arith.constant 1 : i32
      %parallel_loop3A_339 = vector.broadcast %parallel_loop3A_338 : i32 to vector<16xi32>
      %parallel_loop3A_340 = arith.shrui %parallel_loop3A_337, %parallel_loop3A_339 : vector<16xi32>
      %parallel_loop3A_341 = arith.constant 1597463007 : i32
      %parallel_loop3A_342 = vector.broadcast %parallel_loop3A_341 : i32 to vector<16xi32>
      %parallel_loop3A_343 = arith.subi %parallel_loop3A_342, %parallel_loop3A_340 : vector<16xi32>
      %parallel_loop3A_344 = tpu.bitcast %parallel_loop3A_343 : vector<16xi32> -> vector<16xf32>
      %parallel_loop3A_345 = arith.constant 5.000000e-01 : f32
      %parallel_loop3A_346 = vector.broadcast %parallel_loop3A_345 : f32 to vector<16xf32>
      %parallel_loop3A_347 = arith.mulf %parallel_loop3A_346, %parallel_loop3A_336 : vector<16xf32>
      %parallel_loop3A_348 = arith.mulf %parallel_loop3A_347, %parallel_loop3A_344 : vector<16xf32>
      %parallel_loop3A_349 = arith.mulf %parallel_loop3A_348, %parallel_loop3A_344 : vector<16xf32>
      %parallel_loop3A_350 = arith.constant 1.500000e+00 : f32
      %parallel_loop3A_351 = vector.broadcast %parallel_loop3A_350 : f32 to vector<16xf32>
      %parallel_loop3A_352 = arith.subf %parallel_loop3A_351, %parallel_loop3A_349 : vector<16xf32>
      %parallel_loop3A_353 = arith.mulf %parallel_loop3A_344, %parallel_loop3A_352 : vector<16xf32>
      %parallel_loop3A_354 = arith.constant 5.000000e-01 : f32
      %parallel_loop3A_355 = vector.broadcast %parallel_loop3A_354 : f32 to vector<16xf32>
      %parallel_loop3A_356 = arith.mulf %parallel_loop3A_355, %parallel_loop3A_336 : vector<16xf32>
      %parallel_loop3A_357 = arith.mulf %parallel_loop3A_356, %parallel_loop3A_353 : vector<16xf32>
      %parallel_loop3A_358 = arith.mulf %parallel_loop3A_357, %parallel_loop3A_353 : vector<16xf32>
      %parallel_loop3A_359 = arith.constant 1.500000e+00 : f32
      %parallel_loop3A_360 = vector.broadcast %parallel_loop3A_359 : f32 to vector<16xf32>
      %parallel_loop3A_361 = arith.subf %parallel_loop3A_360, %parallel_loop3A_358 : vector<16xf32>
      %parallel_loop3A_362 = arith.mulf %parallel_loop3A_353, %parallel_loop3A_361 : vector<16xf32>
      %parallel_loop3A_363 = arith.mulf %parallel_loop3A_336, %parallel_loop3A_362 : vector<16xf32>
      %parallel_loop3A_364 = arith.addf %parallel_loop3A_307, %parallel_loop3A_363 : vector<16xf32>
      %parallel_loop3A_365 = arith.constant true
      %parallel_loop3A_366 = vector.broadcast %parallel_loop3A_365 : i1 to vector<16xi1>
      %parallel_loop3A_367 = tpu.scan <sum>, %parallel_loop3A_364 masked %parallel_loop3A_366 : vector<16xf32>, vector<16xi1> -> vector<16xf32>
      %parallel_loop3A_368 = arith.constant 9.000000e+00 : f32
      %parallel_loop3A_369 = vector.broadcast %parallel_loop3A_368 : f32 to vector<16xf32>
      %parallel_loop3A_370 = arith.subf %parallel_loop3A_369, %parallel_loop3A_367 : vector<16xf32>
      %parallel_loop3A_371 = arith.constant 128 : i32
      %parallel_loop3A_372 = arith.addi %parallel_loop3A_371, %parallel_loop3A_134 : i32
      %parallel_loop3A_373 = vector.broadcast %parallel_loop3A_372 : i32 to vector<16xi32>
      tpu.vector_store_idx %arg17[%parallel_loop3A_373], %parallel_loop3A_370 masked %eq3A_4 : memref<512xf32, #tpu.memory_space<vmem>>[vector<16xi32>], vector<16xf32>, vector<16xi1>
    } {sc.loop_unroll_factor = 2 : i64, sc.parallel_access}
    %dma_start3A_83 = arith.constant 384 : i32
    %dma_start3A_84 = tpu.memref_slice %arg8[%dma_start3A_83] : memref<512xi32, #tpu.memory_space<vmem>> -> memref<128xi32, #tpu.memory_space<vmem>>
    %dma_start3A_85 = arith.constant 0 : i32
    %dma_start3A_86 = arith.constant 0 : i32
    %dma_start3A_87 = tpu.memref_slice %arg5[%dma_start3A_85, %dma_start3A_86] : memref<1000000x128xf32, #tpu.memory_space<hbm>> -> memref<1000000x128xf32, #tpu.memory_space<hbm>>
    tpu.enqueue_indirect_dma source(%dma_start3A_87 : memref<1000000x128xf32, #tpu.memory_space<hbm>>) target(%arg12 : memref<128x128xf32, #tpu.memory_space<vmem>>) offsets(%dma_start3A_84 : memref<128xi32, #tpu.memory_space<vmem>>) semaphore(%arg19 : memref<!tpu.dma_semaphore, #tpu.memory_space<semaphore_mem>>)
    %dma_start3A_88 = arith.constant 384 : i32
    %dma_start3A_89 = tpu.memref_slice %arg9[%dma_start3A_88] : memref<512xi32, #tpu.memory_space<vmem>> -> memref<128xi32, #tpu.memory_space<vmem>>
    %dma_start3A_90 = arith.constant 0 : i32
    %dma_start3A_91 = arith.constant 0 : i32
    %dma_start3A_92 = tpu.memref_slice %arg6[%dma_start3A_90, %dma_start3A_91] : memref<1000x128xf32, #tpu.memory_space<hbm>> -> memref<1000x128xf32, #tpu.memory_space<hbm>>
    tpu.enqueue_indirect_dma source(%dma_start3A_92 : memref<1000x128xf32, #tpu.memory_space<hbm>>) target(%arg14 : memref<128x128xf32, #tpu.memory_space<vmem>>) offsets(%dma_start3A_89 : memref<128xi32, #tpu.memory_space<vmem>>) semaphore(%arg19 : memref<!tpu.dma_semaphore, #tpu.memory_space<semaphore_mem>>)
    %dma_start3A_93 = arith.constant 384 : i32
    %dma_start3A_94 = tpu.memref_slice %arg10[%dma_start3A_93] : memref<512xi32, #tpu.memory_space<vmem>> -> memref<128xi32, #tpu.memory_space<vmem>>
    %dma_start3A_95 = arith.constant 0 : i32
    %dma_start3A_96 = arith.constant 0 : i32
    %dma_start3A_97 = tpu.memref_slice %arg5[%dma_start3A_95, %dma_start3A_96] : memref<1000000x128xf32, #tpu.memory_space<hbm>> -> memref<1000000x128xf32, #tpu.memory_space<hbm>>
    tpu.enqueue_indirect_dma source(%dma_start3A_97 : memref<1000000x128xf32, #tpu.memory_space<hbm>>) target(%arg16 : memref<128x128xf32, #tpu.memory_space<vmem>>) offsets(%dma_start3A_94 : memref<128xi32, #tpu.memory_space<vmem>>) semaphore(%arg19 : memref<!tpu.dma_semaphore, #tpu.memory_space<semaphore_mem>>)
    %dma_wait3A_98 = arith.constant 256 : i32
    %dma_wait3A_99 = tpu.memref_slice %arg8[%dma_wait3A_98] : memref<512xi32, #tpu.memory_space<vmem>> -> memref<128xi32, #tpu.memory_space<vmem>>
    %dma_wait3A_100 = arith.constant 0 : i32
    %dma_wait3A_101 = arith.constant 0 : i32
    %dma_wait3A_102 = tpu.memref_slice %arg5[%dma_wait3A_100, %dma_wait3A_101] : memref<1000000x128xf32, #tpu.memory_space<hbm>> -> memref<1000000x128xf32, #tpu.memory_space<hbm>>
    tpu.wait_indirect_dma semaphore(%arg18 : memref<!tpu.dma_semaphore, #tpu.memory_space<semaphore_mem>>) src(%dma_wait3A_102 : memref<1000000x128xf32, #tpu.memory_space<hbm>>) dst(%arg11 : memref<128x128xf32, #tpu.memory_space<vmem>>)
    %dma_wait3A_103 = arith.constant 256 : i32
    %dma_wait3A_104 = tpu.memref_slice %arg9[%dma_wait3A_103] : memref<512xi32, #tpu.memory_space<vmem>> -> memref<128xi32, #tpu.memory_space<vmem>>
    %dma_wait3A_105 = arith.constant 0 : i32
    %dma_wait3A_106 = arith.constant 0 : i32
    %dma_wait3A_107 = tpu.memref_slice %arg6[%dma_wait3A_105, %dma_wait3A_106] : memref<1000x128xf32, #tpu.memory_space<hbm>> -> memref<1000x128xf32, #tpu.memory_space<hbm>>
    tpu.wait_indirect_dma semaphore(%arg18 : memref<!tpu.dma_semaphore, #tpu.memory_space<semaphore_mem>>) src(%dma_wait3A_107 : memref<1000x128xf32, #tpu.memory_space<hbm>>) dst(%arg13 : memref<128x128xf32, #tpu.memory_space<vmem>>)
    %dma_wait3A_108 = arith.constant 256 : i32
    %dma_wait3A_109 = tpu.memref_slice %arg10[%dma_wait3A_108] : memref<512xi32, #tpu.memory_space<vmem>> -> memref<128xi32, #tpu.memory_space<vmem>>
    %dma_wait3A_110 = arith.constant 0 : i32
    %dma_wait3A_111 = arith.constant 0 : i32
    %dma_wait3A_112 = tpu.memref_slice %arg5[%dma_wait3A_110, %dma_wait3A_111] : memref<1000000x128xf32, #tpu.memory_space<hbm>> -> memref<1000000x128xf32, #tpu.memory_space<hbm>>
    tpu.wait_indirect_dma semaphore(%arg18 : memref<!tpu.dma_semaphore, #tpu.memory_space<semaphore_mem>>) src(%dma_wait3A_112 : memref<1000000x128xf32, #tpu.memory_space<hbm>>) dst(%arg15 : memref<128x128xf32, #tpu.memory_space<vmem>>)
    %parallel_loop3A_113 = arith.constant 0 : i32
    %parallel_loop3A_114 = arith.constant 128 : i32
    %parallel_loop3A_115 = arith.constant 1 : i32
    scf.for %parallel_loop3A_134 = %parallel_loop3A_113 to %parallel_loop3A_114 step %parallel_loop3A_115  : i32 {
      %parallel_loop3A_135 = arith.constant 0.000000e+00 : f32
      %parallel_loop3A_136 = vector.broadcast %parallel_loop3A_135 : f32 to vector<16xf32>
      %parallel_loop3A_137 = arith.index_cast %parallel_loop3A_134 : i32 to index
      %parallel_loop3A_138 = arith.constant 0 : index
      %parallel_loop3A_139 = tpu.vector_load %arg11[%parallel_loop3A_137, %parallel_loop3A_138] {strides = array<i32>} : memref<128x128xf32, #tpu.memory_space<vmem>>, vector<16xf32>,
      %parallel_loop3A_140 = arith.index_cast %parallel_loop3A_134 : i32 to index
      %parallel_loop3A_141 = arith.constant 64 : index
      %parallel_loop3A_142 = tpu.vector_load %arg11[%parallel_loop3A_140, %parallel_loop3A_141] {strides = array<i32>} : memref<128x128xf32, #tpu.memory_space<vmem>>, vector<16xf32>,
      %parallel_loop3A_143 = arith.index_cast %parallel_loop3A_134 : i32 to index
      %parallel_loop3A_144 = arith.constant 0 : index
      %parallel_loop3A_145 = tpu.vector_load %arg15[%parallel_loop3A_143, %parallel_loop3A_144] {strides = array<i32>} : memref<128x128xf32, #tpu.memory_space<vmem>>, vector<16xf32>,
      %parallel_loop3A_146 = arith.index_cast %parallel_loop3A_134 : i32 to index
      %parallel_loop3A_147 = arith.constant 64 : index
      %parallel_loop3A_148 = tpu.vector_load %arg15[%parallel_loop3A_146, %parallel_loop3A_147] {strides = array<i32>} : memref<128x128xf32, #tpu.memory_space<vmem>>, vector<16xf32>,
      %parallel_loop3A_149 = arith.index_cast %parallel_loop3A_134 : i32 to index
      %parallel_loop3A_150 = arith.constant 0 : index
      %parallel_loop3A_151 = tpu.vector_load %arg13[%parallel_loop3A_149, %parallel_loop3A_150] {strides = array<i32>} : memref<128x128xf32, #tpu.memory_space<vmem>>, vector<16xf32>,
      %parallel_loop3A_152 = arith.index_cast %parallel_loop3A_134 : i32 to index
      %parallel_loop3A_153 = arith.constant 64 : index
      %parallel_loop3A_154 = tpu.vector_load %arg13[%parallel_loop3A_152, %parallel_loop3A_153] {strides = array<i32>} : memref<128x128xf32, #tpu.memory_space<vmem>>, vector<16xf32>,
      %parallel_loop3A_155 = arith.mulf %parallel_loop3A_139, %parallel_loop3A_151 : vector<16xf32>
      %parallel_loop3A_156 = arith.mulf %parallel_loop3A_142, %parallel_loop3A_154 : vector<16xf32>
      %parallel_loop3A_157 = arith.subf %parallel_loop3A_155, %parallel_loop3A_156 : vector<16xf32>
      %parallel_loop3A_158 = arith.subf %parallel_loop3A_157, %parallel_loop3A_145 : vector<16xf32>
      %parallel_loop3A_159 = arith.mulf %parallel_loop3A_139, %parallel_loop3A_154 : vector<16xf32>
      %parallel_loop3A_160 = arith.mulf %parallel_loop3A_142, %parallel_loop3A_151 : vector<16xf32>
      %parallel_loop3A_161 = arith.addf %parallel_loop3A_159, %parallel_loop3A_160 : vector<16xf32>
      %parallel_loop3A_162 = arith.subf %parallel_loop3A_161, %parallel_loop3A_148 : vector<16xf32>
      %parallel_loop3A_163 = arith.mulf %parallel_loop3A_158, %parallel_loop3A_158 : vector<16xf32>
      %parallel_loop3A_164 = arith.mulf %parallel_loop3A_162, %parallel_loop3A_162 : vector<16xf32>
      %parallel_loop3A_165 = arith.addf %parallel_loop3A_163, %parallel_loop3A_164 : vector<16xf32>
      %parallel_loop3A_166 = tpu.bitcast %parallel_loop3A_165 : vector<16xf32> -> vector<16xi32>
      %parallel_loop3A_167 = arith.constant 1 : i32
      %parallel_loop3A_168 = vector.broadcast %parallel_loop3A_167 : i32 to vector<16xi32>
      %parallel_loop3A_169 = arith.shrui %parallel_loop3A_166, %parallel_loop3A_168 : vector<16xi32>
      %parallel_loop3A_170 = arith.constant 1597463007 : i32
      %parallel_loop3A_171 = vector.broadcast %parallel_loop3A_170 : i32 to vector<16xi32>
      %parallel_loop3A_172 = arith.subi %parallel_loop3A_171, %parallel_loop3A_169 : vector<16xi32>
      %parallel_loop3A_173 = tpu.bitcast %parallel_loop3A_172 : vector<16xi32> -> vector<16xf32>
      %parallel_loop3A_174 = arith.constant 5.000000e-01 : f32
      %parallel_loop3A_175 = vector.broadcast %parallel_loop3A_174 : f32 to vector<16xf32>
      %parallel_loop3A_176 = arith.mulf %parallel_loop3A_175, %parallel_loop3A_165 : vector<16xf32>
      %parallel_loop3A_177 = arith.mulf %parallel_loop3A_176, %parallel_loop3A_173 : vector<16xf32>
      %parallel_loop3A_178 = arith.mulf %parallel_loop3A_177, %parallel_loop3A_173 : vector<16xf32>
      %parallel_loop3A_179 = arith.constant 1.500000e+00 : f32
      %parallel_loop3A_180 = vector.broadcast %parallel_loop3A_179 : f32 to vector<16xf32>
      %parallel_loop3A_181 = arith.subf %parallel_loop3A_180, %parallel_loop3A_178 : vector<16xf32>
      %parallel_loop3A_182 = arith.mulf %parallel_loop3A_173, %parallel_loop3A_181 : vector<16xf32>
      %parallel_loop3A_183 = arith.constant 5.000000e-01 : f32
      %parallel_loop3A_184 = vector.broadcast %parallel_loop3A_183 : f32 to vector<16xf32>
      %parallel_loop3A_185 = arith.mulf %parallel_loop3A_184, %parallel_loop3A_165 : vector<16xf32>
      %parallel_loop3A_186 = arith.mulf %parallel_loop3A_185, %parallel_loop3A_182 : vector<16xf32>
      %parallel_loop3A_187 = arith.mulf %parallel_loop3A_186, %parallel_loop3A_182 : vector<16xf32>
      %parallel_loop3A_188 = arith.constant 1.500000e+00 : f32
      %parallel_loop3A_189 = vector.broadcast %parallel_loop3A_188 : f32 to vector<16xf32>
      %parallel_loop3A_190 = arith.subf %parallel_loop3A_189, %parallel_loop3A_187 : vector<16xf32>
      %parallel_loop3A_191 = arith.mulf %parallel_loop3A_182, %parallel_loop3A_190 : vector<16xf32>
      %parallel_loop3A_192 = arith.mulf %parallel_loop3A_165, %parallel_loop3A_191 : vector<16xf32>
      %parallel_loop3A_193 = arith.addf %parallel_loop3A_136, %parallel_loop3A_192 : vector<16xf32>
      %parallel_loop3A_194 = arith.index_cast %parallel_loop3A_134 : i32 to index
      %parallel_loop3A_195 = arith.constant 16 : index
      %parallel_loop3A_196 = tpu.vector_load %arg11[%parallel_loop3A_194, %parallel_loop3A_195] {strides = array<i32>} : memref<128x128xf32, #tpu.memory_space<vmem>>, vector<16xf32>,
      %parallel_loop3A_197 = arith.index_cast %parallel_loop3A_134 : i32 to index
      %parallel_loop3A_198 = arith.constant 80 : index
      %parallel_loop3A_199 = tpu.vector_load %arg11[%parallel_loop3A_197, %parallel_loop3A_198] {strides = array<i32>} : memref<128x128xf32, #tpu.memory_space<vmem>>, vector<16xf32>,
      %parallel_loop3A_200 = arith.index_cast %parallel_loop3A_134 : i32 to index
      %parallel_loop3A_201 = arith.constant 16 : index
      %parallel_loop3A_202 = tpu.vector_load %arg15[%parallel_loop3A_200, %parallel_loop3A_201] {strides = array<i32>} : memref<128x128xf32, #tpu.memory_space<vmem>>, vector<16xf32>,
      %parallel_loop3A_203 = arith.index_cast %parallel_loop3A_134 : i32 to index
      %parallel_loop3A_204 = arith.constant 80 : index
      %parallel_loop3A_205 = tpu.vector_load %arg15[%parallel_loop3A_203, %parallel_loop3A_204] {strides = array<i32>} : memref<128x128xf32, #tpu.memory_space<vmem>>, vector<16xf32>,
      %parallel_loop3A_206 = arith.index_cast %parallel_loop3A_134 : i32 to index
      %parallel_loop3A_207 = arith.constant 16 : index
      %parallel_loop3A_208 = tpu.vector_load %arg13[%parallel_loop3A_206, %parallel_loop3A_207] {strides = array<i32>} : memref<128x128xf32, #tpu.memory_space<vmem>>, vector<16xf32>,
      %parallel_loop3A_209 = arith.index_cast %parallel_loop3A_134 : i32 to index
      %parallel_loop3A_210 = arith.constant 80 : index
      %parallel_loop3A_211 = tpu.vector_load %arg13[%parallel_loop3A_209, %parallel_loop3A_210] {strides = array<i32>} : memref<128x128xf32, #tpu.memory_space<vmem>>, vector<16xf32>,
      %parallel_loop3A_212 = arith.mulf %parallel_loop3A_196, %parallel_loop3A_208 : vector<16xf32>
      %parallel_loop3A_213 = arith.mulf %parallel_loop3A_199, %parallel_loop3A_211 : vector<16xf32>
      %parallel_loop3A_214 = arith.subf %parallel_loop3A_212, %parallel_loop3A_213 : vector<16xf32>
      %parallel_loop3A_215 = arith.subf %parallel_loop3A_214, %parallel_loop3A_202 : vector<16xf32>
      %parallel_loop3A_216 = arith.mulf %parallel_loop3A_196, %parallel_loop3A_211 : vector<16xf32>
      %parallel_loop3A_217 = arith.mulf %parallel_loop3A_199, %parallel_loop3A_208 : vector<16xf32>
      %parallel_loop3A_218 = arith.addf %parallel_loop3A_216, %parallel_loop3A_217 : vector<16xf32>
      %parallel_loop3A_219 = arith.subf %parallel_loop3A_218, %parallel_loop3A_205 : vector<16xf32>
      %parallel_loop3A_220 = arith.mulf %parallel_loop3A_215, %parallel_loop3A_215 : vector<16xf32>
      %parallel_loop3A_221 = arith.mulf %parallel_loop3A_219, %parallel_loop3A_219 : vector<16xf32>
      %parallel_loop3A_222 = arith.addf %parallel_loop3A_220, %parallel_loop3A_221 : vector<16xf32>
      %parallel_loop3A_223 = tpu.bitcast %parallel_loop3A_222 : vector<16xf32> -> vector<16xi32>
      %parallel_loop3A_224 = arith.constant 1 : i32
      %parallel_loop3A_225 = vector.broadcast %parallel_loop3A_224 : i32 to vector<16xi32>
      %parallel_loop3A_226 = arith.shrui %parallel_loop3A_223, %parallel_loop3A_225 : vector<16xi32>
      %parallel_loop3A_227 = arith.constant 1597463007 : i32
      %parallel_loop3A_228 = vector.broadcast %parallel_loop3A_227 : i32 to vector<16xi32>
      %parallel_loop3A_229 = arith.subi %parallel_loop3A_228, %parallel_loop3A_226 : vector<16xi32>
      %parallel_loop3A_230 = tpu.bitcast %parallel_loop3A_229 : vector<16xi32> -> vector<16xf32>
      %parallel_loop3A_231 = arith.constant 5.000000e-01 : f32
      %parallel_loop3A_232 = vector.broadcast %parallel_loop3A_231 : f32 to vector<16xf32>
      %parallel_loop3A_233 = arith.mulf %parallel_loop3A_232, %parallel_loop3A_222 : vector<16xf32>
      %parallel_loop3A_234 = arith.mulf %parallel_loop3A_233, %parallel_loop3A_230 : vector<16xf32>
      %parallel_loop3A_235 = arith.mulf %parallel_loop3A_234, %parallel_loop3A_230 : vector<16xf32>
      %parallel_loop3A_236 = arith.constant 1.500000e+00 : f32
      %parallel_loop3A_237 = vector.broadcast %parallel_loop3A_236 : f32 to vector<16xf32>
      %parallel_loop3A_238 = arith.subf %parallel_loop3A_237, %parallel_loop3A_235 : vector<16xf32>
      %parallel_loop3A_239 = arith.mulf %parallel_loop3A_230, %parallel_loop3A_238 : vector<16xf32>
      %parallel_loop3A_240 = arith.constant 5.000000e-01 : f32
      %parallel_loop3A_241 = vector.broadcast %parallel_loop3A_240 : f32 to vector<16xf32>
      %parallel_loop3A_242 = arith.mulf %parallel_loop3A_241, %parallel_loop3A_222 : vector<16xf32>
      %parallel_loop3A_243 = arith.mulf %parallel_loop3A_242, %parallel_loop3A_239 : vector<16xf32>
      %parallel_loop3A_244 = arith.mulf %parallel_loop3A_243, %parallel_loop3A_239 : vector<16xf32>
      %parallel_loop3A_245 = arith.constant 1.500000e+00 : f32
      %parallel_loop3A_246 = vector.broadcast %parallel_loop3A_245 : f32 to vector<16xf32>
      %parallel_loop3A_247 = arith.subf %parallel_loop3A_246, %parallel_loop3A_244 : vector<16xf32>
      %parallel_loop3A_248 = arith.mulf %parallel_loop3A_239, %parallel_loop3A_247 : vector<16xf32>
      %parallel_loop3A_249 = arith.mulf %parallel_loop3A_222, %parallel_loop3A_248 : vector<16xf32>
      %parallel_loop3A_250 = arith.addf %parallel_loop3A_193, %parallel_loop3A_249 : vector<16xf32>
      %parallel_loop3A_251 = arith.index_cast %parallel_loop3A_134 : i32 to index
      %parallel_loop3A_252 = arith.constant 32 : index
      %parallel_loop3A_253 = tpu.vector_load %arg11[%parallel_loop3A_251, %parallel_loop3A_252] {strides = array<i32>} : memref<128x128xf32, #tpu.memory_space<vmem>>, vector<16xf32>,
      %parallel_loop3A_254 = arith.index_cast %parallel_loop3A_134 : i32 to index
      %parallel_loop3A_255 = arith.constant 96 : index
      %parallel_loop3A_256 = tpu.vector_load %arg11[%parallel_loop3A_254, %parallel_loop3A_255] {strides = array<i32>} : memref<128x128xf32, #tpu.memory_space<vmem>>, vector<16xf32>,
      %parallel_loop3A_257 = arith.index_cast %parallel_loop3A_134 : i32 to index
      %parallel_loop3A_258 = arith.constant 32 : index
      %parallel_loop3A_259 = tpu.vector_load %arg15[%parallel_loop3A_257, %parallel_loop3A_258] {strides = array<i32>} : memref<128x128xf32, #tpu.memory_space<vmem>>, vector<16xf32>,
      %parallel_loop3A_260 = arith.index_cast %parallel_loop3A_134 : i32 to index
      %parallel_loop3A_261 = arith.constant 96 : index
      %parallel_loop3A_262 = tpu.vector_load %arg15[%parallel_loop3A_260, %parallel_loop3A_261] {strides = array<i32>} : memref<128x128xf32, #tpu.memory_space<vmem>>, vector<16xf32>,
      %parallel_loop3A_263 = arith.index_cast %parallel_loop3A_134 : i32 to index
      %parallel_loop3A_264 = arith.constant 32 : index
      %parallel_loop3A_265 = tpu.vector_load %arg13[%parallel_loop3A_263, %parallel_loop3A_264] {strides = array<i32>} : memref<128x128xf32, #tpu.memory_space<vmem>>, vector<16xf32>,
      %parallel_loop3A_266 = arith.index_cast %parallel_loop3A_134 : i32 to index
      %parallel_loop3A_267 = arith.constant 96 : index
      %parallel_loop3A_268 = tpu.vector_load %arg13[%parallel_loop3A_266, %parallel_loop3A_267] {strides = array<i32>} : memref<128x128xf32, #tpu.memory_space<vmem>>, vector<16xf32>,
      %parallel_loop3A_269 = arith.mulf %parallel_loop3A_253, %parallel_loop3A_265 : vector<16xf32>
      %parallel_loop3A_270 = arith.mulf %parallel_loop3A_256, %parallel_loop3A_268 : vector<16xf32>
      %parallel_loop3A_271 = arith.subf %parallel_loop3A_269, %parallel_loop3A_270 : vector<16xf32>
      %parallel_loop3A_272 = arith.subf %parallel_loop3A_271, %parallel_loop3A_259 : vector<16xf32>
      %parallel_loop3A_273 = arith.mulf %parallel_loop3A_253, %parallel_loop3A_268 : vector<16xf32>
      %parallel_loop3A_274 = arith.mulf %parallel_loop3A_256, %parallel_loop3A_265 : vector<16xf32>
      %parallel_loop3A_275 = arith.addf %parallel_loop3A_273, %parallel_loop3A_274 : vector<16xf32>
      %parallel_loop3A_276 = arith.subf %parallel_loop3A_275, %parallel_loop3A_262 : vector<16xf32>
      %parallel_loop3A_277 = arith.mulf %parallel_loop3A_272, %parallel_loop3A_272 : vector<16xf32>
      %parallel_loop3A_278 = arith.mulf %parallel_loop3A_276, %parallel_loop3A_276 : vector<16xf32>
      %parallel_loop3A_279 = arith.addf %parallel_loop3A_277, %parallel_loop3A_278 : vector<16xf32>
      %parallel_loop3A_280 = tpu.bitcast %parallel_loop3A_279 : vector<16xf32> -> vector<16xi32>
      %parallel_loop3A_281 = arith.constant 1 : i32
      %parallel_loop3A_282 = vector.broadcast %parallel_loop3A_281 : i32 to vector<16xi32>
      %parallel_loop3A_283 = arith.shrui %parallel_loop3A_280, %parallel_loop3A_282 : vector<16xi32>
      %parallel_loop3A_284 = arith.constant 1597463007 : i32
      %parallel_loop3A_285 = vector.broadcast %parallel_loop3A_284 : i32 to vector<16xi32>
      %parallel_loop3A_286 = arith.subi %parallel_loop3A_285, %parallel_loop3A_283 : vector<16xi32>
      %parallel_loop3A_287 = tpu.bitcast %parallel_loop3A_286 : vector<16xi32> -> vector<16xf32>
      %parallel_loop3A_288 = arith.constant 5.000000e-01 : f32
      %parallel_loop3A_289 = vector.broadcast %parallel_loop3A_288 : f32 to vector<16xf32>
      %parallel_loop3A_290 = arith.mulf %parallel_loop3A_289, %parallel_loop3A_279 : vector<16xf32>
      %parallel_loop3A_291 = arith.mulf %parallel_loop3A_290, %parallel_loop3A_287 : vector<16xf32>
      %parallel_loop3A_292 = arith.mulf %parallel_loop3A_291, %parallel_loop3A_287 : vector<16xf32>
      %parallel_loop3A_293 = arith.constant 1.500000e+00 : f32
      %parallel_loop3A_294 = vector.broadcast %parallel_loop3A_293 : f32 to vector<16xf32>
      %parallel_loop3A_295 = arith.subf %parallel_loop3A_294, %parallel_loop3A_292 : vector<16xf32>
      %parallel_loop3A_296 = arith.mulf %parallel_loop3A_287, %parallel_loop3A_295 : vector<16xf32>
      %parallel_loop3A_297 = arith.constant 5.000000e-01 : f32
      %parallel_loop3A_298 = vector.broadcast %parallel_loop3A_297 : f32 to vector<16xf32>
      %parallel_loop3A_299 = arith.mulf %parallel_loop3A_298, %parallel_loop3A_279 : vector<16xf32>
      %parallel_loop3A_300 = arith.mulf %parallel_loop3A_299, %parallel_loop3A_296 : vector<16xf32>
      %parallel_loop3A_301 = arith.mulf %parallel_loop3A_300, %parallel_loop3A_296 : vector<16xf32>
      %parallel_loop3A_302 = arith.constant 1.500000e+00 : f32
      %parallel_loop3A_303 = vector.broadcast %parallel_loop3A_302 : f32 to vector<16xf32>
      %parallel_loop3A_304 = arith.subf %parallel_loop3A_303, %parallel_loop3A_301 : vector<16xf32>
      %parallel_loop3A_305 = arith.mulf %parallel_loop3A_296, %parallel_loop3A_304 : vector<16xf32>
      %parallel_loop3A_306 = arith.mulf %parallel_loop3A_279, %parallel_loop3A_305 : vector<16xf32>
      %parallel_loop3A_307 = arith.addf %parallel_loop3A_250, %parallel_loop3A_306 : vector<16xf32>
      %parallel_loop3A_308 = arith.index_cast %parallel_loop3A_134 : i32 to index
      %parallel_loop3A_309 = arith.constant 48 : index
      %parallel_loop3A_310 = tpu.vector_load %arg11[%parallel_loop3A_308, %parallel_loop3A_309] {strides = array<i32>} : memref<128x128xf32, #tpu.memory_space<vmem>>, vector<16xf32>,
      %parallel_loop3A_311 = arith.index_cast %parallel_loop3A_134 : i32 to index
      %parallel_loop3A_312 = arith.constant 112 : index
      %parallel_loop3A_313 = tpu.vector_load %arg11[%parallel_loop3A_311, %parallel_loop3A_312] {strides = array<i32>} : memref<128x128xf32, #tpu.memory_space<vmem>>, vector<16xf32>,
      %parallel_loop3A_314 = arith.index_cast %parallel_loop3A_134 : i32 to index
      %parallel_loop3A_315 = arith.constant 48 : index
      %parallel_loop3A_316 = tpu.vector_load %arg15[%parallel_loop3A_314, %parallel_loop3A_315] {strides = array<i32>} : memref<128x128xf32, #tpu.memory_space<vmem>>, vector<16xf32>,
      %parallel_loop3A_317 = arith.index_cast %parallel_loop3A_134 : i32 to index
      %parallel_loop3A_318 = arith.constant 112 : index
      %parallel_loop3A_319 = tpu.vector_load %arg15[%parallel_loop3A_317, %parallel_loop3A_318] {strides = array<i32>} : memref<128x128xf32, #tpu.memory_space<vmem>>, vector<16xf32>,
      %parallel_loop3A_320 = arith.index_cast %parallel_loop3A_134 : i32 to index
      %parallel_loop3A_321 = arith.constant 48 : index
      %parallel_loop3A_322 = tpu.vector_load %arg13[%parallel_loop3A_320, %parallel_loop3A_321] {strides = array<i32>} : memref<128x128xf32, #tpu.memory_space<vmem>>, vector<16xf32>,
      %parallel_loop3A_323 = arith.index_cast %parallel_loop3A_134 : i32 to index
      %parallel_loop3A_324 = arith.constant 112 : index
      %parallel_loop3A_325 = tpu.vector_load %arg13[%parallel_loop3A_323, %parallel_loop3A_324] {strides = array<i32>} : memref<128x128xf32, #tpu.memory_space<vmem>>, vector<16xf32>,
      %parallel_loop3A_326 = arith.mulf %parallel_loop3A_310, %parallel_loop3A_322 : vector<16xf32>
      %parallel_loop3A_327 = arith.mulf %parallel_loop3A_313, %parallel_loop3A_325 : vector<16xf32>
      %parallel_loop3A_328 = arith.subf %parallel_loop3A_326, %parallel_loop3A_327 : vector<16xf32>
      %parallel_loop3A_329 = arith.subf %parallel_loop3A_328, %parallel_loop3A_316 : vector<16xf32>
      %parallel_loop3A_330 = arith.mulf %parallel_loop3A_310, %parallel_loop3A_325 : vector<16xf32>
      %parallel_loop3A_331 = arith.mulf %parallel_loop3A_313, %parallel_loop3A_322 : vector<16xf32>
      %parallel_loop3A_332 = arith.addf %parallel_loop3A_330, %parallel_loop3A_331 : vector<16xf32>
      %parallel_loop3A_333 = arith.subf %parallel_loop3A_332, %parallel_loop3A_319 : vector<16xf32>
      %parallel_loop3A_334 = arith.mulf %parallel_loop3A_329, %parallel_loop3A_329 : vector<16xf32>
      %parallel_loop3A_335 = arith.mulf %parallel_loop3A_333, %parallel_loop3A_333 : vector<16xf32>
      %parallel_loop3A_336 = arith.addf %parallel_loop3A_334, %parallel_loop3A_335 : vector<16xf32>
      %parallel_loop3A_337 = tpu.bitcast %parallel_loop3A_336 : vector<16xf32> -> vector<16xi32>
      %parallel_loop3A_338 = arith.constant 1 : i32
      %parallel_loop3A_339 = vector.broadcast %parallel_loop3A_338 : i32 to vector<16xi32>
      %parallel_loop3A_340 = arith.shrui %parallel_loop3A_337, %parallel_loop3A_339 : vector<16xi32>
      %parallel_loop3A_341 = arith.constant 1597463007 : i32
      %parallel_loop3A_342 = vector.broadcast %parallel_loop3A_341 : i32 to vector<16xi32>
      %parallel_loop3A_343 = arith.subi %parallel_loop3A_342, %parallel_loop3A_340 : vector<16xi32>
      %parallel_loop3A_344 = tpu.bitcast %parallel_loop3A_343 : vector<16xi32> -> vector<16xf32>
      %parallel_loop3A_345 = arith.constant 5.000000e-01 : f32
      %parallel_loop3A_346 = vector.broadcast %parallel_loop3A_345 : f32 to vector<16xf32>
      %parallel_loop3A_347 = arith.mulf %parallel_loop3A_346, %parallel_loop3A_336 : vector<16xf32>
      %parallel_loop3A_348 = arith.mulf %parallel_loop3A_347, %parallel_loop3A_344 : vector<16xf32>
      %parallel_loop3A_349 = arith.mulf %parallel_loop3A_348, %parallel_loop3A_344 : vector<16xf32>
      %parallel_loop3A_350 = arith.constant 1.500000e+00 : f32
      %parallel_loop3A_351 = vector.broadcast %parallel_loop3A_350 : f32 to vector<16xf32>
      %parallel_loop3A_352 = arith.subf %parallel_loop3A_351, %parallel_loop3A_349 : vector<16xf32>
      %parallel_loop3A_353 = arith.mulf %parallel_loop3A_344, %parallel_loop3A_352 : vector<16xf32>
      %parallel_loop3A_354 = arith.constant 5.000000e-01 : f32
      %parallel_loop3A_355 = vector.broadcast %parallel_loop3A_354 : f32 to vector<16xf32>
      %parallel_loop3A_356 = arith.mulf %parallel_loop3A_355, %parallel_loop3A_336 : vector<16xf32>
      %parallel_loop3A_357 = arith.mulf %parallel_loop3A_356, %parallel_loop3A_353 : vector<16xf32>
      %parallel_loop3A_358 = arith.mulf %parallel_loop3A_357, %parallel_loop3A_353 : vector<16xf32>
      %parallel_loop3A_359 = arith.constant 1.500000e+00 : f32
      %parallel_loop3A_360 = vector.broadcast %parallel_loop3A_359 : f32 to vector<16xf32>
      %parallel_loop3A_361 = arith.subf %parallel_loop3A_360, %parallel_loop3A_358 : vector<16xf32>
      %parallel_loop3A_362 = arith.mulf %parallel_loop3A_353, %parallel_loop3A_361 : vector<16xf32>
      %parallel_loop3A_363 = arith.mulf %parallel_loop3A_336, %parallel_loop3A_362 : vector<16xf32>
      %parallel_loop3A_364 = arith.addf %parallel_loop3A_307, %parallel_loop3A_363 : vector<16xf32>
      %parallel_loop3A_365 = arith.constant true
      %parallel_loop3A_366 = vector.broadcast %parallel_loop3A_365 : i1 to vector<16xi1>
      %parallel_loop3A_367 = tpu.scan <sum>, %parallel_loop3A_364 masked %parallel_loop3A_366 : vector<16xf32>, vector<16xi1> -> vector<16xf32>
      %parallel_loop3A_368 = arith.constant 9.000000e+00 : f32
      %parallel_loop3A_369 = vector.broadcast %parallel_loop3A_368 : f32 to vector<16xf32>
      %parallel_loop3A_370 = arith.subf %parallel_loop3A_369, %parallel_loop3A_367 : vector<16xf32>
      %parallel_loop3A_371 = arith.constant 256 : i32
      %parallel_loop3A_372 = arith.addi %parallel_loop3A_371, %parallel_loop3A_134 : i32
      %parallel_loop3A_373 = vector.broadcast %parallel_loop3A_372 : i32 to vector<16xi32>
      tpu.vector_store_idx %arg17[%parallel_loop3A_373], %parallel_loop3A_370 masked %eq3A_4 : memref<512xf32, #tpu.memory_space<vmem>>[vector<16xi32>], vector<16xf32>, vector<16xi1>
    } {sc.loop_unroll_factor = 2 : i64, sc.parallel_access}
    %dma_wait3A_116 = arith.constant 384 : i32
    %dma_wait3A_117 = tpu.memref_slice %arg8[%dma_wait3A_116] : memref<512xi32, #tpu.memory_space<vmem>> -> memref<128xi32, #tpu.memory_space<vmem>>
    %dma_wait3A_118 = arith.constant 0 : i32
    %dma_wait3A_119 = arith.constant 0 : i32
    %dma_wait3A_120 = tpu.memref_slice %arg5[%dma_wait3A_118, %dma_wait3A_119] : memref<1000000x128xf32, #tpu.memory_space<hbm>> -> memref<1000000x128xf32, #tpu.memory_space<hbm>>
    tpu.wait_indirect_dma semaphore(%arg19 : memref<!tpu.dma_semaphore, #tpu.memory_space<semaphore_mem>>) src(%dma_wait3A_120 : memref<1000000x128xf32, #tpu.memory_space<hbm>>) dst(%arg12 : memref<128x128xf32, #tpu.memory_space<vmem>>)
    %dma_wait3A_121 = arith.constant 384 : i32
    %dma_wait3A_122 = tpu.memref_slice %arg9[%dma_wait3A_121] : memref<512xi32, #tpu.memory_space<vmem>> -> memref<128xi32, #tpu.memory_space<vmem>>
    %dma_wait3A_123 = arith.constant 0 : i32
    %dma_wait3A_124 = arith.constant 0 : i32
    %dma_wait3A_125 = tpu.memref_slice %arg6[%dma_wait3A_123, %dma_wait3A_124] : memref<1000x128xf32, #tpu.memory_space<hbm>> -> memref<1000x128xf32, #tpu.memory_space<hbm>>
    tpu.wait_indirect_dma semaphore(%arg19 : memref<!tpu.dma_semaphore, #tpu.memory_space<semaphore_mem>>) src(%dma_wait3A_125 : memref<1000x128xf32, #tpu.memory_space<hbm>>) dst(%arg14 : memref<128x128xf32, #tpu.memory_space<vmem>>)
    %dma_wait3A_126 = arith.constant 384 : i32
    %dma_wait3A_127 = tpu.memref_slice %arg10[%dma_wait3A_126] : memref<512xi32, #tpu.memory_space<vmem>> -> memref<128xi32, #tpu.memory_space<vmem>>
    %dma_wait3A_128 = arith.constant 0 : i32
    %dma_wait3A_129 = arith.constant 0 : i32
    %dma_wait3A_130 = tpu.memref_slice %arg5[%dma_wait3A_128, %dma_wait3A_129] : memref<1000000x128xf32, #tpu.memory_space<hbm>> -> memref<1000000x128xf32, #tpu.memory_space<hbm>>
    tpu.wait_indirect_dma semaphore(%arg19 : memref<!tpu.dma_semaphore, #tpu.memory_space<semaphore_mem>>) src(%dma_wait3A_130 : memref<1000000x128xf32, #tpu.memory_space<hbm>>) dst(%arg16 : memref<128x128xf32, #tpu.memory_space<vmem>>)
    %parallel_loop3A_131 = arith.constant 0 : i32
    %parallel_loop3A_132 = arith.constant 128 : i32
    %parallel_loop3A_133 = arith.constant 1 : i32
    scf.for %parallel_loop3A_134 = %parallel_loop3A_131 to %parallel_loop3A_132 step %parallel_loop3A_133  : i32 {
      %parallel_loop3A_135 = arith.constant 0.000000e+00 : f32
      %parallel_loop3A_136 = vector.broadcast %parallel_loop3A_135 : f32 to vector<16xf32>
      %parallel_loop3A_137 = arith.index_cast %parallel_loop3A_134 : i32 to index
      %parallel_loop3A_138 = arith.constant 0 : index
      %parallel_loop3A_139 = tpu.vector_load %arg12[%parallel_loop3A_137, %parallel_loop3A_138] {strides = array<i32>} : memref<128x128xf32, #tpu.memory_space<vmem>>, vector<16xf32>,
      %parallel_loop3A_140 = arith.index_cast %parallel_loop3A_134 : i32 to index
      %parallel_loop3A_141 = arith.constant 64 : index
      %parallel_loop3A_142 = tpu.vector_load %arg12[%parallel_loop3A_140, %parallel_loop3A_141] {strides = array<i32>} : memref<128x128xf32, #tpu.memory_space<vmem>>, vector<16xf32>,
      %parallel_loop3A_143 = arith.index_cast %parallel_loop3A_134 : i32 to index
      %parallel_loop3A_144 = arith.constant 0 : index
      %parallel_loop3A_145 = tpu.vector_load %arg16[%parallel_loop3A_143, %parallel_loop3A_144] {strides = array<i32>} : memref<128x128xf32, #tpu.memory_space<vmem>>, vector<16xf32>,
      %parallel_loop3A_146 = arith.index_cast %parallel_loop3A_134 : i32 to index
      %parallel_loop3A_147 = arith.constant 64 : index
      %parallel_loop3A_148 = tpu.vector_load %arg16[%parallel_loop3A_146, %parallel_loop3A_147] {strides = array<i32>} : memref<128x128xf32, #tpu.memory_space<vmem>>, vector<16xf32>,
      %parallel_loop3A_149 = arith.index_cast %parallel_loop3A_134 : i32 to index
      %parallel_loop3A_150 = arith.constant 0 : index
      %parallel_loop3A_151 = tpu.vector_load %arg14[%parallel_loop3A_149, %parallel_loop3A_150] {strides = array<i32>} : memref<128x128xf32, #tpu.memory_space<vmem>>, vector<16xf32>,
      %parallel_loop3A_152 = arith.index_cast %parallel_loop3A_134 : i32 to index
      %parallel_loop3A_153 = arith.constant 64 : index
      %parallel_loop3A_154 = tpu.vector_load %arg14[%parallel_loop3A_152, %parallel_loop3A_153] {strides = array<i32>} : memref<128x128xf32, #tpu.memory_space<vmem>>, vector<16xf32>,
      %parallel_loop3A_155 = arith.mulf %parallel_loop3A_139, %parallel_loop3A_151 : vector<16xf32>
      %parallel_loop3A_156 = arith.mulf %parallel_loop3A_142, %parallel_loop3A_154 : vector<16xf32>
      %parallel_loop3A_157 = arith.subf %parallel_loop3A_155, %parallel_loop3A_156 : vector<16xf32>
      %parallel_loop3A_158 = arith.subf %parallel_loop3A_157, %parallel_loop3A_145 : vector<16xf32>
      %parallel_loop3A_159 = arith.mulf %parallel_loop3A_139, %parallel_loop3A_154 : vector<16xf32>
      %parallel_loop3A_160 = arith.mulf %parallel_loop3A_142, %parallel_loop3A_151 : vector<16xf32>
      %parallel_loop3A_161 = arith.addf %parallel_loop3A_159, %parallel_loop3A_160 : vector<16xf32>
      %parallel_loop3A_162 = arith.subf %parallel_loop3A_161, %parallel_loop3A_148 : vector<16xf32>
      %parallel_loop3A_163 = arith.mulf %parallel_loop3A_158, %parallel_loop3A_158 : vector<16xf32>
      %parallel_loop3A_164 = arith.mulf %parallel_loop3A_162, %parallel_loop3A_162 : vector<16xf32>
      %parallel_loop3A_165 = arith.addf %parallel_loop3A_163, %parallel_loop3A_164 : vector<16xf32>
      %parallel_loop3A_166 = tpu.bitcast %parallel_loop3A_165 : vector<16xf32> -> vector<16xi32>
      %parallel_loop3A_167 = arith.constant 1 : i32
      %parallel_loop3A_168 = vector.broadcast %parallel_loop3A_167 : i32 to vector<16xi32>
      %parallel_loop3A_169 = arith.shrui %parallel_loop3A_166, %parallel_loop3A_168 : vector<16xi32>
      %parallel_loop3A_170 = arith.constant 1597463007 : i32
      %parallel_loop3A_171 = vector.broadcast %parallel_loop3A_170 : i32 to vector<16xi32>
      %parallel_loop3A_172 = arith.subi %parallel_loop3A_171, %parallel_loop3A_169 : vector<16xi32>
      %parallel_loop3A_173 = tpu.bitcast %parallel_loop3A_172 : vector<16xi32> -> vector<16xf32>
      %parallel_loop3A_174 = arith.constant 5.000000e-01 : f32
      %parallel_loop3A_175 = vector.broadcast %parallel_loop3A_174 : f32 to vector<16xf32>
      %parallel_loop3A_176 = arith.mulf %parallel_loop3A_175, %parallel_loop3A_165 : vector<16xf32>
      %parallel_loop3A_177 = arith.mulf %parallel_loop3A_176, %parallel_loop3A_173 : vector<16xf32>
      %parallel_loop3A_178 = arith.mulf %parallel_loop3A_177, %parallel_loop3A_173 : vector<16xf32>
      %parallel_loop3A_179 = arith.constant 1.500000e+00 : f32
      %parallel_loop3A_180 = vector.broadcast %parallel_loop3A_179 : f32 to vector<16xf32>
      %parallel_loop3A_181 = arith.subf %parallel_loop3A_180, %parallel_loop3A_178 : vector<16xf32>
      %parallel_loop3A_182 = arith.mulf %parallel_loop3A_173, %parallel_loop3A_181 : vector<16xf32>
      %parallel_loop3A_183 = arith.constant 5.000000e-01 : f32
      %parallel_loop3A_184 = vector.broadcast %parallel_loop3A_183 : f32 to vector<16xf32>
      %parallel_loop3A_185 = arith.mulf %parallel_loop3A_184, %parallel_loop3A_165 : vector<16xf32>
      %parallel_loop3A_186 = arith.mulf %parallel_loop3A_185, %parallel_loop3A_182 : vector<16xf32>
      %parallel_loop3A_187 = arith.mulf %parallel_loop3A_186, %parallel_loop3A_182 : vector<16xf32>
      %parallel_loop3A_188 = arith.constant 1.500000e+00 : f32
      %parallel_loop3A_189 = vector.broadcast %parallel_loop3A_188 : f32 to vector<16xf32>
      %parallel_loop3A_190 = arith.subf %parallel_loop3A_189, %parallel_loop3A_187 : vector<16xf32>
      %parallel_loop3A_191 = arith.mulf %parallel_loop3A_182, %parallel_loop3A_190 : vector<16xf32>
      %parallel_loop3A_192 = arith.mulf %parallel_loop3A_165, %parallel_loop3A_191 : vector<16xf32>
      %parallel_loop3A_193 = arith.addf %parallel_loop3A_136, %parallel_loop3A_192 : vector<16xf32>
      %parallel_loop3A_194 = arith.index_cast %parallel_loop3A_134 : i32 to index
      %parallel_loop3A_195 = arith.constant 16 : index
      %parallel_loop3A_196 = tpu.vector_load %arg12[%parallel_loop3A_194, %parallel_loop3A_195] {strides = array<i32>} : memref<128x128xf32, #tpu.memory_space<vmem>>, vector<16xf32>,
      %parallel_loop3A_197 = arith.index_cast %parallel_loop3A_134 : i32 to index
      %parallel_loop3A_198 = arith.constant 80 : index
      %parallel_loop3A_199 = tpu.vector_load %arg12[%parallel_loop3A_197, %parallel_loop3A_198] {strides = array<i32>} : memref<128x128xf32, #tpu.memory_space<vmem>>, vector<16xf32>,
      %parallel_loop3A_200 = arith.index_cast %parallel_loop3A_134 : i32 to index
      %parallel_loop3A_201 = arith.constant 16 : index
      %parallel_loop3A_202 = tpu.vector_load %arg16[%parallel_loop3A_200, %parallel_loop3A_201] {strides = array<i32>} : memref<128x128xf32, #tpu.memory_space<vmem>>, vector<16xf32>,
      %parallel_loop3A_203 = arith.index_cast %parallel_loop3A_134 : i32 to index
      %parallel_loop3A_204 = arith.constant 80 : index
      %parallel_loop3A_205 = tpu.vector_load %arg16[%parallel_loop3A_203, %parallel_loop3A_204] {strides = array<i32>} : memref<128x128xf32, #tpu.memory_space<vmem>>, vector<16xf32>,
      %parallel_loop3A_206 = arith.index_cast %parallel_loop3A_134 : i32 to index
      %parallel_loop3A_207 = arith.constant 16 : index
      %parallel_loop3A_208 = tpu.vector_load %arg14[%parallel_loop3A_206, %parallel_loop3A_207] {strides = array<i32>} : memref<128x128xf32, #tpu.memory_space<vmem>>, vector<16xf32>,
      %parallel_loop3A_209 = arith.index_cast %parallel_loop3A_134 : i32 to index
      %parallel_loop3A_210 = arith.constant 80 : index
      %parallel_loop3A_211 = tpu.vector_load %arg14[%parallel_loop3A_209, %parallel_loop3A_210] {strides = array<i32>} : memref<128x128xf32, #tpu.memory_space<vmem>>, vector<16xf32>,
      %parallel_loop3A_212 = arith.mulf %parallel_loop3A_196, %parallel_loop3A_208 : vector<16xf32>
      %parallel_loop3A_213 = arith.mulf %parallel_loop3A_199, %parallel_loop3A_211 : vector<16xf32>
      %parallel_loop3A_214 = arith.subf %parallel_loop3A_212, %parallel_loop3A_213 : vector<16xf32>
      %parallel_loop3A_215 = arith.subf %parallel_loop3A_214, %parallel_loop3A_202 : vector<16xf32>
      %parallel_loop3A_216 = arith.mulf %parallel_loop3A_196, %parallel_loop3A_211 : vector<16xf32>
      %parallel_loop3A_217 = arith.mulf %parallel_loop3A_199, %parallel_loop3A_208 : vector<16xf32>
      %parallel_loop3A_218 = arith.addf %parallel_loop3A_216, %parallel_loop3A_217 : vector<16xf32>
      %parallel_loop3A_219 = arith.subf %parallel_loop3A_218, %parallel_loop3A_205 : vector<16xf32>
      %parallel_loop3A_220 = arith.mulf %parallel_loop3A_215, %parallel_loop3A_215 : vector<16xf32>
      %parallel_loop3A_221 = arith.mulf %parallel_loop3A_219, %parallel_loop3A_219 : vector<16xf32>
      %parallel_loop3A_222 = arith.addf %parallel_loop3A_220, %parallel_loop3A_221 : vector<16xf32>
      %parallel_loop3A_223 = tpu.bitcast %parallel_loop3A_222 : vector<16xf32> -> vector<16xi32>
      %parallel_loop3A_224 = arith.constant 1 : i32
      %parallel_loop3A_225 = vector.broadcast %parallel_loop3A_224 : i32 to vector<16xi32>
      %parallel_loop3A_226 = arith.shrui %parallel_loop3A_223, %parallel_loop3A_225 : vector<16xi32>
      %parallel_loop3A_227 = arith.constant 1597463007 : i32
      %parallel_loop3A_228 = vector.broadcast %parallel_loop3A_227 : i32 to vector<16xi32>
      %parallel_loop3A_229 = arith.subi %parallel_loop3A_228, %parallel_loop3A_226 : vector<16xi32>
      %parallel_loop3A_230 = tpu.bitcast %parallel_loop3A_229 : vector<16xi32> -> vector<16xf32>
      %parallel_loop3A_231 = arith.constant 5.000000e-01 : f32
      %parallel_loop3A_232 = vector.broadcast %parallel_loop3A_231 : f32 to vector<16xf32>
      %parallel_loop3A_233 = arith.mulf %parallel_loop3A_232, %parallel_loop3A_222 : vector<16xf32>
      %parallel_loop3A_234 = arith.mulf %parallel_loop3A_233, %parallel_loop3A_230 : vector<16xf32>
      %parallel_loop3A_235 = arith.mulf %parallel_loop3A_234, %parallel_loop3A_230 : vector<16xf32>
      %parallel_loop3A_236 = arith.constant 1.500000e+00 : f32
      %parallel_loop3A_237 = vector.broadcast %parallel_loop3A_236 : f32 to vector<16xf32>
      %parallel_loop3A_238 = arith.subf %parallel_loop3A_237, %parallel_loop3A_235 : vector<16xf32>
      %parallel_loop3A_239 = arith.mulf %parallel_loop3A_230, %parallel_loop3A_238 : vector<16xf32>
      %parallel_loop3A_240 = arith.constant 5.000000e-01 : f32
      %parallel_loop3A_241 = vector.broadcast %parallel_loop3A_240 : f32 to vector<16xf32>
      %parallel_loop3A_242 = arith.mulf %parallel_loop3A_241, %parallel_loop3A_222 : vector<16xf32>
      %parallel_loop3A_243 = arith.mulf %parallel_loop3A_242, %parallel_loop3A_239 : vector<16xf32>
      %parallel_loop3A_244 = arith.mulf %parallel_loop3A_243, %parallel_loop3A_239 : vector<16xf32>
      %parallel_loop3A_245 = arith.constant 1.500000e+00 : f32
      %parallel_loop3A_246 = vector.broadcast %parallel_loop3A_245 : f32 to vector<16xf32>
      %parallel_loop3A_247 = arith.subf %parallel_loop3A_246, %parallel_loop3A_244 : vector<16xf32>
      %parallel_loop3A_248 = arith.mulf %parallel_loop3A_239, %parallel_loop3A_247 : vector<16xf32>
      %parallel_loop3A_249 = arith.mulf %parallel_loop3A_222, %parallel_loop3A_248 : vector<16xf32>
      %parallel_loop3A_250 = arith.addf %parallel_loop3A_193, %parallel_loop3A_249 : vector<16xf32>
      %parallel_loop3A_251 = arith.index_cast %parallel_loop3A_134 : i32 to index
      %parallel_loop3A_252 = arith.constant 32 : index
      %parallel_loop3A_253 = tpu.vector_load %arg12[%parallel_loop3A_251, %parallel_loop3A_252] {strides = array<i32>} : memref<128x128xf32, #tpu.memory_space<vmem>>, vector<16xf32>,
      %parallel_loop3A_254 = arith.index_cast %parallel_loop3A_134 : i32 to index
      %parallel_loop3A_255 = arith.constant 96 : index
      %parallel_loop3A_256 = tpu.vector_load %arg12[%parallel_loop3A_254, %parallel_loop3A_255] {strides = array<i32>} : memref<128x128xf32, #tpu.memory_space<vmem>>, vector<16xf32>,
      %parallel_loop3A_257 = arith.index_cast %parallel_loop3A_134 : i32 to index
      %parallel_loop3A_258 = arith.constant 32 : index
      %parallel_loop3A_259 = tpu.vector_load %arg16[%parallel_loop3A_257, %parallel_loop3A_258] {strides = array<i32>} : memref<128x128xf32, #tpu.memory_space<vmem>>, vector<16xf32>,
      %parallel_loop3A_260 = arith.index_cast %parallel_loop3A_134 : i32 to index
      %parallel_loop3A_261 = arith.constant 96 : index
      %parallel_loop3A_262 = tpu.vector_load %arg16[%parallel_loop3A_260, %parallel_loop3A_261] {strides = array<i32>} : memref<128x128xf32, #tpu.memory_space<vmem>>, vector<16xf32>,
      %parallel_loop3A_263 = arith.index_cast %parallel_loop3A_134 : i32 to index
      %parallel_loop3A_264 = arith.constant 32 : index
      %parallel_loop3A_265 = tpu.vector_load %arg14[%parallel_loop3A_263, %parallel_loop3A_264] {strides = array<i32>} : memref<128x128xf32, #tpu.memory_space<vmem>>, vector<16xf32>,
      %parallel_loop3A_266 = arith.index_cast %parallel_loop3A_134 : i32 to index
      %parallel_loop3A_267 = arith.constant 96 : index
      %parallel_loop3A_268 = tpu.vector_load %arg14[%parallel_loop3A_266, %parallel_loop3A_267] {strides = array<i32>} : memref<128x128xf32, #tpu.memory_space<vmem>>, vector<16xf32>,
      %parallel_loop3A_269 = arith.mulf %parallel_loop3A_253, %parallel_loop3A_265 : vector<16xf32>
      %parallel_loop3A_270 = arith.mulf %parallel_loop3A_256, %parallel_loop3A_268 : vector<16xf32>
      %parallel_loop3A_271 = arith.subf %parallel_loop3A_269, %parallel_loop3A_270 : vector<16xf32>
      %parallel_loop3A_272 = arith.subf %parallel_loop3A_271, %parallel_loop3A_259 : vector<16xf32>
      %parallel_loop3A_273 = arith.mulf %parallel_loop3A_253, %parallel_loop3A_268 : vector<16xf32>
      %parallel_loop3A_274 = arith.mulf %parallel_loop3A_256, %parallel_loop3A_265 : vector<16xf32>
      %parallel_loop3A_275 = arith.addf %parallel_loop3A_273, %parallel_loop3A_274 : vector<16xf32>
      %parallel_loop3A_276 = arith.subf %parallel_loop3A_275, %parallel_loop3A_262 : vector<16xf32>
      %parallel_loop3A_277 = arith.mulf %parallel_loop3A_272, %parallel_loop3A_272 : vector<16xf32>
      %parallel_loop3A_278 = arith.mulf %parallel_loop3A_276, %parallel_loop3A_276 : vector<16xf32>
      %parallel_loop3A_279 = arith.addf %parallel_loop3A_277, %parallel_loop3A_278 : vector<16xf32>
      %parallel_loop3A_280 = tpu.bitcast %parallel_loop3A_279 : vector<16xf32> -> vector<16xi32>
      %parallel_loop3A_281 = arith.constant 1 : i32
      %parallel_loop3A_282 = vector.broadcast %parallel_loop3A_281 : i32 to vector<16xi32>
      %parallel_loop3A_283 = arith.shrui %parallel_loop3A_280, %parallel_loop3A_282 : vector<16xi32>
      %parallel_loop3A_284 = arith.constant 1597463007 : i32
      %parallel_loop3A_285 = vector.broadcast %parallel_loop3A_284 : i32 to vector<16xi32>
      %parallel_loop3A_286 = arith.subi %parallel_loop3A_285, %parallel_loop3A_283 : vector<16xi32>
      %parallel_loop3A_287 = tpu.bitcast %parallel_loop3A_286 : vector<16xi32> -> vector<16xf32>
      %parallel_loop3A_288 = arith.constant 5.000000e-01 : f32
      %parallel_loop3A_289 = vector.broadcast %parallel_loop3A_288 : f32 to vector<16xf32>
      %parallel_loop3A_290 = arith.mulf %parallel_loop3A_289, %parallel_loop3A_279 : vector<16xf32>
      %parallel_loop3A_291 = arith.mulf %parallel_loop3A_290, %parallel_loop3A_287 : vector<16xf32>
      %parallel_loop3A_292 = arith.mulf %parallel_loop3A_291, %parallel_loop3A_287 : vector<16xf32>
      %parallel_loop3A_293 = arith.constant 1.500000e+00 : f32
      %parallel_loop3A_294 = vector.broadcast %parallel_loop3A_293 : f32 to vector<16xf32>
      %parallel_loop3A_295 = arith.subf %parallel_loop3A_294, %parallel_loop3A_292 : vector<16xf32>
      %parallel_loop3A_296 = arith.mulf %parallel_loop3A_287, %parallel_loop3A_295 : vector<16xf32>
      %parallel_loop3A_297 = arith.constant 5.000000e-01 : f32
      %parallel_loop3A_298 = vector.broadcast %parallel_loop3A_297 : f32 to vector<16xf32>
      %parallel_loop3A_299 = arith.mulf %parallel_loop3A_298, %parallel_loop3A_279 : vector<16xf32>
      %parallel_loop3A_300 = arith.mulf %parallel_loop3A_299, %parallel_loop3A_296 : vector<16xf32>
      %parallel_loop3A_301 = arith.mulf %parallel_loop3A_300, %parallel_loop3A_296 : vector<16xf32>
      %parallel_loop3A_302 = arith.constant 1.500000e+00 : f32
      %parallel_loop3A_303 = vector.broadcast %parallel_loop3A_302 : f32 to vector<16xf32>
      %parallel_loop3A_304 = arith.subf %parallel_loop3A_303, %parallel_loop3A_301 : vector<16xf32>
      %parallel_loop3A_305 = arith.mulf %parallel_loop3A_296, %parallel_loop3A_304 : vector<16xf32>
      %parallel_loop3A_306 = arith.mulf %parallel_loop3A_279, %parallel_loop3A_305 : vector<16xf32>
      %parallel_loop3A_307 = arith.addf %parallel_loop3A_250, %parallel_loop3A_306 : vector<16xf32>
      %parallel_loop3A_308 = arith.index_cast %parallel_loop3A_134 : i32 to index
      %parallel_loop3A_309 = arith.constant 48 : index
      %parallel_loop3A_310 = tpu.vector_load %arg12[%parallel_loop3A_308, %parallel_loop3A_309] {strides = array<i32>} : memref<128x128xf32, #tpu.memory_space<vmem>>, vector<16xf32>,
      %parallel_loop3A_311 = arith.index_cast %parallel_loop3A_134 : i32 to index
      %parallel_loop3A_312 = arith.constant 112 : index
      %parallel_loop3A_313 = tpu.vector_load %arg12[%parallel_loop3A_311, %parallel_loop3A_312] {strides = array<i32>} : memref<128x128xf32, #tpu.memory_space<vmem>>, vector<16xf32>,
      %parallel_loop3A_314 = arith.index_cast %parallel_loop3A_134 : i32 to index
      %parallel_loop3A_315 = arith.constant 48 : index
      %parallel_loop3A_316 = tpu.vector_load %arg16[%parallel_loop3A_314, %parallel_loop3A_315] {strides = array<i32>} : memref<128x128xf32, #tpu.memory_space<vmem>>, vector<16xf32>,
      %parallel_loop3A_317 = arith.index_cast %parallel_loop3A_134 : i32 to index
      %parallel_loop3A_318 = arith.constant 112 : index
      %parallel_loop3A_319 = tpu.vector_load %arg16[%parallel_loop3A_317, %parallel_loop3A_318] {strides = array<i32>} : memref<128x128xf32, #tpu.memory_space<vmem>>, vector<16xf32>,
      %parallel_loop3A_320 = arith.index_cast %parallel_loop3A_134 : i32 to index
      %parallel_loop3A_321 = arith.constant 48 : index
      %parallel_loop3A_322 = tpu.vector_load %arg14[%parallel_loop3A_320, %parallel_loop3A_321] {strides = array<i32>} : memref<128x128xf32, #tpu.memory_space<vmem>>, vector<16xf32>,
      %parallel_loop3A_323 = arith.index_cast %parallel_loop3A_134 : i32 to index
      %parallel_loop3A_324 = arith.constant 112 : index
      %parallel_loop3A_325 = tpu.vector_load %arg14[%parallel_loop3A_323, %parallel_loop3A_324] {strides = array<i32>} : memref<128x128xf32, #tpu.memory_space<vmem>>, vector<16xf32>,
      %parallel_loop3A_326 = arith.mulf %parallel_loop3A_310, %parallel_loop3A_322 : vector<16xf32>
      %parallel_loop3A_327 = arith.mulf %parallel_loop3A_313, %parallel_loop3A_325 : vector<16xf32>
      %parallel_loop3A_328 = arith.subf %parallel_loop3A_326, %parallel_loop3A_327 : vector<16xf32>
      %parallel_loop3A_329 = arith.subf %parallel_loop3A_328, %parallel_loop3A_316 : vector<16xf32>
      %parallel_loop3A_330 = arith.mulf %parallel_loop3A_310, %parallel_loop3A_325 : vector<16xf32>
      %parallel_loop3A_331 = arith.mulf %parallel_loop3A_313, %parallel_loop3A_322 : vector<16xf32>
      %parallel_loop3A_332 = arith.addf %parallel_loop3A_330, %parallel_loop3A_331 : vector<16xf32>
      %parallel_loop3A_333 = arith.subf %parallel_loop3A_332, %parallel_loop3A_319 : vector<16xf32>
      %parallel_loop3A_334 = arith.mulf %parallel_loop3A_329, %parallel_loop3A_329 : vector<16xf32>
      %parallel_loop3A_335 = arith.mulf %parallel_loop3A_333, %parallel_loop3A_333 : vector<16xf32>
      %parallel_loop3A_336 = arith.addf %parallel_loop3A_334, %parallel_loop3A_335 : vector<16xf32>
      %parallel_loop3A_337 = tpu.bitcast %parallel_loop3A_336 : vector<16xf32> -> vector<16xi32>
      %parallel_loop3A_338 = arith.constant 1 : i32
      %parallel_loop3A_339 = vector.broadcast %parallel_loop3A_338 : i32 to vector<16xi32>
      %parallel_loop3A_340 = arith.shrui %parallel_loop3A_337, %parallel_loop3A_339 : vector<16xi32>
      %parallel_loop3A_341 = arith.constant 1597463007 : i32
      %parallel_loop3A_342 = vector.broadcast %parallel_loop3A_341 : i32 to vector<16xi32>
      %parallel_loop3A_343 = arith.subi %parallel_loop3A_342, %parallel_loop3A_340 : vector<16xi32>
      %parallel_loop3A_344 = tpu.bitcast %parallel_loop3A_343 : vector<16xi32> -> vector<16xf32>
      %parallel_loop3A_345 = arith.constant 5.000000e-01 : f32
      %parallel_loop3A_346 = vector.broadcast %parallel_loop3A_345 : f32 to vector<16xf32>
      %parallel_loop3A_347 = arith.mulf %parallel_loop3A_346, %parallel_loop3A_336 : vector<16xf32>
      %parallel_loop3A_348 = arith.mulf %parallel_loop3A_347, %parallel_loop3A_344 : vector<16xf32>
      %parallel_loop3A_349 = arith.mulf %parallel_loop3A_348, %parallel_loop3A_344 : vector<16xf32>
      %parallel_loop3A_350 = arith.constant 1.500000e+00 : f32
      %parallel_loop3A_351 = vector.broadcast %parallel_loop3A_350 : f32 to vector<16xf32>
      %parallel_loop3A_352 = arith.subf %parallel_loop3A_351, %parallel_loop3A_349 : vector<16xf32>
      %parallel_loop3A_353 = arith.mulf %parallel_loop3A_344, %parallel_loop3A_352 : vector<16xf32>
      %parallel_loop3A_354 = arith.constant 5.000000e-01 : f32
      %parallel_loop3A_355 = vector.broadcast %parallel_loop3A_354 : f32 to vector<16xf32>
      %parallel_loop3A_356 = arith.mulf %parallel_loop3A_355, %parallel_loop3A_336 : vector<16xf32>
      %parallel_loop3A_357 = arith.mulf %parallel_loop3A_356, %parallel_loop3A_353 : vector<16xf32>
      %parallel_loop3A_358 = arith.mulf %parallel_loop3A_357, %parallel_loop3A_353 : vector<16xf32>
      %parallel_loop3A_359 = arith.constant 1.500000e+00 : f32
      %parallel_loop3A_360 = vector.broadcast %parallel_loop3A_359 : f32 to vector<16xf32>
      %parallel_loop3A_361 = arith.subf %parallel_loop3A_360, %parallel_loop3A_358 : vector<16xf32>
      %parallel_loop3A_362 = arith.mulf %parallel_loop3A_353, %parallel_loop3A_361 : vector<16xf32>
      %parallel_loop3A_363 = arith.mulf %parallel_loop3A_336, %parallel_loop3A_362 : vector<16xf32>
      %parallel_loop3A_364 = arith.addf %parallel_loop3A_307, %parallel_loop3A_363 : vector<16xf32>
      %parallel_loop3A_365 = arith.constant true
      %parallel_loop3A_366 = vector.broadcast %parallel_loop3A_365 : i1 to vector<16xi1>
      %parallel_loop3A_367 = tpu.scan <sum>, %parallel_loop3A_364 masked %parallel_loop3A_366 : vector<16xf32>, vector<16xi1> -> vector<16xf32>
      %parallel_loop3A_368 = arith.constant 9.000000e+00 : f32
      %parallel_loop3A_369 = vector.broadcast %parallel_loop3A_368 : f32 to vector<16xf32>
      %parallel_loop3A_370 = arith.subf %parallel_loop3A_369, %parallel_loop3A_367 : vector<16xf32>
      %parallel_loop3A_371 = arith.constant 384 : i32
      %parallel_loop3A_372 = arith.addi %parallel_loop3A_371, %parallel_loop3A_134 : i32
      %parallel_loop3A_373 = vector.broadcast %parallel_loop3A_372 : i32 to vector<16xi32>
      tpu.vector_store_idx %arg17[%parallel_loop3A_373], %parallel_loop3A_370 masked %eq3A_4 : memref<512xf32, #tpu.memory_space<vmem>>[vector<16xi32>], vector<16xf32>, vector<16xi1>
    } {sc.loop_unroll_factor = 2 : i64, sc.parallel_access}
    "tpu.region"() ({
      %run_scoped3A = tpu.sem_alloc : memref<!tpu.dma_semaphore, #tpu.memory_space<semaphore_mem>>
      %dma_start3A_134 = tpu.memref_slice %arg7[%mul3A_2] : memref<16384xf32, #tpu.memory_space<hbm>> -> memref<512xf32, #tpu.memory_space<hbm>>
      %dma_start3A_135 = tpu.memref_slice %arg7[%mul3A_2] : memref<16384xf32, #tpu.memory_space<hbm>> -> memref<512xf32, #tpu.memory_space<hbm>>
      tpu.enqueue_dma source(%arg17 : memref<512xf32, #tpu.memory_space<vmem>>) target(%dma_start3A_135 : memref<512xf32, #tpu.memory_space<hbm>>) target_semaphore(%run_scoped3A : memref<!tpu.dma_semaphore, #tpu.memory_space<semaphore_mem>>)
      %dma_wait3A_136 = tpu.memref_slice %arg7[%mul3A_2] : memref<16384xf32, #tpu.memory_space<hbm>> -> memref<512xf32, #tpu.memory_space<hbm>>
      %dma_wait3A_137 = tpu.memref_slice %arg7[%mul3A_2] : memref<16384xf32, #tpu.memory_space<hbm>> -> memref<512xf32, #tpu.memory_space<hbm>>
      tpu.wait_dma2 semaphore(%run_scoped3A : memref<!tpu.dma_semaphore, #tpu.memory_space<semaphore_mem>>) src(%arg17 : memref<512xf32, #tpu.memory_space<vmem>>) dst(%dma_wait3A_137 : memref<512xf32, #tpu.memory_space<hbm>>)
      tpu.yield
    }) : () -> ()
    return
  }
}

module attributes {stable_mosaic.version = 14 : i64} {
  func.func @_trig_body(%arg0: memref<1000x64xf32, #tpu.memory_space<vmem>>, %arg1: memref<1000x128xf32, #tpu.memory_space<vmem>>) attributes {dimension_semantics = [], scalar_prefetch = 0 : i64, scratch_operands = 0 : i64, tpu.core_type = #tpu.core_type<tc>} {
    %get3A = arith.constant 0 : index
    %get3A_0 = arith.constant 0 : index
    %get3A_1 = vector.load %arg0[%get3A, %get3A_0] : memref<1000x64xf32, #tpu.memory_space<vmem>>, vector<1000x64xf32>
    %mul3A = arith.constant 18.2783566 : f32
    %mul3A_2 = vector.broadcast %mul3A : f32 to vector<1000x64xf32>
    %mul3A_3 = arith.mulf %get3A_1, %mul3A_2 : vector<1000x64xf32>
    %cos3A = math.cos %mul3A_3 : vector<1000x64xf32>
    %swap3A = arith.constant 0 : index
    %swap3A_4 = arith.constant 0 : index
    %swap3A_5 = vector.load %arg1[%swap3A, %swap3A_4] : memref<1000x128xf32, #tpu.memory_space<vmem>>, vector<1000x64xf32>
    tpu.vector_store %arg1[%swap3A, %swap3A_4], %cos3A {strides = array<i32>} : memref<1000x128xf32, #tpu.memory_space<vmem>>, vector<1000x64xf32>,
    %sin3A = math.sin %mul3A_3 : vector<1000x64xf32>
    %swap3A_6 = arith.constant 0 : index
    %swap3A_7 = arith.constant 64 : index
    %swap3A_8 = vector.load %arg1[%swap3A_6, %swap3A_7] : memref<1000x128xf32, #tpu.memory_space<vmem>>, vector<1000x64xf32>
    tpu.vector_store %arg1[%swap3A_6, %swap3A_7], %sin3A {strides = array<i32>} : memref<1000x128xf32, #tpu.memory_space<vmem>>, vector<1000x64xf32>,
    return
  }
}

</mosaic_0001>

<sc_bundles>
// kernel: kernel.4.cloned.1.call-start
scs
__scs_entry_jumppad:
0x0: {  	(pc) =	sbr.rel $0x88, $3  }
0x1: {  	(tag) =	ssettag $0x0;
	lr =	simm.s32 $0x1  }
0x2: {  	[smem:$0x3F9C] =	sst lr;
	_ =	strace $0xD0000000  }
0x3: {  	_ = 	snop  }
0x4: {  	_ = 	snop  }
0x5: {  	_ = 	snop  }
0x6: {  	_ = 	snop  }
0x7: {  	_ = 	snop  }
__scs_overlays_trampoline_lowered:
0x8: {  	[smem:$0x3FAB] =	sst s0  }
0x9: {  	[smem:$0x3FAC] =	sst s1  }
0xa: {  	[smem:$0x3FAD] =	sst s2  }
0xb: {  	[smem:$0x3FAE] =	sst s3  }
0xc: {  	[smem:$0x3FAF] =	sst s4  }
0xd: {  	[smem:$0x3FB0] =	sst s5  }
0xe: {  	[smem:$0x3FB1] =	sst s6  }
0xf: {  	[smem:$0x3FB2] =	sst s7  }
0x10: {  	[smem:$0x3FB3] =	sst s8  }
0x11: {  	[smem:$0x3FB4] =	sst s9;
	s0 =	simm.s32 @!p0 $0x0  }
0x12: {  	s1 =	sld [smem:$0x3F9A];
	s0 =	simm.s32 @p0 $0x1  }
0x13: {  	[smem:$0x3FB5] =	sst s0;
	s0 =	simm.s32 @!p1 $0x0  }
0x14: {  	s2 =	sld [smem:$0x3F99];
	s0 =	simm.s32 @p1 $0x1  }
0x15: {  	[smem:$0x3FB6] =	sst s0;
	s0 =	simm.s32 @!p2 $0x0  }
0x16: {  	s3 =	sld [smem:$0x3FDB];
	s0 =	simm.s32 @p2 $0x1  }
0x17: {  	s4 =	simm.s32 $0x1BF5;
	[smem:$0x3FB8] =	sst s0  }
0x18: {  	s0 =	sld [smem:$0x3F9B];
	_ =	swait.ge [sflag:s4], $0x0  }
0x19: {  	s7 =	sld [smem:$0x3F9C]  }
0x1a: {  	s8 =	sadd.s32 $0xFFFFE003, lr  }
0x1b: {  	s9 =	sadd.s32 $0xFFFFFEF7, lr;
	s5 =	simm.s32 $0xFFFFFFFF;
	p2 =	slt.u32 s8, $0xFFFFF086  }
0x1c: {  	p1 =	slt.u32 s9, $0xF7A;
	s5 =	simm.s32 @!p2 $0x0  }
0x1d: {  	s5 =	simm.s32 @p1 $0x1;
	p0 =	seq.s32 s7, s2  }
0x1e: {  	s7 =	smul.u32 @!p0 $0xF7A, s2;
	p2 =	seq.s32 @!p0 s5, $0x0  }
0x1f: {  	s9 =	smul.u32 $0xF7A, s1;
	s8 =	simm.s32 @!p0 $0x1BF5;
	p2 =	por !p2, p0  }
0x20: {  	[sflag:s8] =	ssyncset.s32 @!p0 $0xFFFFF086;
	s6 =	sadd.s32 @!p0 s3, s7;
	s7 =	simm.s32 @!p0 $0x108  }
0x21: {  	s3 =	sadd.s32 s3, s9;
	s6 =	sadd.s32 @!p0 $0x88, s6;
	s7 =	simm.s32 @p2 $0x1082  }
0x22: {  	[simem:s7], [sflag:s8] =	dma.local @!p0 [hbm:s6], $0xF7A  }
0x23: {  	s9 =	sor.u32 $0xD0000000, s2;
	s6 =	simm.s32 $0x108;
	_ =	swait.ge @!p0 [sflag:s8], $0x0  }
0x24: {  	s3 =	sadd.s32 $0x88, s3;
	s6 =	simm.s32 @!p1 $0x1082;
	[sflag:s4] =	ssyncset.s32 $0xFFFFF086  }
0x25: {  	[simem:s6], [sflag:s4] =	dma.local [hbm:s3], $0xF7A  }
0x26: {  	[smem:$0x3F9C] =	sst s1;
	(tag) =	ssettag s2;
	_ =	strace s9  }
0x27: {  	s1 =	sld [smem:$0x3FAC]  }
0x28: {  	s2 =	sld [smem:$0x3FAD]  }
0x29: {  	s4 =	sld [smem:$0x3FAF]  }
0x2a: {  	p0 =	seq.s32 s5, $0x0;
	s5 =	sld [smem:$0x3FB0]  }
0x2b: {  	s6 =	sld [smem:$0x3FB1]  }
0x2c: {  	s7 =	sld [smem:$0x3FB2]  }
0x2d: {  	s3 =	simm.s32 $0x108;
	s8 =	sld [smem:$0x3FB3]  }
0x2e: {  	s3 =	simm.s32 @!p0 $0x1082;
	s9 =	sld [smem:$0x3FB4]  }
0x2f: {  	lr =	sadd.s32 s0, s3;
	s0 =	sld [smem:$0x3FAB]  }
0x30: {  	s3 =	sld [smem:$0x3FAE]  }
0x31: {  	[smem:$0x3FB7] =	sst s10  }
0x32: {  	s10 =	sld [smem:$0x3FB5];
	_ =	sdelay $0x3  }
0x33: {  	p0 =	seq.s32 s10, $0x1;
	s10 =	sld [smem:$0x3FB7];
	_ =	sdelay $0x3  }
0x34: {  	[smem:$0x3FB7] =	sst s10  }
0x35: {  	s10 =	sld [smem:$0x3FB6];
	_ =	sdelay $0x3  }
0x36: {  	p1 =	seq.s32 s10, $0x1;
	s10 =	sld [smem:$0x3FB7];
	_ =	sdelay $0x3  }
0x37: {  	[smem:$0x3FB7] =	sst s10  }
0x38: {  	s10 =	sld [smem:$0x3FB8]  }
0x39: {  	_ = 	snop;
	(pc) =	sbr.ind lr, $3  }
0x3a: {  	_ = 	snop  }
0x3b: {  	_ = 	snop  }
0x3c: {  	p2 =	seq.s32 s10, $0x1;
	s10 =	sld [smem:$0x3FB7]  }
0x3d: {  	_ =	shalt  }
0x3e: {  	_ =	shalt  }
0x3f: {  	_ =	shalt  }
0x40: {  	_ =	shalt  }
0x41: {  	_ =	shalt  }
0x42: {  	_ =	shalt  }
0x43: {  	_ =	shalt  }
0x44: {  	_ =	shalt  }
0x45: {  	_ =	shalt  }
0x46: {  	_ =	shalt  }
0x47: {  	_ =	shalt  }
0x48: {  	_ =	shalt  }
0x49: {  	_ =	shalt  }
0x4a: {  	_ =	shalt  }
0x4b: {  	_ =	shalt  }
0x4c: {  	_ =	shalt  }
0x4d: {  	_ =	shalt  }
0x4e: {  	_ =	shalt  }
0x4f: {  	_ =	shalt  }
0x50: {  	_ =	shalt  }
0x51: {  	_ =	shalt  }
0x52: {  	_ =	shalt  }
0x53: {  	_ =	shalt  }
0x54: {  	_ =	shalt  }
0x55: {  	_ =	shalt  }
0x56: {  	_ =	shalt  }
0x57: {  	_ =	shalt  }
0x58: {  	_ =	shalt  }
0x59: {  	_ =	shalt  }
0x5a: {  	_ =	shalt  }
0x5b: {  	_ =	shalt  }
0x5c: {  	_ =	shalt  }
0x5d: {  	_ =	shalt  }
0x5e: {  	_ =	shalt  }
0x5f: {  	_ =	shalt  }
0x60: {  	_ =	shalt  }
0x61: {  	_ =	shalt  }
0x62: {  	_ =	shalt  }
0x63: {  	_ =	shalt  }
0x64: {  	_ =	shalt  }
0x65: {  	_ =	shalt  }
0x66: {  	_ =	shalt  }
0x67: {  	_ =	shalt  }
0x68: {  	_ =	shalt  }
0x69: {  	_ =	shalt  }
0x6a: {  	_ =	shalt  }
0x6b: {  	_ =	shalt  }
0x6c: {  	_ =	shalt  }
0x6d: {  	_ =	shalt  }
0x6e: {  	_ =	shalt  }
0x6f: {  	_ =	shalt  }
0x70: {  	_ =	shalt  }
0x71: {  	_ =	shalt  }
0x72: {  	_ =	shalt  }
0x73: {  	_ =	shalt  }
0x74: {  	_ =	shalt  }
0x75: {  	_ =	shalt  }
0x76: {  	_ =	shalt  }
0x77: {  	_ =	shalt  }
0x78: {  	_ =	shalt  }
0x79: {  	_ =	shalt  }
0x7a: {  	_ =	shalt  }
0x7b: {  	_ =	shalt  }
0x7c: {  	_ =	shalt  }
0x7d: {  	_ =	shalt  }
0x7e: {  	_ =	shalt  }
0x7f: {  	_ =	shalt  }
0x80: {  	_ =	shalt  }
0x81: {  	_ =	shalt  }
0x82: {  	_ =	shalt  }
0x83: {  	_ =	shalt  }
0x84: {  	_ =	shalt  }
0x85: {  	_ =	shalt  }
0x86: {  	_ =	shalt  }
0x87: {  	_ =	shalt  }
.Lfunc_end0:
.L_simem_size_0:
called_computation_lowered:
.L_overlay_start_0:
0x88: {  	s2 =	sld [smem:$0x3FD9]  }
0x89: {  	s3 =	sld [smem:$0x3FFE];
	_ =	sdelay $0x1  }
0x8a: {  	s1 =	srdreg.scid  }
0x8b: {  	s0 =	sand.u32 $0x1, s1  }
0x8c: {  	s17 =	sshll.u32 s0, $0xA;
	s2 =	sadd.s32 s3, s2  }
0x8d: {  	s2 =	sadd.s32 s2, s17  }
0x8e: {  	[smem:$0x3FC3] =	sst s2  }
0x8f: {  	_ = 	snop  }
0x90: {  	s2 =	sld [smem:$0x3FC9]  }
0x91: {  	s18 =	sld [smem:$0x3FC8]  }
0x92: {  	s4 =	sld [smem:$0x3FC7]  }
0x93: {  	s5 =	sld [smem:$0x3FC6]  }
0x94: {  	s6 =	sld [smem:$0x3FD0];
	(tm) =	ssettm $0x1  }
0x95: {  	s7 =	sld [smem:$0x3FFB];
	_ =	sdelay $0x3  }
0x96: {  	_ =	strace s7  }
0x97: {  	s7 =	sld [smem:$0x3FFC];
	_ =	sdelay $0x3  }
0x98: {  	_ =	strace s7  }
0x99: {  	s7 =	sld [smem:$0x3FFD];
	_ =	sdelay $0x3  }
0x9a: {  	_ =	strace s7  }
0x9b: {  	_ =	strace $0x8FFFFFFF  }
0x9c: {  	s19 =	sld [smem:$0x3FDB];
	_ =	sdelay $0x1  }
0x9d: {  	s8 =	simm.s32 $_scs_section_size  }
0x9e: {  	s9 =	simm.s32 $_size__tile_overlayer_lowered;
	s10 =	simm.s32 $_tile_overlayer_lowered  }
0x9f: {  	s22 =	simm.s32 $0x1BFF;
	s21 =	sshll.u32 s10, $0x1;
	s7 =	sadd.s32 s8, s19  }
0xa0: {  	s11 =	simm.s32 $0x0;
	s20 =	sshll.u32 s9, $0x1;
	s9 =	sadd.s32 s21, s7  }
0xa1: {  	[timem:s11], [sflag:s22] =	dma.local [hbm:s9], s20  }
0xa2: {  	_ =	swait.ge [sflag:s22], s20  }
0xa3: {  	s8 =	ssub.s32 $0x0, s20;
	[sflag:s22] =	ssyncset.done $0x0  }
0xa4: {  	[sflag:s22] =	ssyncadd.s32 s8;
	_ =	sdelay $0x1  }
0xa5: {  	s23 =	simm.s32 $0x1B8B  }
0xa6: {  	_ =	swait.ge [sflag:s23], $0x1  }
0xa7: {  	[sflag:s23] =	ssyncset.done $0x0  }
0xa8: {  	s25 =	simm.s32 $0x1B8E;
	s24 =	sld [smem:$0x3FFE];
	[sflag:s23] =	ssyncadd.s32 $0xFFFFFFFF  }
0xa9: {  	s26 =	simm.s32 $execute0_lowered;
	[smem:$0x3FD2] =	sst s25  }
0xaa: {  	s9 =	sshll.u32 s26, $0x1;
	_ =	strace $0x80000046;
	[dreg:$0x1] =	wrdreg $0xFFFFFFFF  }
0xab: {  	s28 =	simm.s32 $_size_execute0_lowered;
	s7 =	sadd.s32 s7, s9;
	[dreg:$0x0] =	wrdreg $0x0  }
0xac: {  	s9 =	sshll.u32 s28, $0x1;
	[dreg:$0x2] =	wrdreg s7  }
0xad: {  	[dreg:$0x3] =	wrdreg s9  }
0xae: {  	[dreg:$0x4] =	wrdreg $0xC0  }
0xaf: {  	_ =	task [dreg:s11], $0x5FFFF  }
0xb0: {  	[dreg:$0x1] =	wrdreg $0xFFFFFFFF  }
0xb1: {  	[dreg:$0x0] =	wrdreg $0x60  }
0xb2: {  	[dreg:$0x2] =	wrdreg s2  }
0xb3: {  	[dreg:$0x3] =	wrdreg s18  }
0xb4: {  	[dreg:$0x4] =	wrdreg s4  }
0xb5: {  	[dreg:$0x5] =	wrdreg s5  }
0xb6: {  	[dreg:$0x6] =	wrdreg s24  }
0xb7: {  	[dreg:$0x7] =	wrdreg s6  }
0xb8: {  	[dreg:$0x8] =	wrdreg $0x9  }
0xb9: {  	_ =	task.clear_ibuf [dreg:s11], $0x9FFFF;
	_ =	strace $0x90000046  }
0xba: {  	s29 =	simm.s32 $0x9;
	_ =	strace $0x80000048  }
0xbb: {  	_ =	swait.ge [sflag:s29], $0x1  }
0xbc: {  	[sflag:s29] =	ssyncadd.s32 $0xFFFFFFFF  }
0xbd: {  	_ =	strace $0x90000048  }
0xbe: {  	_ =	sfence  }
0xbf: {  	s30 =	sld [smem:$0x0];
	_ =	sdelay $0x2  }
0xc0: {  	s31 =	sshll.u32 s1, $0xD;
	s1 =	sshrl.u32 s1, $0x2  }
0xc1: {  	s3 =	sand.u32 $0x4000, s31;
	s1 =	sadd.s32 s1, s30  }
0xc2: {  	s0 =	sor.u32 s3, s0;
	s1 =	sshll.u32 s1, $0x11  }
0xc3: {  	s0 =	sor.u32 s1, s0  }
0xc4: {  	s0 =	sadd.s32 $0x8F2B, s0  }
0xc5: {  	[sflag:s0] =	ssyncadd.remote.s32 $0x1  }
0xc6: {  	_ =	sfence.sel $0xFFFF  }
0xc7: {  	[dreg:$0x0] =	wrdreg $0xFFFFFFFF;
	(pc) =	sbr.abs _section_cstart, $3  }
0xc8: {  	[dreg:$0x1] =	wrdreg $0xFFFFFFFF  }
0xc9: {  	_ =	task.clear_ibuf [dreg:s11], $0x2FFFF;
	_ =	strace $0x9FFFFFFF  }
0xca: {  	(tm) =	ssettm $0x7FFFFFFF  }
0xcb: {  	_ =	shalt  }
tec
execute0_lowered:
.L_overlay_start_1:
0x0: {  	(tag) =	ssettag $0x1  }
0x1: {  	s0 =	rddreg [dreg:$0x0]  }
0x2: {  	s3 =	rddreg [dreg:$0x1]  }
0x3: {  	s7 =	rddreg [dreg:$0x2]  }
0x4: {  	s1 =	rddreg [dreg:$0x3]  }
0x5: {  	s4 =	rddreg [dreg:$0x4]  }
0x6: {  	s8 =	rddreg [dreg:$0x5]  }
0x7: {  	s2 =	simm.s32 $0x0;
	s5 =	srdreg.scid;
	s10 =	stileid.u32  }
0x8: {  	s11 =	simm.s32 $0x200;
	s12 =	simm.s32 $0x400;
	s13 =	simm.s32 $0x80  }
0x9: {  	s14 =	simm.s32 $0x600;
	s15 =	simm.s32 $0x8600;
	s16 =	simm.s32 $0x10600  }
0xa: {  	s17 =	simm.s32 $0x4600;
	s19 =	simm.s32 $0xC600;
	s21 =	simm.s32 $0x14600  }
0xb: {  	s22 =	simm.s32 $0x1;
	s23 =	simm.s32 $0x18600;
	s28 =	simm.s32 $0x2  }
0xc: {  	s31 =	simm.s32 $0x580;
	[smem:$0x7FF] =	sst s2;
	s5 =	sand.u32 $0x1, s5  }
0xd: {  	s10 =	sshll.u32 s10, $0x7;
	s6 =	ssub.s32 $0x2, s5;
	s5 =	sshll.u32 s5, $0x6  }
0xe: {  	s4 =	sadd.s32 $0x600, s4;
	s9 =	sshrl.u32 s6, $0x1;
	s10 =	sor.u32 s5, s10  }
0xf: {  	_ =	strace $0x80000047;
	s9 =	ssub.s32 s6, s9;
	s5 =	sadd.s32 s0, s10  }
0x10: {  	vm0 =	vcmask $0x3F3C;
	s6 =	sadd.s32 s3, s10;
	s7 =	sadd.s32 s7, s10;
	s8 =	sadd.s32 s8, s10  }
0x11: {  	s10 =	simm.s32 $0x3;
	s0 =	simm.s32 $0x0;
	s9 =	smax.u32 s9, $0x1  }
.LBB2_1:
0x12: {  	[tilespmem:s2], [sflag:$0x3] =	stream.linear.gather [hbm4b:s5+s2], $0x200, $0x38;
	[tilespmem:$0x18800] =	vst v63  }
0x13: {  	_ =	swait.ge [sflag:s10], $0x200  }
0x14: {  	[sflag:s10] =	ssyncset.done $0x0  }
0x15: {  	[sflag:s10] =	ssyncadd.s32 $0xFFFFFE00  }
0x16: {  	[tilespmem:s11], [sflag:$0x3] =	stream.linear.gather [hbm4b:s6+s2], $0x200, $0x38;
	[tilespmem:$0x18800] =	vst v63  }
0x17: {  	_ =	swait.ge [sflag:s10], $0x200  }
0x18: {  	[sflag:s10] =	ssyncset.done $0x0  }
0x19: {  	[sflag:s10] =	ssyncadd.s32 $0xFFFFFE00  }
0x1a: {  	[tilespmem:s12], [sflag:$0x3] =	stream.linear.gather [hbm4b:s7+s2], $0x200, $0x38;
	[tilespmem:$0x18800] =	vst v63  }
0x1b: {  	_ =	swait.ge [sflag:s10], $0x200  }
0x1c: {  	[sflag:s10] =	ssyncset.done $0x0  }
0x1d: {  	[sflag:s10] =	ssyncadd.s32 $0xFFFFFE00  }
0x1e: {  	[tilespmem:s14], [sflag:$0x1] =	stream.indirect.gather [hbm4b:s1+s13], $0x80, s2, s13, $0xb8;
	[tilespmem:$0x18800] =	vst v63  }
0x1f: {  	_ = 	snop  }
0x20: {  	[tilespmem:s15], [sflag:$0x1] =	stream.indirect.gather [hbm4b:s4+s13], $0x80, s11, s13, $0xb8;
	[tilespmem:$0x18800] =	vst v63  }
0x21: {  	_ = 	snop  }
0x22: {  	[tilespmem:s16], [sflag:$0x1] =	stream.indirect.gather [hbm4b:s1+s13], $0x80, s12, s13, $0xb8;
	[tilespmem:$0x18800] =	vst v63  }
0x23: {  	_ = 	snop  }
0x24: {  	[tilespmem:s17], [sflag:$0x2] =	stream.indirect.gather [hbm4b:s1+s13], $0x80, s13, s13, $0xb8;
	[tilespmem:$0x18800] =	vst v63  }
0x25: {  	s3 =	simm.s32 $0x280  }
0x26: {  	[tilespmem:s19], [sflag:$0x2] =	stream.indirect.gather [hbm4b:s4+s13], $0x80, s3, s13, $0xb8;
	[tilespmem:$0x18800] =	vst v63  }
0x27: {  	s26 =	simm.s32 $0x480  }
0x28: {  	[tilespmem:s21], [sflag:$0x2] =	stream.indirect.gather [hbm4b:s1+s13], $0x80, s26, s13, $0xb8;
	[tilespmem:$0x18800] =	vst v63  }
0x29: {  	_ =	swait.ge [sflag:s22], $0x4000  }
0x2a: {  	[sflag:s22] =	ssyncset.done $0x0  }
0x2b: {  	[sflag:s22] =	ssyncadd.s32 $0xFFFFC000  }
0x2c: {  	_ =	swait.ge [sflag:s22], $0x4000  }
0x2d: {  	[sflag:s22] =	ssyncset.done $0x0  }
0x2e: {  	[sflag:s22] =	ssyncadd.s32 $0xFFFFC000  }
0x2f: {  	_ =	swait.ge [sflag:s22], $0x4000  }
0x30: {  	[sflag:s22] =	ssyncset.done $0x0  }
0x31: {  	s20 =	simm.s32 $0x680;
	[sflag:s22] =	ssyncadd.s32 $0xFFFFC000  }
0x32: {  	v0 =	vld [tilespmem:s20+$0x30]  }
0x33: {  	s18 =	simm.s32 $0x8680;
	v1 =	vld [tilespmem:s20+$0x70]  }
0x34: {  	v2 =	vld [tilespmem:s18+$0x30]  }
0x35: {  	v3 =	vld [tilespmem:s18+$0x70]  }
0x36: {  	v4 =	vld [tilespmem:s20+$0x20]  }
0x37: {  	v5 =	vld [tilespmem:s20+$0x60]  }
0x38: {  	v6 =	vld [tilespmem:s18+$0x20]  }
0x39: {  	v7 =	vld [tilespmem:s18+$0x60]  }
0x3a: {  	v8 =	vld [tilespmem:s20+$0x10]  }
0x3b: {  	v9 =	vld [tilespmem:s20+$0x50]  }
0x3c: {  	v10 =	vld [tilespmem:s18+$0x10]  }
0x3d: {  	v11 =	vld [tilespmem:s18+$0x50]  }
0x3e: {  	v12 =	vld [tilespmem:s20+$0x0]  }
0x3f: {  	v13 =	vld [tilespmem:s20+$0x40]  }
0x40: {  	v14 =	vld [tilespmem:s18+$0x0];
	v15 =	vmul.f32 v2, v0;
	v16 =	vmul.f32 v3, v1  }
0x41: {  	v17 =	vld [tilespmem:s18+$0x40];
	v0 =	vmul.f32 v3, v0;
	v1 =	vmul.f32 v2, v1  }
0x42: {  	s30 =	simm.s32 $0x10680;
	v2 =	vmul.f32 v6, v4;
	v3 =	vmul.f32 v7, v5  }
0x43: {  	v19 =	vld [tilespmem:s30+$0x70];
	v4 =	vmul.f32 v7, v4;
	v5 =	vmul.f32 v6, v5  }
0x44: {  	v22 =	vld [tilespmem:s30+$0x40];
	v7 =	vmul.f32 v10, v8;
	v18 =	vmul.f32 v11, v9  }
0x45: {  	v6 =	vld [tilespmem:s30+$0x30];
	v8 =	vmul.f32 v11, v8;
	v9 =	vmul.f32 v10, v9  }
0x46: {  	v11 =	vld [tilespmem:s30+$0x0];
	v20 =	vmul.f32 v14, v12;
	v21 =	vmul.f32 v17, v13;
	v15 =	vsub.f32 v15, v16  }
0x47: {  	v10 =	vld [tilespmem:s30+$0x20];
	v12 =	vmul.f32 v17, v12;
	v0 =	vadd.f32 v0, v1;
	v2 =	vsub.f32 v2, v3  }
0x48: {  	v1 =	vmul.f32 v14, v13;
	v13 =	vld [tilespmem:s30+$0x10];
	v3 =	vadd.f32 v4, v5;
	v5 =	vsub.f32 v7, v18  }
0x49: {  	v4 =	vld [tilespmem:s30+$0x50];
	v7 =	vadd.f32 v8, v9;
	v8 =	vsub.f32 v20, v21  }
0x4a: {  	v9 =	vld [tilespmem:s30+$0x60];
	v1 =	vadd.f32 v12, v1;
	v0 =	vsub.f32 v0, v19  }
0x4b: {  	v6 =	vsub.f32 v15, v6;
	v8 =	vsub.f32 v8, v11  }
0x4c: {  	v2 =	vsub.f32 v2, v10;
	v1 =	vsub.f32 v1, v22  }
0x4d: {  	v0 =	vmul.f32 v0, v0;
	v5 =	vsub.f32 v5, v13;
	v6 =	vmul.f32 v6, v6  }
0x4e: {  	v8 =	vmul.f32 v8, v8;
	v4 =	vsub.f32 v7, v4;
	v1 =	vmul.f32 v1, v1  }
0x4f: {  	v3 =	vsub.f32 v3, v9;
	v2 =	vmul.f32 v2, v2;
	v0 =	vadd.f32 v0, v6  }
0x50: {  	v4 =	vmul.f32 v4, v4;
	v7 =	vadd.f32 v1, v8;
	v1 =	vmul.f32 v5, v5  }
0x51: {  	v23 =	vld [tilespmem:s18+$0xFFFFFFD0];
	v3 =	vmul.f32 v3, v3;
	v18 =	vshrl.u32 v0, $0x1;
	v19 =	vmul.f32 $5.000000000e-01, v0  }
0x52: {  	v11 =	vld [tilespmem:s18+$0xFFFFFFC0];
	v5 =	vshrl.u32 v7, $0x1;
	v8 =	vmul.f32 $5.000000000e-01, v7;
	v4 =	vadd.f32 v4, v1  }
0x53: {  	v9 =	vld [tilespmem:s20+$0xFFFFFFC0];
	v1 =	vadd.f32 v3, v2;
	v18 =	vsub.s32 $0x5F3759DF, v18;
	v5 =	vsub.s32 $0x5F3759DF, v5  }
0x54: {  	v25 =	vld [tilespmem:s30+$0xFFFFFFC0];
	v3 =	vmul.f32 v5, v8;
	v6 =	vshrl.u32 v4, $0x1;
	v10 =	vmul.f32 $5.000000000e-01, v4  }
0x55: {  	v14 =	vld [tilespmem:s20+$0xFFFFFF80];
	v12 =	vshrl.u32 v1, $0x1;
	v13 =	vmul.f32 $5.000000000e-01, v1;
	v6 =	vsub.s32 $0x5F3759DF, v6  }
0x56: {  	v2 =	vld [tilespmem:s18+$0xFFFFFF80];
	v12 =	vsub.s32 $0x5F3759DF, v12;
	v3 =	vmul.f32 v5, v3;
	v15 =	vmul.f32 v6, v10  }
0x57: {  	v27 =	vld [tilespmem:s18+$0xFFFFFFA0];
	v22 =	vmul.f32 v18, v19;
	v17 =	vmul.f32 v12, v13  }
0x58: {  	v16 =	vld [tilespmem:s20+$0xFFFFFF90];
	v26 =	vmul.f32 v11, v9;
	v3 =	vsub.f32 $1.500000000e+00, v3;
	v15 =	vmul.f32 v6, v15  }
0x59: {  	v20 =	vld [tilespmem:s20+$0xFFFFFFD0];
	v22 =	vmul.f32 v18, v22;
	v17 =	vmul.f32 v12, v17  }
0x5a: {  	v21 =	vld [tilespmem:s18+$0xFFFFFF90];
	v11 =	vmul.f32 v11, v14;
	v3 =	vmul.f32 v5, v3;
	v5 =	vsub.f32 $1.500000000e+00, v15  }
0x5b: {  	v24 =	vmul.f32 v2, v14;
	v14 =	vld [tilespmem:s20+$0xFFFFFFE0];
	v22 =	vsub.f32 $1.500000000e+00, v22;
	v17 =	vsub.f32 $1.500000000e+00, v17  }
0x5c: {  	v2 =	vmul.f32 v2, v9;
	v9 =	vld [tilespmem:s18+$0xFFFFFFE0];
	v5 =	vmul.f32 v6, v5  }
0x5d: {  	v15 =	vld [tilespmem:s30+$0xFFFFFF80];
	v12 =	vmul.f32 v12, v17;
	v17 =	vmul.f32 v18, v22  }
0x5e: {  	v24 =	vsub.f32 v24, v26;
	v26 =	vmul.f32 v23, v20;
	v8 =	vmul.f32 v3, v8;
	v6 =	vld [tilespmem:s20+$0xFFFFFFA0]  }
0x5f: {  	v2 =	vadd.f32 v11, v2;
	v10 =	vmul.f32 v5, v10;
	v19 =	vmul.f32 v17, v19  }
0x60: {  	v22 =	vmul.f32 v21, v16;
	v8 =	vmul.f32 v8, v3  }
0x61: {  	v28 =	vld [tilespmem:s30+$0xFFFFFFD0];
	v2 =	vsub.f32 v2, v25;
	v10 =	vmul.f32 v10, v5;
	v11 =	vmul.f32 v19, v17  }
0x62: {  	v29 =	vld [tilespmem:s20+$0xFFFFFFF0];
	v8 =	vsub.f32 $1.500000000e+00, v8;
	v19 =	vmul.f32 v21, v20;
	v21 =	vmul.f32 v9, v14  }
0x63: {  	v18 =	vld [tilespmem:s30+$0xFFFFFF90];
	v15 =	vsub.f32 v24, v15;
	v20 =	vmul.f32 v27, v6;
	v6 =	vmul.f32 v9, v6  }
0x64: {  	v9 =	vmul.f32 v27, v14;
	v14 =	vld [tilespmem:s30+$0xFFFFFFE0];
	v3 =	vmul.f32 v8, v3;
	v8 =	vsub.f32 $1.500000000e+00, v10  }
0x65: {  	v2 =	vmul.f32 v2, v2;
	v13 =	vmul.f32 v12, v13;
	v10 =	vld [tilespmem:s20+$0xFFFFFFB0]  }
0x66: {  	v15 =	vmul.f32 v15, v15;
	v11 =	vsub.f32 $1.500000000e+00, v11;
	v5 =	vmul.f32 v8, v5;
	v8 =	vld [tilespmem:s18+$0xFFFFFFB0]  }
0x67: {  	v6 =	vadd.f32 v6, v9;
	v7 =	vmul.f32 v3, v7;
	v3 =	vmul.f32 v23, v16;
	v16 =	vld [tilespmem:s18+$0xFFFFFFF0]  }
0x68: {  	v13 =	vmul.f32 v13, v12;
	v15 =	vadd.f32 v2, v15;
	v11 =	vmul.f32 v11, v17  }
0x69: {  	v4 =	vmul.f32 v5, v4;
	v5 =	vsub.f32 v22, v26;
	v6 =	vsub.f32 v6, v14  }
0x6a: {  	v22 =	vld [tilespmem:s30+$0xFFFFFFA0];
	v3 =	vadd.f32 v3, v19;
	v19 =	vsub.f32 v20, v21;
	v14 =	vmul.f32 $5.000000000e-01, v15  }
0x6b: {  	v0 =	vmul.f32 v11, v0;
	v5 =	vsub.f32 v5, v18;
	v6 =	vmul.f32 v6, v6  }
0x6c: {  	v20 =	vld [tilespmem:s30+$0xFFFFFFB0];
	v3 =	vsub.f32 v3, v28;
	v18 =	vmul.f32 v8, v10;
	v9 =	vmul.f32 v16, v29  }
0x6d: {  	v2 =	vmul.f32 v16, v10;
	v8 =	vmul.f32 v8, v29;
	v10 =	vld [tilespmem:s30+$0xFFFFFFF0]  }
0x6e: {  	v5 =	vmul.f32 v5, v5;
	v3 =	vmul.f32 v3, v3  }
0x6f: {  	v16 =	vsub.f32 v19, v22;
	v19 =	vshrl.u32 v15, $0x1;
	v9 =	vsub.f32 v18, v9  }
0x70: {  	v2 =	vadd.f32 v2, v8;
	v18 =	vadd.f32 v3, v5;
	v5 =	vsub.s32 $0x5F3759DF, v19  }
0x71: {  	v8 =	vsub.f32 $1.500000000e+00, v13;
	v3 =	vmul.f32 v16, v16;
	v13 =	vmul.f32 v5, v14  }
0x72: {  	v9 =	vsub.f32 v9, v20;
	v16 =	vshrl.u32 v18, $0x1;
	v2 =	vsub.f32 v2, v10  }
0x73: {  	v10 =	vmul.f32 $5.000000000e-01, v18;
	v3 =	vadd.f32 v6, v3;
	v6 =	vmul.f32 v5, v13  }
0x74: {  	s24 =	simm.s32 $0x8780;
	v13 =	vsub.s32 $0x5F3759DF, v16;
	v9 =	vmul.f32 v9, v9;
	v2 =	vmul.f32 v2, v2  }
0x75: {  	v31 =	vld [tilespmem:s24+$0x40];
	v22 =	vmul.f32 v13, v10;
	v19 =	vshrl.u32 v3, $0x1;
	v20 =	vmul.f32 $5.000000000e-01, v3  }
0x76: {  	v24 =	vld [tilespmem:s24+$0x70];
	s20 =	simm.s32 $0x780;
	v6 =	vsub.f32 $1.500000000e+00, v6;
	v2 =	vadd.f32 v2, v9;
	v9 =	vsub.s32 $0x5F3759DF, v19  }
0x77: {  	v27 =	vld [tilespmem:s20+$0x60];
	v8 =	vmul.f32 v8, v12;
	v23 =	vmul.f32 v9, v20  }
0x78: {  	v21 =	vld [tilespmem:s20+$0x70];
	v5 =	vmul.f32 v5, v6;
	v6 =	vmul.f32 v13, v22  }
0x79: {  	v26 =	vld [tilespmem:s20+$0x20];
	v22 =	vshrl.u32 v2, $0x1;
	v25 =	vmul.f32 $5.000000000e-01, v2;
	v23 =	vmul.f32 v9, v23  }
0x7a: {  	v29 =	vld [tilespmem:s20+$0x40];
	v22 =	vsub.s32 $0x5F3759DF, v22;
	v14 =	vmul.f32 v5, v14;
	v6 =	vsub.f32 $1.500000000e+00, v6  }
0x7b: {  	v11 =	vld [tilespmem:s24+$0x10];
	v1 =	vmul.f32 v8, v1;
	v12 =	vmul.f32 v22, v25;
	v17 =	vsub.f32 $1.500000000e+00, v23  }
0x7c: {  	v23 =	vld [tilespmem:s24+$0x60];
	v14 =	vmul.f32 v14, v5;
	v13 =	vmul.f32 v13, v6  }
0x7d: {  	v7 =	vadd.f32 $0.0e+00, v7;
	v16 =	vld [tilespmem:s20+$0x30];
	v6 =	vmul.f32 v22, v12;
	v8 =	vmul.f32 v9, v17  }
0x7e: {  	v30 =	vmul.f32 v24, v21;
	v19 =	vld [tilespmem:s24+$0x30];
	v14 =	vsub.f32 $1.500000000e+00, v14;
	v10 =	vmul.f32 v13, v10  }
0x7f: {  	v28 =	vld [tilespmem:s24+$0x20];
	v34 =	vmul.f32 v31, v29;
	v6 =	vsub.f32 $1.500000000e+00, v6;
	v17 =	vmul.f32 v8, v20  }
0x80: {  	v12 =	vld [tilespmem:s20+$0x10];
	v14 =	vmul.f32 v14, v5;
	v10 =	vmul.f32 v10, v13  }
0x81: {  	v4 =	vadd.f32 v4, v7;
	v9 =	vld [tilespmem:s20+$0x50];
	v5 =	vmul.f32 v22, v6;
	v7 =	vmul.f32 v23, v26  }
0x82: {  	v20 =	vld [tilespmem:s24+$0x50];
	v17 =	vmul.f32 v17, v8;
	v6 =	vmul.f32 v14, v15  }
0x83: {  	v22 =	vld [tilespmem:s20+$0x0];
	v15 =	vmul.f32 v19, v16;
	v16 =	vmul.f32 v24, v16  }
0x84: {  	s25 =	simm.s32 $0x10780;
	v14 =	vld [tilespmem:s24+$0x0];
	v19 =	vmul.f32 v19, v21;
	v21 =	vmul.f32 v28, v26  }
0x85: {  	v35 =	vld [tilespmem:s25+$0x40];
	v24 =	vmul.f32 v23, v27;
	v23 =	vmul.f32 v28, v27;
	v10 =	vsub.f32 $1.500000000e+00, v10  }
0x86: {  	v26 =	vld [tilespmem:s25+$0x30];
	v27 =	vmul.f32 v11, v12;
	v17 =	vsub.f32 $1.500000000e+00, v17;
	v15 =	vsub.f32 v15, v30  }
0x87: {  	v16 =	vadd.f32 v16, v19;
	v19 =	vld [tilespmem:s25+$0x10];
	v10 =	vmul.f32 v10, v13;
	v28 =	vmul.f32 v20, v9  }
0x88: {  	v12 =	vmul.f32 v20, v12;
	v9 =	vmul.f32 v11, v9;
	v11 =	vadd.f32 v7, v23;
	v23 =	vld [tilespmem:s25+$0x50]  }
0x89: {  	v21 =	vsub.f32 v21, v24;
	v20 =	vld [tilespmem:s25+$0x0];
	v7 =	vmul.f32 v5, v25;
	v33 =	vmul.f32 v14, v22  }
0x8a: {  	v32 =	vld [tilespmem:s25+$0x20];
	v22 =	vmul.f32 v31, v22;
	v14 =	vmul.f32 v14, v29;
	v24 =	vsub.f32 v27, v28  }
0x8b: {  	v8 =	vmul.f32 v17, v8;
	v12 =	vadd.f32 v12, v9;
	v13 =	vsub.f32 v15, v26;
	v15 =	vld [tilespmem:s25+$0x70]  }
0x8c: {  	v9 =	vmul.f32 v7, v5;
	v25 =	vsub.f32 v33, v34;
	v14 =	vadd.f32 v22, v14;
	v22 =	vld [tilespmem:s25+$0x60]  }
0x8d: {  	v7 =	vmul.f32 v10, v18;
	v10 =	vsub.f32 v24, v19;
	v12 =	vsub.f32 v12, v23  }
0x8e: {  	v3 =	vmul.f32 v8, v3;
	v20 =	vsub.f32 v25, v20;
	v14 =	vsub.f32 v14, v35  }
0x8f: {  	v10 =	vmul.f32 v10, v10;
	v12 =	vmul.f32 v12, v12  }
0x90: {  	v18 =	vsub.f32 v21, v32;
	v17 =	vmul.f32 v20, v20;
	v14 =	vmul.f32 v14, v14  }
0x91: {  	v13 =	vmul.f32 v13, v13;
	v15 =	vsub.f32 v16, v15;
	v11 =	vsub.f32 v11, v22  }
0x92: {  	v16 =	vmul.f32 v18, v18;
	v10 =	vadd.f32 v12, v10;
	v14 =	vadd.f32 v14, v17  }
0x93: {  	v1 =	vadd.f32 v1, v4;
	v12 =	vmul.f32 v15, v15;
	v11 =	vmul.f32 v11, v11  }
0x94: {  	v21 =	vld [tilespmem:s24+$0xFFFFFF80];
	v19 =	vshrl.u32 v10, $0x1;
	v17 =	vshrl.u32 v14, $0x1;
	v18 =	vmul.f32 $5.000000000e-01, v14  }
0x95: {  	v22 =	vld [tilespmem:s20+$0xFFFFFF80];
	v20 =	vmul.f32 $5.000000000e-01, v10;
	v12 =	vadd.f32 v12, v13;
	v15 =	vsub.s32 $0x5F3759DF, v17  }
0x96: {  	v25 =	vld [tilespmem:s24+$0xFFFFFFC0];
	v13 =	vsub.s32 $0x5F3759DF, v19;
	v11 =	vadd.f32 v11, v16;
	v17 =	vmul.f32 v15, v18  }
0x97: {  	v24 =	vmul.f32 v13, v20;
	v26 =	vshrl.u32 v12, $0x1;
	v27 =	vmul.f32 $5.000000000e-01, v12  }
0x98: {  	v19 =	vmul.f32 $5.000000000e-01, v11;
	v23 =	vshrl.u32 v11, $0x1;
	v17 =	vmul.f32 v15, v17  }
0x99: {  	v16 =	vld [tilespmem:s20+$0xFFFFFFC0];
	v26 =	vsub.s32 $0x5F3759DF, v26;
	v24 =	vmul.f32 v13, v24;
	v23 =	vsub.s32 $0x5F3759DF, v23  }
0x9a: {  	v52 =	vmul.f32 v21, v22;
	v28 =	vmul.f32 v23, v19;
	v17 =	vsub.f32 $1.500000000e+00, v17  }
0x9b: {  	v53 =	vld [tilespmem:s24+$0xFFFFFF90];
	v22 =	vmul.f32 v25, v22;
	v29 =	vmul.f32 v26, v27;
	v24 =	vsub.f32 $1.500000000e+00, v24  }
0x9c: {  	v4 =	vld [tilespmem:s20+$0xFFFFFF90];
	v28 =	vmul.f32 v23, v28;
	v15 =	vmul.f32 v15, v17  }
0x9d: {  	v55 =	vld [tilespmem:s24+$0xFFFFFFD0];
	v0 =	vadd.f32 v0, v1;
	v29 =	vmul.f32 v26, v29;
	v13 =	vmul.f32 v13, v24  }
0x9e: {  	v1 =	vld [tilespmem:s25+$0xFFFFFFC0];
	v54 =	vmul.f32 v25, v16;
	v28 =	vsub.f32 $1.500000000e+00, v28;
	v18 =	vmul.f32 v15, v18  }
0x9f: {  	v16 =	vmul.f32 v21, v16;
	v24 =	vsub.f32 $1.500000000e+00, v29;
	v20 =	vmul.f32 v13, v20  }
0xa0: {  	v17 =	vld [tilespmem:s20+$0xFFFFFFD0];
	v23 =	vmul.f32 v23, v28;
	v18 =	vmul.f32 v18, v15  }
0xa1: {  	v57 =	vld [tilespmem:s25+$0xFFFFFF90];
	v16 =	vadd.f32 v22, v16;
	v22 =	vmul.f32 v53, v4;
	v24 =	vmul.f32 v26, v24  }
0xa2: {  	v25 =	vld [tilespmem:s25+$0xFFFFFF80];
	v20 =	vmul.f32 v20, v13;
	v19 =	vmul.f32 v23, v19;
	v18 =	vsub.f32 $1.500000000e+00, v18  }
0xa3: {  	v21 =	vld [tilespmem:s20+$0xFFFFFFE0];
	v4 =	vmul.f32 v55, v4;
	v1 =	vsub.f32 v16, v1;
	v27 =	vmul.f32 v24, v27  }
0xa4: {  	v29 =	vld [tilespmem:s24+$0xFFFFFFA0];
	v20 =	vsub.f32 $1.500000000e+00, v20;
	v15 =	vmul.f32 v18, v15;
	v18 =	vmul.f32 v19, v23  }
0xa5: {  	v26 =	vld [tilespmem:s20+$0xFFFFFFA0];
	v28 =	vsub.f32 v52, v54;
	v56 =	vmul.f32 v55, v17;
	v27 =	vmul.f32 v27, v24  }
0xa6: {  	v13 =	vmul.f32 v20, v13;
	v19 =	vld [tilespmem:s24+$0xFFFFFFE0];
	v14 =	vmul.f32 v15, v14;
	v15 =	vsub.f32 $1.500000000e+00, v18  }
0xa7: {  	v25 =	vsub.f32 v28, v25;
	v17 =	vmul.f32 v53, v17;
	v20 =	vld [tilespmem:s20+$0xFFFFFFB0];
	v27 =	vsub.f32 $1.500000000e+00, v27  }
0xa8: {  	v10 =	vmul.f32 v13, v10;
	v18 =	vld [tilespmem:s25+$0xFFFFFFD0];
	v15 =	vmul.f32 v15, v23;
	v14 =	vadd.f32 $0.0e+00, v14  }
0xa9: {  	v1 =	vmul.f32 v1, v1;
	v16 =	vsub.f32 v22, v56;
	v4 =	vadd.f32 v4, v17;
	v13 =	vld [tilespmem:s24+$0xFFFFFFB0]  }
0xaa: {  	v23 =	vld [tilespmem:s20+$0xFFFFFFF0];
	v11 =	vmul.f32 v15, v11;
	v10 =	vadd.f32 v10, v14;
	v14 =	vmul.f32 v27, v24  }
0xab: {  	v16 =	vsub.f32 v16, v57;
	v17 =	vmul.f32 v19, v26;
	v15 =	vld [tilespmem:s24+$0xFFFFFFF0];
	v24 =	vmul.f32 v19, v21  }
0xac: {  	v19 =	vmul.f32 v29, v21;
	v21 =	vld [tilespmem:s25+$0xFFFFFFA0];
	v10 =	vadd.f32 v11, v10;
	v11 =	vmul.f32 v14, v12  }
0xad: {  	v22 =	vmul.f32 v29, v26;
	v4 =	vsub.f32 v4, v18;
	v12 =	vmul.f32 v25, v25;
	v14 =	vld [tilespmem:s25+$0xFFFFFFE0]  }
0xae: {  	v16 =	vmul.f32 v16, v16;
	v18 =	vmul.f32 v13, v20;
	v10 =	vadd.f32 v11, v10  }
0xaf: {  	v4 =	vmul.f32 v4, v4;
	v11 =	vsub.f32 v22, v24;
	v22 =	vld [tilespmem:s25+$0xFFFFFFB0];
	v25 =	vadd.f32 v1, v12  }
0xb0: {  	v12 =	vld [tilespmem:s25+$0xFFFFFFF0];
	v24 =	vmul.f32 v15, v23;
	v1 =	vmul.f32 v15, v20;
	v15 =	vadd.f32 v17, v19  }
0xb1: {  	v13 =	vmul.f32 v13, v23;
	v4 =	vadd.f32 v4, v16;
	v11 =	vsub.f32 v11, v21  }
0xb2: {  	v17 =	vshrl.u32 v25, $0x1;
	v14 =	vsub.f32 v15, v14;
	v15 =	vsub.f32 v18, v24  }
0xb3: {  	v18 =	vmul.f32 $5.000000000e-01, v25;
	v1 =	vadd.f32 v1, v13;
	v11 =	vmul.f32 v11, v11  }
0xb4: {  	(xrf2) =	vadd.scan.msk.f32 $0xffff, v0;
	v0 =	vmul.f32 v14, v14;
	v13 =	vsub.f32 v15, v22;
	v14 =	vsub.s32 $0x5F3759DF, v17  }
0xb5: {  	v16 =	vmul.f32 $5.000000000e-01, v4;
	v1 =	vsub.f32 v1, v12;
	v12 =	vmul.f32 v14, v18  }
0xb6: {  	v15 =	vshrl.u32 v4, $0x1;
	v0 =	vadd.f32 v0, v11;
	v11 =	vmul.f32 v13, v13  }
0xb7: {  	v13 =	vsub.s32 $0x5F3759DF, v15;
	v1 =	vmul.f32 v1, v1;
	v12 =	vmul.f32 v14, v12  }
0xb8: {  	v15 =	vmul.f32 v13, v16;
	v17 =	vshrl.u32 v0, $0x1;
	v19 =	vmul.f32 $5.000000000e-01, v0  }
0xb9: {  	s24 =	simm.s32 $0x880;
	v1 =	vadd.f32 v1, v11;
	v11 =	vsub.f32 $1.500000000e+00, v12;
	v12 =	vsub.s32 $0x5F3759DF, v17  }
0xba: {  	v27 =	vld [tilespmem:s24+$0x20];
	(xrf2) =	vadd.scan.msk.f32 $0xffff, v10;
	v10 =	vmul.f32 v13, v15;
	v15 =	vmul.f32 v12, v19  }
0xbb: {  	v28 =	vld [tilespmem:s24+$0x60];
	v17 =	vshrl.u32 v1, $0x1;
	v22 =	vmul.f32 $5.000000000e-01, v1;
	v11 =	vmul.f32 v14, v11  }
0xbc: {  	s26 =	simm.s32 $0x1;
	v20 =	vld [tilespmem:s24+$0x30];
	v14 =	vsub.s32 $0x5F3759DF, v17;
	v10 =	vsub.f32 $1.500000000e+00, v10;
	v15 =	vmul.f32 v12, v15  }
0xbd: {  	s25 =	simm.s32 $0x8880;
	v23 =	vld [tilespmem:s24+$0x70];
	v21 =	vmov s26;
	v17 =	vmul.f32 v11, v18;
	v18 =	vmul.f32 v14, v22  }
0xbe: {  	v9 =	vsub.f32 $1.500000000e+00, v9;
	v26 =	vld [tilespmem:s25+$0x70];
	v8 =	vmul.f32 v13, v10;
	v13 =	vsub.f32 $1.500000000e+00, v15  }
0xbf: {  	v29, _, _ =	vpop (xrf2);
	v58 =	vld [tilespmem:s25+$0x20];
	v15 =	vmul.f32 v17, v11;
	v17 =	vmul.f32 v14, v18;
	v18 =	vadd.f32 $0.0e+00, v6  }
0xc0: {  	v5 =	vmul.f32 v9, v5;
	v29 =	vsub.f32 $9.000000000e+00, v29;
	v59 =	vld [tilespmem:s25+$0x60]  }
0xc1: {  	v24 =	vld [tilespmem:s25+$0x30];
	v7 =	vadd.f32 v7, v18  }
0xc2: {  	v5 =	vmul.f32 v5, v2;
	[tilespmem:v21+s23+$0x0] =	vst.idx.msk vm0, v29;
	v10 =	vld [tilespmem:s24+$0x10];
	v9 =	vmul.f32 v8, v16  }
0xc3: {  	v21 =	vmul.f32 v26, v20;
	v6 =	vmul.f32 v12, v13;
	v12 =	vld [tilespmem:s24+$0x50];
	v3 =	vadd.f32 v3, v7  }
0xc4: {  	v13 =	vsub.f32 $1.500000000e+00, v15;
	v16 =	vsub.f32 $1.500000000e+00, v17;
	v15 =	vld [tilespmem:s25+$0x10];
	v9 =	vmul.f32 v9, v8  }
0xc5: {  	s30 =	simm.s32 $0x3;
	v17 =	vld [tilespmem:s25+$0x50];
	v18 =	vmul.f32 v6, v19;
	v19 =	vmul.f32 v26, v23;
	v3 =	vadd.f32 v5, v3  }
0xc6: {  	v60 =	vmov s30;
	v23 =	vmul.f32 v24, v23;
	v11 =	vmul.f32 v13, v11;
	v13 =	vld [tilespmem:s24+$0x0]  }
0xc7: {  	v26 =	vmul.f32 v59, v27;
	v2 =	vmul.f32 v14, v16;
	v14, _, _ =	vpop (xrf2);
	v16 =	vld [tilespmem:s25+$0x0];
	(xrf2) =	vadd.scan.msk.f32 $0xffff, v3  }
0xc8: {  	v61 =	vmul.f32 v18, v6;
	v62 =	vsub.f32 $9.000000000e+00, v14;
	v14 =	vld [tilespmem:s24+$0x40];
	v18 =	vmul.f32 v24, v20  }
0xc9: {  	s26 =	simm.s32 $0x10880;
	v63 =	vmul.f32 v11, v25;
	v7 =	vmul.f32 v2, v22;
	v22 =	vld [tilespmem:s25+$0x40]  }
0xca: {  	s29 =	simm.s32 $0x6;
	v24 =	vmul.f32 v58, v27;
	v27 =	vmul.f32 v58, v28;
	v20 =	vld [tilespmem:s26+$0x30];
	v11 =	vsub.f32 $1.500000000e+00, v9  }
0xcb: {  	s3 =	simm.s32 $0x2;
	s18 =	simm.s32 $0x4;
	s20 =	simm.s32 $0x0;
	v5 =	vld [tilespmem:s24+$0xFFFFFFC0];
	v25 =	vmul.f32 v59, v28;
	[tilespmem:v60+s23+$0x0] =	vst.idx.msk vm0, v62;
	v9 =	vsub.f32 $1.500000000e+00, v61;
	v3 =	vadd.f32 $0.0e+00, v63  }
.LBB2_2:
0xcc: {  	p0 =	slt.u32 s29, $0x7E;
	v28 =	vmul.f32 v15, v10;
	v29 =	vmul.f32 v17, v12;
	v30 =	vld [tilespmem:s26+$0x70]  }
0xcd: {  	v10 =	vmul.f32 v17, v10;
	v12 =	vmul.f32 v15, v12;
	v17 =	vmov s20;
	s20 =	smov.u32 s3;
	s3 =	smov.u32 s18;
	s18 =	smov.u32 s29;
	v15 =	vld [tilespmem:s26+$0x20]  }
0xce: {  	v32 =	vmul.f32 v16, v13;
	v17 =	vand.u32 $0xFFFFFFFE, v17;
	v31 =	vld [tilespmem:s26+$0x0];
	v33 =	vmul.f32 v22, v14  }
0xcf: {  	v18 =	vsub.f32 v18, v19;
	v19 =	vadd.f32 v21, v23;
	v13 =	vmul.f32 v22, v13;
	v34 =	vld [tilespmem:s26+$0x40]  }
0xd0: {  	v21 =	vsub.f32 v24, v25;
	v14 =	vmul.f32 v16, v14;
	v22 =	vadd.f32 v26, v27;
	v16 =	vld [tilespmem:s26+$0x10]  }
0xd1: {  	v8 =	vmul.f32 v11, v8;
	v24 =	vsub.f32 v28, v29;
	v10 =	vadd.f32 v10, v12;
	v23 =	vld [tilespmem:s26+$0x50];
	v11, _, _ =	vpop (xrf2)  }
0xd2: {  	v7 =	vmul.f32 v7, v2;
	v12 =	vsub.f32 v32, v33;
	v13 =	vadd.f32 v13, v14;
	v14 =	vld [tilespmem:s26+$0x60]  }
0xd3: {  	v4 =	vmul.f32 v8, v4;
	v18 =	vsub.f32 v18, v20;
	v19 =	vsub.f32 v19, v30;
	v25 =	vld [tilespmem:s25+$0xFFFFFF80]  }
0xd4: {  	v6 =	vmul.f32 v9, v6;
	v12 =	vsub.f32 v12, v31;
	v8 =	vld [tilespmem:s25+$0xFFFFFFC0];
	v13 =	vsub.f32 v13, v34  }
0xd5: {  	v17 =	vbroadcast v17, $0x0;
	v15 =	vsub.f32 v21, v15;
	v9 =	vld [tilespmem:s24+$0xFFFFFF80];
	v16 =	vsub.f32 v24, v16  }
0xd6: {  	v12 =	vmul.f32 v12, v12;
	v20 =	vld [tilespmem:s24+$0xFFFFFF90];
	v13 =	vmul.f32 v13, v13;
	v10 =	vsub.f32 v10, v23  }
0xd7: {  	v18 =	vmul.f32 v18, v18;
	v19 =	vmul.f32 v19, v19;
	v21 =	vld [tilespmem:s24+$0xFFFFFFD0];
	v14 =	vsub.f32 v22, v14  }
0xd8: {  	v22 =	vld [tilespmem:s25+$0xFFFFFF90];
	v12 =	vadd.f32 v13, v12;
	v13 =	vmul.f32 v16, v16;
	v10 =	vmul.f32 v10, v10  }
0xd9: {  	v7 =	vsub.f32 $1.500000000e+00, v7;
	v15 =	vmul.f32 v15, v15;
	v16 =	vld [tilespmem:s25+$0xFFFFFFD0];
	v14 =	vmul.f32 v14, v14  }
0xda: {  	v23 =	vld [tilespmem:s26+$0xFFFFFF80];
	v24 =	vshrl.u32 v12, $0x1;
	v26 =	vmul.f32 $5.000000000e-01, v12;
	v10 =	vadd.f32 v10, v13  }
0xdb: {  	v13 =	vld [tilespmem:s26+$0xFFFFFFC0];
	v24 =	vsub.s32 $0x5F3759DF, v24;
	v14 =	vadd.f32 v14, v15;
	v15 =	vadd.f32 v19, v18  }
0xdc: {  	v18 =	vld [tilespmem:s24+$0xFFFFFFA0];
	v19 =	vmul.f32 v24, v26;
	v27 =	vshrl.u32 v10, $0x1;
	v28 =	vmul.f32 $5.000000000e-01, v10  }
0xdd: {  	v29 =	vld [tilespmem:s24+$0xFFFFFFE0];
	v27 =	vsub.s32 $0x5F3759DF, v27;
	v30 =	vshrl.u32 v14, $0x1;
	v31 =	vmul.f32 $5.000000000e-01, v14  }
0xde: {  	v32 =	vld [tilespmem:s25+$0xFFFFFFA0];
	v19 =	vmul.f32 v24, v19;
	v33 =	vmul.f32 v27, v28;
	v30 =	vsub.s32 $0x5F3759DF, v30  }
0xdf: {  	v36 =	vshrl.u32 v15, $0x1;
	v37 =	vmul.f32 $5.000000000e-01, v15;
	v34 =	vld [tilespmem:s25+$0xFFFFFFE0];
	v35 =	vmul.f32 v30, v31  }
0xe0: {  	v36 =	vsub.s32 $0x5F3759DF, v36;
	v38 =	vld [tilespmem:s26+$0xFFFFFF90];
	v19 =	vsub.f32 $1.500000000e+00, v19;
	v33 =	vmul.f32 v27, v33  }
0xe1: {  	v3 =	vadd.f32 v4, v3;
	v40 =	vmul.f32 v36, v37;
	v39 =	vld [tilespmem:s26+$0xFFFFFFD0];
	v35 =	vmul.f32 v30, v35  }
0xe2: {  	v4 =	vmul.f32 v25, v9;
	v41 =	vld [tilespmem:s24+$0xFFFFFFB0];
	v19 =	vmul.f32 v24, v19;
	v24 =	vsub.f32 $1.500000000e+00, v33  }
0xe3: {  	v40 =	vmul.f32 v36, v40;
	v33 =	vmul.f32 v8, v5;
	v42 =	vld [tilespmem:s24+$0xFFFFFFF0];
	v35 =	vsub.f32 $1.500000000e+00, v35  }
0xe4: {  	v11 =	vsub.f32 $9.000000000e+00, v11;
	v43 =	vld [tilespmem:s25+$0xFFFFFFB0];
	v26 =	vmul.f32 v19, v26;
	v24 =	vmul.f32 v27, v24  }
0xe5: {  	v8 =	vmul.f32 v8, v9;
	v9 =	vld [tilespmem:s25+$0xFFFFFFF0];
	v27 =	vmul.f32 v30, v35;
	v30 =	vsub.f32 $1.500000000e+00, v40  }
0xe6: {  	v4 =	vsub.f32 v4, v33;
	v33 =	vld [tilespmem:s26+$0xFFFFFFA0];
	v26 =	vmul.f32 v26, v19;
	v28 =	vmul.f32 v24, v28  }
0xe7: {  	v5 =	vmul.f32 v25, v5;
	v25 =	vld [tilespmem:s26+$0xFFFFFFE0];
	v30 =	vmul.f32 v36, v30;
	[tilespmem:v17+s23+$0x0] =	vst.idx.msk vm0, v11  }
0xe8: {  	v11 =	vld [tilespmem:s26+$0xFFFFFFB0];
	v17 =	vsub.f32 $1.500000000e+00, v26;
	v26 =	vmul.f32 v28, v24;
	v28 =	vmul.f32 v27, v31  }
0xe9: {  	v5 =	vadd.f32 v8, v5;
	v8 =	vmul.f32 v22, v20;
	v31 =	vld [tilespmem:s26+$0xFFFFFFF0];
	v35 =	vmul.f32 v30, v37  }
0xea: {  	v17 =	vmul.f32 v17, v19;
	v19 =	vsub.f32 $1.500000000e+00, v26;
	v26 =	vmul.f32 v28, v27  }
0xeb: {  	v4 =	vsub.f32 v4, v23;
	v23 =	vmul.f32 v16, v21;
	v28 =	vmul.f32 v35, v30  }
0xec: {  	v12 =	vmul.f32 v17, v12;
	v17 =	vmul.f32 v19, v24;
	v19 =	vsub.f32 $1.500000000e+00, v26  }
0xed: {  	v16 =	vmul.f32 v16, v20;
	v20 =	vmul.f32 v22, v21;
	v21 =	vsub.f32 $1.500000000e+00, v28  }
0xee: {  	v12 =	vadd.f32 $0.0e+00, v12;
	v10 =	vmul.f32 v17, v10;
	v17 =	vmul.f32 v19, v27  }
0xef: {  	v5 =	vsub.f32 v5, v13;
	v13 =	vmul.f32 v32, v18;
	v8 =	vsub.f32 v8, v23  }
0xf0: {  	v10 =	vadd.f32 v10, v12;
	v12 =	vmul.f32 v17, v14;
	v14 =	vmul.f32 v21, v30  }
0xf1: {  	v18 =	vmul.f32 v34, v18;
	v16 =	vadd.f32 v16, v20;
	v17 =	vmul.f32 v34, v29  }
0xf2: {  	v19 =	vmul.f32 v32, v29;
	v10 =	vadd.f32 v12, v10;
	v12 =	vmul.f32 v14, v15  }
0xf3: {  	v4 =	vmul.f32 v4, v4;
	v5 =	vmul.f32 v5, v5;
	v8 =	vsub.f32 v8, v38  }
0xf4: {  	v14 =	vsub.f32 v16, v39;
	v15 =	vmul.f32 v43, v41;
	v10 =	vadd.f32 v12, v10  }
0xf5: {  	v16 =	vmul.f32 v9, v42;
	v12 =	vsub.f32 v13, v17;
	v13 =	vadd.f32 v18, v19  }
0xf6: {  	v5 =	vadd.f32 v5, v4;
	v9 =	vmul.f32 v9, v41;
	v17 =	vmul.f32 v43, v42;
	(xrf2) =	vadd.scan.msk.f32 $0xffff, v10  }
0xf7: {  	v4 =	vmul.f32 v8, v8;
	v8 =	vmul.f32 v14, v14;
	v10 =	vsub.f32 v12, v33  }
0xf8: {  	v14 =	vsub.f32 v15, v16;
	v12 =	vshrl.u32 v5, $0x1;
	v13 =	vsub.f32 v13, v25  }
0xf9: {  	v15 =	vmul.f32 $5.000000000e-01, v5;
	v4 =	vadd.f32 v8, v4;
	v8 =	vadd.f32 v9, v17  }
0xfa: {  	v11 =	vsub.f32 v14, v11;
	v9 =	vmul.f32 v10, v10;
	v10 =	vmul.f32 v13, v13  }
0xfb: {  	v12 =	vsub.s32 $0x5F3759DF, v12;
	v13 =	vshrl.u32 v4, $0x1;
	v8 =	vsub.f32 v8, v31  }
0xfc: {  	v14 =	vmul.f32 v12, v15;
	v16 =	vmul.f32 $5.000000000e-01, v4;
	v9 =	vadd.f32 v10, v9  }
0xfd: {  	s30 =	sadd.s32 $0x1, s3;
	v11 =	vmul.f32 v11, v11;
	v10 =	vsub.s32 $0x5F3759DF, v13;
	v8 =	vmul.f32 v8, v8  }
0xfe: {  	s24 =	sadd.s32 $0x100, s24;
	v17 =	vmov s30;
	v13 =	vmul.f32 v12, v14;
	v14 =	vmul.f32 v10, v16  }
0xff: {  	v21 =	vshrl.u32 v9, $0x1;
	v19 =	vmul.f32 $5.000000000e-01, v9;
	v11 =	vadd.f32 v8, v11;
	v20 =	vld [tilespmem:s24+$0x30]  }
0x100: {  	s25 =	sadd.s32 $0x100, s25;
	v8 =	vsub.f32 $1.500000000e+00, v13;
	v13 =	vmul.f32 v10, v14;
	v14 =	vsub.s32 $0x5F3759DF, v21;
	v23 =	vld [tilespmem:s24+$0x70];
	v18, _, _ =	vpop (xrf2)  }
0x101: {  	v21 =	vmul.f32 v14, v19;
	v22 =	vshrl.u32 v11, $0x1;
	v24 =	vld [tilespmem:s25+$0x30];
	v18 =	vsub.f32 $9.000000000e+00, v18  }
0x102: {  	v26 =	vmul.f32 v12, v8;
	v27 =	vmul.f32 $5.000000000e-01, v11;
	v22 =	vsub.s32 $0x5F3759DF, v22;
	v25 =	vld [tilespmem:s25+$0x70]  }
0x103: {  	v6 =	vmul.f32 v6, v0;
	v8 =	vsub.f32 $1.500000000e+00, v13;
	v12 =	vmul.f32 v14, v21;
	v28 =	vld [tilespmem:s24+$0x20];
	[tilespmem:v17+s23+$0x0] =	vst.idx.msk vm0, v18  }
0x104: {  	v0 =	vmov v9;
	v13 =	vmul.f32 v26, v15;
	v15 =	vmul.f32 v22, v27;
	v29 =	vld [tilespmem:s24+$0x60]  }
0x105: {  	v2 =	vmul.f32 v7, v2;
	v8 =	vmul.f32 v10, v8;
	v9 =	vsub.f32 $1.500000000e+00, v12;
	v30 =	vld [tilespmem:s25+$0x20]  }
0x106: {  	v3 =	vadd.f32 v6, v3;
	v7 =	vmul.f32 v13, v26;
	v13 =	vmul.f32 v22, v15;
	v31 =	vld [tilespmem:s25+$0x60]  }
0x107: {  	v16 =	vmul.f32 v8, v16;
	v6 =	vmul.f32 v14, v9;
	v10 =	vld [tilespmem:s24+$0x10]  }
0x108: {  	v7 =	vsub.f32 $1.500000000e+00, v7;
	v9 =	vsub.f32 $1.500000000e+00, v13;
	v13 =	vmul.f32 v2, v1;
	v1 =	vmovc v11;
	v12 =	vld [tilespmem:s24+$0x50]  }
0x109: {  	v11 =	vmul.f32 v16, v8;
	v14 =	vmul.f32 v6, v19;
	v15 =	vld [tilespmem:s25+$0x10]  }
0x10a: {  	v7 =	vmul.f32 v7, v26;
	v2 =	vmul.f32 v22, v9;
	v3 =	vadd.f32 v13, v3;
	v17 =	vld [tilespmem:s25+$0x50]  }
0x10b: {  	v11 =	vsub.f32 $1.500000000e+00, v11;
	v9 =	vmul.f32 v14, v6;
	v13 =	vld [tilespmem:s24+$0x0]  }
.Ltmp0:
0x10c: {  	v5 =	vmul.f32 v7, v5;
	v7 =	vmul.f32 v2, v27;
	v14 =	vld [tilespmem:s24+$0x40];
	(xrf2) =	vadd.scan.msk.f32 $0xffff, v3;
	(pc) =	sbr.rel @p0 .LBB2_2-.Ltmp0, $4  }
0x10d: {  	v18 =	vmul.f32 v24, v20;
	v19 =	vmul.f32 v25, v23;
	v9 =	vsub.f32 $1.500000000e+00, v9;
	v16 =	vld [tilespmem:s25+$0x0]  }
0x10e: {  	v21 =	vmul.f32 v25, v20;
	v23 =	vmul.f32 v24, v23;
	v3 =	vadd.f32 $0.0e+00, v5;
	v22 =	vld [tilespmem:s25+$0x40]  }
0x10f: {  	s26 =	sadd.s32 $0x100, s26;
	v24 =	vmul.f32 v30, v28;
	v25 =	vmul.f32 v31, v29;
	v5 =	vld [tilespmem:s24+$0xFFFFFFC0]  }
0x110: {  	s29 =	sadd.s32 $0x2, s29;
	v27 =	vmul.f32 v30, v29;
	v26 =	vmul.f32 v31, v28;
	v20 =	vld [tilespmem:s26+$0x30]  }
0x111: {  	v28 =	vmul.f32 v15, v10;
	v30 =	vld [tilespmem:s26+$0x70]  }
0x112: {  	v29 =	vmul.f32 v17, v12;
	v12 =	vmul.f32 v15, v12;
	v15 =	vld [tilespmem:s26+$0x20]  }
0x113: {  	v10 =	vmul.f32 v17, v10;
	v17 =	vld [tilespmem:s26+$0x0]  }
0x114: {  	v33 =	vld [tilespmem:s26+$0x40]  }
0x115: {  	v51 =	vld [tilespmem:s26+$0x50]  }
0x116: {  	v54 =	vld [tilespmem:s24+$0xFFFFFF80]  }
0x117: {  	v57 =	vld [tilespmem:s24+$0xFFFFFF90]  }
0x118: {  	v59 =	vld [tilespmem:s24+$0xFFFFFFD0]  }
0x119: {  	v18 =	vsub.f32 v18, v19;
	v19 =	vadd.f32 v21, v23;
	v8 =	vmul.f32 v11, v8;
	v63 =	vld [tilespmem:s25+$0xFFFFFF90]  }
0x11a: {  	v49 =	vsub.f32 v24, v25;
	v6 =	vmul.f32 v9, v6;
	v9 =	vld [tilespmem:s25+$0xFFFFFFD0];
	v31 =	vmul.f32 v16, v13  }
0x11b: {  	v43 =	vld [tilespmem:s24+$0xFFFFFFA0];
	v50 =	vadd.f32 v26, v27;
	v32 =	vmul.f32 v22, v14;
	v13 =	vmul.f32 v22, v13  }
0x11c: {  	v35 =	vld [tilespmem:s25+$0xFFFFFFE0];
	v14 =	vmul.f32 v16, v14;
	v52 =	vsub.f32 v28, v29;
	v12 =	vadd.f32 v10, v12  }
0x11d: {  	v16 =	vld [tilespmem:s26+$0x10];
	v10 =	vmul.f32 v7, v2;
	v8 =	vmul.f32 v8, v4;
	v53 =	vsub.f32 v31, v32  }
0x11e: {  	v44 =	vld [tilespmem:s25+$0xFFFFFFA0];
	v0 =	vmul.f32 v6, v0;
	v13 =	vadd.f32 v13, v14;
	v11 =	vsub.f32 v18, v20  }
0x11f: {  	v14 =	vld [tilespmem:s26+$0x60];
	v18 =	vsub.f32 v19, v30;
	v46 =	vmul.f32 v63, v57;
	v47 =	vmul.f32 v9, v59  }
0x120: {  	v45 =	vld [tilespmem:s26+$0xFFFFFFD0];
	v15 =	vsub.f32 v49, v15;
	v9 =	vmul.f32 v9, v57;
	v49 =	vmul.f32 v63, v59  }
0x121: {  	v19 =	vld [tilespmem:s25+$0xFFFFFF80];
	v7 =	vsub.f32 v53, v17;
	v13 =	vsub.f32 v13, v33;
	v53 =	vmul.f32 v35, v43  }
0x122: {  	v4 =	vsub.f32 v52, v16;
	v16 =	vmul.f32 v11, v11;
	v17 =	vmul.f32 v18, v18  }
0x123: {  	v12 =	vsub.f32 v12, v51;
	v7 =	vmul.f32 v7, v7;
	v13 =	vmul.f32 v13, v13  }
0x124: {  	v9 =	vadd.f32 v9, v49;
	v14 =	vsub.f32 v50, v14;
	v4 =	vmul.f32 v4, v4  }
0x125: {  	v50 =	vmul.f32 v44, v43;
	v13 =	vadd.f32 v13, v7;
	v7 =	vmul.f32 v12, v12  }
0x126: {  	v9 =	vsub.f32 v9, v45;
	v12 =	vmul.f32 v15, v15;
	v42 =	vmul.f32 v19, v54  }
0x127: {  	v14 =	vmul.f32 v14, v14;
	v15 =	vshrl.u32 v13, $0x1;
	v18 =	vmul.f32 $5.000000000e-01, v13  }
0x128: {  	v11 =	vadd.f32 v7, v4;
	v7 =	vadd.f32 v17, v16;
	v15 =	vsub.s32 $0x5F3759DF, v15  }
0x129: {  	v9 =	vmul.f32 v9, v9;
	v4 =	vadd.f32 v14, v12;
	v14 =	vmul.f32 v15, v18  }
0x12a: {  	v16 =	vshrl.u32 v11, $0x1;
	v17 =	vmul.f32 $5.000000000e-01, v11;
	v61 =	vshrl.u32 v7, $0x1  }
0x12b: {  	v12 =	vld [tilespmem:s25+$0xFFFFFFC0];
	v62 =	vmul.f32 $5.000000000e-01, v7;
	v16 =	vsub.s32 $0x5F3759DF, v16;
	v14 =	vmul.f32 v15, v14  }
0x12c: {  	v55 =	vshrl.u32 v4, $0x1;
	v56 =	vmul.f32 $5.000000000e-01, v4;
	v27 =	vsub.s32 $0x5F3759DF, v61  }
0x12d: {  	v58 =	vmul.f32 v16, v17;
	v21 =	vsub.s32 $0x5F3759DF, v55;
	v14 =	vsub.f32 $1.500000000e+00, v14  }
0x12e: {  	v39 =	vmul.f32 v27, v62;
	v60 =	vmul.f32 v21, v56  }
0x12f: {  	v24 =	vmul.f32 v16, v58;
	v14 =	vmul.f32 v15, v14  }
0x130: {  	v40 =	vld [tilespmem:s26+$0xFFFFFF80];
	v30 =	vmul.f32 v27, v39;
	v34 =	vmul.f32 v12, v5  }
0x131: {  	v41 =	vld [tilespmem:s26+$0xFFFFFFC0];
	v26 =	vmul.f32 v21, v60;
	v18 =	vmul.f32 v14, v18  }
0x132: {  	v12 =	vmul.f32 v12, v54;
	v5 =	vmul.f32 v19, v5;
	v15 =	vsub.f32 $1.500000000e+00, v24  }
0x133: {  	v32 =	vsub.f32 v42, v34;
	v26 =	vsub.f32 $1.500000000e+00, v26;
	v18 =	vmul.f32 v18, v14  }
0x134: {  	v36 =	vld [tilespmem:s24+$0xFFFFFFB0];
	v30 =	vsub.f32 $1.500000000e+00, v30;
	v5 =	vadd.f32 v12, v5;
	v15 =	vmul.f32 v16, v15  }
0x135: {  	v48 =	vld [tilespmem:s25+$0xFFFFFFB0];
	v31 =	vsub.f32 v32, v40;
	v21 =	vmul.f32 v21, v26;
	v18 =	vsub.f32 $1.500000000e+00, v18  }
0x136: {  	v19 =	vld [tilespmem:s26+$0xFFFFFF90];
	v5 =	vsub.f32 v5, v41;
	v26 =	vmul.f32 v27, v30;
	v17 =	vmul.f32 v15, v17  }
0x137: {  	v16 =	vld [tilespmem:s24+$0xFFFFFFE0];
	v55 =	vmul.f32 v31, v31;
	v14 =	vmul.f32 v18, v14  }
0x138: {  	v5 =	vmul.f32 v5, v5;
	v22 =	vmul.f32 v21, v56;
	v18 =	vld [tilespmem:s24+$0xFFFFFFF0]  }
0x139: {  	v28 =	vmul.f32 v26, v62;
	v13 =	vmul.f32 v14, v13;
	v14 =	vld [tilespmem:s25+$0xFFFFFFF0]  }
0x13a: {  	v52 =	vld [tilespmem:s26+$0xFFFFFFA0];
	v56 =	vmul.f32 v48, v36;
	v17 =	vmul.f32 v17, v15  }
0x13b: {  	v54 =	vld [tilespmem:s26+$0xFFFFFFE0];
	v5 =	vadd.f32 v5, v55;
	v12 =	vmul.f32 v22, v21;
	v22 =	vsub.f32 v46, v47  }
0x13c: {  	v51 =	vmul.f32 v35, v16;
	v16 =	vmul.f32 v44, v16  }
0x13d: {  	v57 =	vld [tilespmem:s26+$0xFFFFFFB0];
	v28 =	vmul.f32 v28, v26;
	v62 =	vmul.f32 $5.000000000e-01, v5;
	v19 =	vsub.f32 v22, v19  }
0x13e: {  	v59 =	vld [tilespmem:s26+$0xFFFFFFF0];
	v24 =	vsub.f32 v50, v51;
	v16 =	vadd.f32 v53, v16;
	v58 =	vmul.f32 v14, v18  }
0x13f: {  	v60 =	vshrl.u32 v5, $0x1;
	v14 =	vmul.f32 v14, v36;
	v18 =	vmul.f32 v48, v18  }
0x140: {  	v19 =	vmul.f32 v19, v19;
	v24 =	vsub.f32 v24, v52;
	v16 =	vsub.f32 v16, v54  }
0x141: {  	v63 =	vsub.s32 $0x5F3759DF, v60;
	v61 =	vsub.f32 v56, v58;
	v14 =	vadd.f32 v14, v18  }
0x142: {  	v9 =	vadd.f32 v9, v19;
	v16 =	vmul.f32 v16, v16;
	v18 =	vmul.f32 v24, v24  }
0x143: {  	v34 =	vmul.f32 v63, v62;
	v19 =	vsub.f32 v61, v57;
	v14 =	vsub.f32 v14, v59  }
0x144: {  	v33 =	vshrl.u32 v9, $0x1;
	v35 =	vmul.f32 $5.000000000e-01, v9;
	v16 =	vadd.f32 v16, v18  }
0x145: {  	v18 =	vsub.s32 $0x5F3759DF, v33;
	v19 =	vmul.f32 v19, v19;
	v14 =	vmul.f32 v14, v14  }
0x146: {  	v36 =	vmul.f32 v63, v34;
	v37 =	vmul.f32 v18, v35  }
0x147: {  	v38 =	vshrl.u32 v16, $0x1;
	v39 =	vmul.f32 $5.000000000e-01, v16;
	v14 =	vadd.f32 v14, v19  }
0x148: {  	v40 =	vmul.f32 v18, v37;
	v41 =	vsub.s32 $0x5F3759DF, v38;
	v19 =	vsub.f32 $1.500000000e+00, v36  }
0x149: {  	v27 =	vmul.f32 v41, v39;
	v42 =	vshrl.u32 v14, $0x1;
	v43 =	vmul.f32 $5.000000000e-01, v14  }
0x14a: {  	v23 =	vsub.f32 $1.500000000e+00, v40;
	v19 =	vmul.f32 v63, v19;
	v44 =	vsub.s32 $0x5F3759DF, v42  }
0x14b: {  	v17 =	vsub.f32 $1.500000000e+00, v17;
	v27 =	vmul.f32 v41, v27;
	v30 =	vmul.f32 v44, v43  }
0x14c: {  	v18 =	vmul.f32 v18, v23;
	v22 =	vmul.f32 v19, v62  }
0x14d: {  	v15 =	vmul.f32 v17, v15;
	v17 =	vsub.f32 $1.500000000e+00, v27;
	v45 =	vmul.f32 v44, v30  }
0x14e: {  	v3 =	vadd.f32 v8, v3;
	v46 =	vmul.f32 v18, v35;
	v8 =	vmul.f32 v22, v19  }
0x14f: {  	v12 =	vsub.f32 $1.500000000e+00, v12;
	v17 =	vmul.f32 v41, v17;
	v23 =	vsub.f32 $1.500000000e+00, v45  }
0x150: {  	v11 =	vmul.f32 v15, v11;
	v15 =	vmul.f32 v46, v18;
	v8 =	vsub.f32 $1.500000000e+00, v8  }
0x151: {  	v10 =	vsub.f32 $1.500000000e+00, v10;
	v24 =	vmul.f32 v17, v39;
	v20 =	vmul.f32 v44, v23  }
0x152: {  	v12 =	vmul.f32 v12, v21;
	v15 =	vsub.f32 $1.500000000e+00, v15;
	v8 =	vmul.f32 v8, v19  }
0x153: {  	v47 =	vsub.f32 $1.500000000e+00, v28;
	v19 =	vmul.f32 v24, v17;
	v48 =	vmul.f32 v20, v43  }
0x154: {  	v13 =	vadd.f32 $0.0e+00, v13;
	v4 =	vmul.f32 v12, v4;
	v15 =	vmul.f32 v15, v18  }
0x155: {  	v5 =	vmul.f32 v8, v5;
	v8 =	vsub.f32 $1.500000000e+00, v19;
	v18 =	vmul.f32 v48, v20  }
0x156: {  	v11 =	vadd.f32 v11, v13;
	v13 =	vmul.f32 v47, v26;
	v9 =	vmul.f32 v15, v9  }
0x157: {  	v5 =	vadd.f32 $0.0e+00, v5;
	v8 =	vmul.f32 v8, v17;
	v12 =	vsub.f32 $1.500000000e+00, v18  }
0x158: {  	v2 =	vmul.f32 v10, v2;
	v7 =	vmul.f32 v13, v7;
	v4 =	vadd.f32 v4, v11  }
0x159: {  	v5 =	vadd.f32 v9, v5;
	v6 =	vmul.f32 v8, v16;
	v8 =	vmul.f32 v12, v20  }
0x15a: {  	v0 =	vadd.f32 v0, v3;
	v1 =	vmul.f32 v2, v1  }
0x15b: {  	v2 =	vadd.f32 v7, v4;
	v3 =	vadd.f32 v6, v5;
	v4 =	vmul.f32 v8, v14  }
0x15c: {  	v0 =	vadd.f32 v1, v0  }
0x15d: {  	(xrf2) =	vadd.scan.msk.f32 $0xffff, v2;
	v1 =	vadd.f32 v4, v3  }
0x15e: {  	(xrf2) =	vadd.scan.msk.f32 $0xffff, v0  }
0x15f: {  	(xrf2) =	vadd.scan.msk.f32 $0xffff, v1;
	_ =	sdelay $0x1  }
0x160: {  	v0 =	vmov s20  }
0x161: {  	v0 =	vand.u32 $0xFFFFFFFE, v0  }
0x162: {  	v2 =	vmov s18;
	v0 =	vbroadcast v0, $0x0;
	v1 =	vmov s3  }
0x163: {  	s25 =	sadd.s32 $0x1, s18;
	v2 =	vand.u32 $0xFFFFFFFE, v2;
	v4, _, _ =	vpop (xrf2);
	v1 =	vand.u32 $0xFFFFFFFE, v1  }
0x164: {  	v3 =	vmov s25;
	v4 =	vsub.f32 $9.000000000e+00, v4;
	v1 =	vbroadcast v1, $0x0  }
0x165: {  	v2 =	vbroadcast v2, $0x0  }
0x166: {  	v5, _, _ =	vpop (xrf2)  }
0x167: {  	v6, _, _ =	vpop (xrf2);
	v5 =	vsub.f32 $9.000000000e+00, v5  }
0x168: {  	[tilespmem:v0+s23+$0x0] =	vst.idx.msk vm0, v4;
	v0 =	vsub.f32 $9.000000000e+00, v6;
	v4, _, _ =	vpop (xrf2)  }
0x169: {  	[tilespmem:v3+s23+$0x0] =	vst.idx.msk vm0, v5;
	v3 =	vsub.f32 $9.000000000e+00, v4  }
0x16a: {  	[tilespmem:v1+s23+$0x0] =	vst.idx.msk vm0, v0  }
0x16b: {  	s26 =	simm.s32 $0x100;
	[tilespmem:v2+s23+$0x0] =	vst.idx.msk vm0, v3  }
0x16c: {  	[tilespmem:s14], [sflag:$0x1] =	stream.indirect.gather [hbm4b:s1+s13], $0x80, s26, s13, $0xb8;
	[tilespmem:$0x18800] =	vst v63  }
0x16d: {  	s29 =	simm.s32 $0x300  }
0x16e: {  	[tilespmem:s15], [sflag:$0x1] =	stream.indirect.gather [hbm4b:s4+s13], $0x80, s29, s13, $0xb8;
	[tilespmem:$0x18800] =	vst v63  }
0x16f: {  	s30 =	simm.s32 $0x500  }
0x170: {  	[tilespmem:s16], [sflag:$0x1] =	stream.indirect.gather [hbm4b:s1+s13], $0x80, s30, s13, $0xb8;
	[tilespmem:$0x18800] =	vst v63  }
0x171: {  	_ =	swait.ge [sflag:s28], $0x4000  }
0x172: {  	[sflag:s28] =	ssyncset.done $0x0  }
0x173: {  	[sflag:s28] =	ssyncadd.s32 $0xFFFFC000  }
0x174: {  	_ =	swait.ge [sflag:s28], $0x4000  }
0x175: {  	[sflag:s28] =	ssyncset.done $0x0  }
0x176: {  	[sflag:s28] =	ssyncadd.s32 $0xFFFFC000  }
0x177: {  	_ =	swait.ge [sflag:s28], $0x4000  }
0x178: {  	[sflag:s28] =	ssyncset.done $0x0  }
0x179: {  	s18 =	simm.s32 $0x4680;
	[sflag:s28] =	ssyncadd.s32 $0xFFFFC000  }
0x17a: {  	v0 =	vld [tilespmem:s18+$0x30]  }
0x17b: {  	s24 =	simm.s32 $0xC680;
	v1 =	vld [tilespmem:s18+$0x70]  }
0x17c: {  	v2 =	vld [tilespmem:s24+$0x30]  }
0x17d: {  	v3 =	vld [tilespmem:s24+$0x70]  }
0x17e: {  	v4 =	vld [tilespmem:s18+$0x20]  }
0x17f: {  	v5 =	vld [tilespmem:s18+$0x60]  }
0x180: {  	v6 =	vld [tilespmem:s24+$0x20]  }
0x181: {  	v7 =	vld [tilespmem:s24+$0x60]  }
0x182: {  	v8 =	vld [tilespmem:s18+$0x10]  }
0x183: {  	v9 =	vld [tilespmem:s18+$0x50]  }
0x184: {  	v10 =	vld [tilespmem:s24+$0x10]  }
0x185: {  	v11 =	vld [tilespmem:s24+$0x50]  }
0x186: {  	v12 =	vld [tilespmem:s18+$0x0]  }
0x187: {  	v13 =	vld [tilespmem:s18+$0x40]  }
0x188: {  	v14 =	vld [tilespmem:s24+$0x0]  }
0x189: {  	s25 =	simm.s32 $0x14680;
	v17 =	vld [tilespmem:s24+$0x40]  }
0x18a: {  	v19 =	vld [tilespmem:s25+$0x70]  }
0x18b: {  	v51 =	vld [tilespmem:s25+$0x40];
	v15 =	vmul.f32 v2, v0;
	v16 =	vmul.f32 v3, v1  }
0x18c: {  	v52 =	vld [tilespmem:s18+$0xFFFFFFD0];
	v0 =	vmul.f32 v3, v0;
	v1 =	vmul.f32 v2, v1  }
0x18d: {  	s26 =	simm.s32 $0x4780;
	v55 =	vld [tilespmem:s24+$0xFFFFFFD0];
	v2 =	vmul.f32 v6, v4;
	v3 =	vmul.f32 v7, v5  }
0x18e: {  	s3 =	simm.s32 $0xC780;
	v33 =	vld [tilespmem:s26+$0x70];
	v4 =	vmul.f32 v7, v4;
	v5 =	vmul.f32 v6, v5  }
0x18f: {  	v36 =	vld [tilespmem:s3+$0x70];
	v7 =	vmul.f32 v10, v8;
	v18 =	vmul.f32 v11, v9  }
0x190: {  	v8 =	vmul.f32 v11, v8;
	v9 =	vmul.f32 v10, v9;
	v10 =	vld [tilespmem:s25+$0x20]  }
0x191: {  	v11 =	vld [tilespmem:s25+$0x0];
	v49 =	vmul.f32 v14, v12;
	v50 =	vmul.f32 v17, v13  }
0x192: {  	v0 =	vadd.f32 v0, v1;
	v1 =	vmul.f32 v14, v13;
	v13 =	vld [tilespmem:s25+$0x10];
	v2 =	vsub.f32 v2, v3  }
0x193: {  	v12 =	vmul.f32 v17, v12;
	v3 =	vadd.f32 v4, v5;
	v4 =	vld [tilespmem:s25+$0x50];
	v5 =	vsub.f32 v7, v18  }
0x194: {  	v7 =	vadd.f32 v8, v9;
	v8 =	vsub.f32 v49, v50;
	v9 =	vld [tilespmem:s25+$0x60]  }
0x195: {  	v6 =	vld [tilespmem:s25+$0x30];
	v1 =	vadd.f32 v12, v1  }
0x196: {  	v62 =	vmul.f32 v55, v52;
	v15 =	vsub.f32 v15, v16;
	v8 =	vsub.f32 v8, v11  }
0x197: {  	v48 =	vmul.f32 v36, v33;
	v0 =	vsub.f32 v0, v19;
	v1 =	vsub.f32 v1, v51  }
0x198: {  	v2 =	vsub.f32 v2, v10;
	v5 =	vsub.f32 v5, v13;
	v8 =	vmul.f32 v8, v8  }
0x199: {  	v4 =	vsub.f32 v7, v4;
	v3 =	vsub.f32 v3, v9;
	v1 =	vmul.f32 v1, v1  }
0x19a: {  	v6 =	vsub.f32 v15, v6;
	v2 =	vmul.f32 v2, v2;
	v5 =	vmul.f32 v5, v5  }
0x19b: {  	v53 =	vld [tilespmem:s24+$0xFFFFFF90];
	v4 =	vmul.f32 v4, v4;
	v3 =	vmul.f32 v3, v3;
	v1 =	vadd.f32 v1, v8  }
0x19c: {  	v14 =	vld [tilespmem:s18+$0xFFFFFF80];
	v0 =	vmul.f32 v0, v0;
	v6 =	vmul.f32 v6, v6  }
0x19d: {  	v11 =	vld [tilespmem:s24+$0xFFFFFFC0];
	v4 =	vadd.f32 v4, v5;
	v3 =	vadd.f32 v3, v2;
	v7 =	vshrl.u32 v1, $0x1  }
0x19e: {  	v5 =	vld [tilespmem:s18+$0xFFFFFFC0];
	v2 =	vadd.f32 v0, v6;
	v8 =	vmul.f32 $5.000000000e-01, v1;
	v7 =	vsub.s32 $0x5F3759DF, v7  }
0x19f: {  	v0 =	vld [tilespmem:s24+$0xFFFFFF80];
	v9 =	vshrl.u32 v4, $0x1;
	v10 =	vmul.f32 $5.000000000e-01, v4;
	v12 =	vshrl.u32 v3, $0x1  }
0x1a0: {  	v57 =	vld [tilespmem:s25+$0xFFFFFFC0];
	v13 =	vmul.f32 $5.000000000e-01, v3;
	v18 =	vshrl.u32 v2, $0x1;
	v19 =	vmul.f32 $5.000000000e-01, v2  }
0x1a1: {  	v44 =	vld [tilespmem:s26+$0x10];
	v6 =	vmul.f32 v7, v8;
	v9 =	vsub.s32 $0x5F3759DF, v9;
	v12 =	vsub.s32 $0x5F3759DF, v12  }
0x1a2: {  	v45 =	vld [tilespmem:s3+$0x50];
	v18 =	vsub.s32 $0x5F3759DF, v18;
	v15 =	vmul.f32 v9, v10;
	v17 =	vmul.f32 v12, v13  }
0x1a3: {  	v40 =	vld [tilespmem:s26+$0x20];
	v54 =	vmul.f32 v18, v19;
	v6 =	vmul.f32 v7, v6  }
0x1a4: {  	v43 =	vld [tilespmem:s3+$0x20];
	v56 =	vmul.f32 v0, v14;
	v58 =	vmul.f32 v11, v5  }
0x1a5: {  	v16 =	vld [tilespmem:s18+$0xFFFFFF90];
	v11 =	vmul.f32 v11, v14;
	v17 =	vmul.f32 v12, v17  }
0x1a6: {  	v14 =	vld [tilespmem:s18+$0xFFFFFFE0];
	v15 =	vmul.f32 v9, v15;
	v22 =	vmul.f32 v18, v54;
	v6 =	vsub.f32 $1.500000000e+00, v6  }
0x1a7: {  	v20 =	vmul.f32 v45, v44;
	v0 =	vmul.f32 v0, v5;
	v5 =	vld [tilespmem:s24+$0xFFFFFFE0];
	v17 =	vsub.f32 $1.500000000e+00, v17  }
0x1a8: {  	v22 =	vsub.f32 $1.500000000e+00, v22;
	v6 =	vmul.f32 v7, v6;
	v7 =	vsub.f32 $1.500000000e+00, v15  }
0x1a9: {  	v59 =	vld [tilespmem:s24+$0xFFFFFFA0];
	v49 =	vmul.f32 v43, v40;
	v12 =	vmul.f32 v12, v17  }
0x1aa: {  	v0 =	vadd.f32 v11, v0;
	v17 =	vmul.f32 v18, v22;
	v7 =	vmul.f32 v9, v7;
	v9 =	vld [tilespmem:s18+$0xFFFFFFA0]  }
0x1ab: {  	v61 =	vld [tilespmem:s25+$0xFFFFFFD0];
	v60 =	vmul.f32 v53, v16;
	v8 =	vmul.f32 v6, v8  }
0x1ac: {  	v15 =	vld [tilespmem:s25+$0xFFFFFF80];
	v0 =	vsub.f32 v0, v57;
	v26 =	vmul.f32 v5, v14;
	v19 =	vmul.f32 v17, v19  }
0x1ad: {  	v63 =	vld [tilespmem:s18+$0xFFFFFFF0];
	v8 =	vmul.f32 v8, v6;
	v10 =	vmul.f32 v7, v10  }
0x1ae: {  	v41 =	vld [tilespmem:s26+$0x60];
	v24 =	vsub.f32 v56, v58;
	v0 =	vmul.f32 v0, v0;
	v11 =	vmul.f32 v19, v17  }
0x1af: {  	v18 =	vld [tilespmem:s25+$0xFFFFFF90];
	v8 =	vsub.f32 $1.500000000e+00, v8;
	v10 =	vmul.f32 v10, v7;
	v25 =	vmul.f32 v59, v9  }
0x1b0: {  	v5 =	vmul.f32 v5, v9;
	v9 =	vmul.f32 v59, v14;
	v14 =	vld [tilespmem:s25+$0xFFFFFFE0];
	v11 =	vsub.f32 $1.500000000e+00, v11  }
0x1b1: {  	v15 =	vsub.f32 v24, v15;
	v6 =	vmul.f32 v8, v6;
	v8 =	vsub.f32 $1.500000000e+00, v10;
	v10 =	vld [tilespmem:s18+$0xFFFFFFB0]  }
0x1b2: {  	v13 =	vmul.f32 v12, v13;
	v11 =	vmul.f32 v11, v17;
	v17 =	vld [tilespmem:s3+$0x60]  }
0x1b3: {  	v15 =	vmul.f32 v15, v15;
	v7 =	vmul.f32 v8, v7;
	v8 =	vld [tilespmem:s24+$0xFFFFFFB0]  }
0x1b4: {  	v5 =	vadd.f32 v5, v9;
	v6 =	vmul.f32 v6, v1;
	v1 =	vmul.f32 v55, v16;
	v16 =	vld [tilespmem:s24+$0xFFFFFFF0]  }
0x1b5: {  	v13 =	vmul.f32 v13, v12;
	v19 =	vmul.f32 v53, v52;
	v15 =	vadd.f32 v0, v15  }
0x1b6: {  	v30 =	vld [tilespmem:s25+$0xFFFFFFA0];
	v4 =	vmul.f32 v7, v4;
	v7 =	vsub.f32 v60, v62;
	v5 =	vsub.f32 v5, v14  }
0x1b7: {  	v1 =	vadd.f32 v1, v19;
	v19 =	vsub.f32 v25, v26;
	v14 =	vmul.f32 $5.000000000e-01, v15  }
0x1b8: {  	v7 =	vsub.f32 v7, v18;
	v5 =	vmul.f32 v5, v5;
	v50 =	vmul.f32 v17, v41  }
0x1b9: {  	v31 =	vld [tilespmem:s25+$0xFFFFFFB0];
	v1 =	vsub.f32 v1, v61;
	v18 =	vmul.f32 v8, v10;
	v9 =	vmul.f32 v16, v63  }
0x1ba: {  	v0 =	vmul.f32 v16, v10;
	v8 =	vmul.f32 v8, v63;
	v10 =	vld [tilespmem:s25+$0xFFFFFFF0]  }
0x1bb: {  	v16 =	vsub.f32 v19, v30;
	v7 =	vmul.f32 v7, v7;
	v1 =	vmul.f32 v1, v1  }
0x1bc: {  	v19 =	vshrl.u32 v15, $0x1;
	v9 =	vsub.f32 v18, v9;
	v0 =	vadd.f32 v0, v8  }
0x1bd: {  	v8 =	vsub.f32 $1.500000000e+00, v13;
	v18 =	vadd.f32 v1, v7;
	v7 =	vsub.s32 $0x5F3759DF, v19  }
0x1be: {  	v1 =	vmul.f32 v16, v16;
	v13 =	vmul.f32 v7, v14;
	v9 =	vsub.f32 v9, v31  }
0x1bf: {  	v8 =	vmul.f32 v8, v12;
	v16 =	vshrl.u32 v18, $0x1;
	v10 =	vsub.f32 v0, v10  }
0x1c0: {  	v19 =	vmul.f32 $5.000000000e-01, v18;
	v0 =	vadd.f32 v5, v1;
	v1 =	vmul.f32 v7, v13  }
0x1c1: {  	v5 =	vsub.s32 $0x5F3759DF, v16;
	v9 =	vmul.f32 v9, v9;
	v3 =	vmul.f32 v8, v3  }
0x1c2: {  	v46 =	vld [tilespmem:s3+$0x0];
	v6 =	vadd.f32 $0.0e+00, v6;
	v10 =	vmul.f32 v10, v10;
	v35 =	vmul.f32 v5, v19  }
0x1c3: {  	v13 =	vld [tilespmem:s26+$0x30];
	v16 =	vshrl.u32 v0, $0x1;
	v32 =	vmul.f32 $5.000000000e-01, v0;
	v34 =	vsub.f32 $1.500000000e+00, v1  }
0x1c4: {  	s18 =	simm.s32 $0x14780;
	v1 =	vadd.f32 v10, v9;
	v9 =	vsub.s32 $0x5F3759DF, v16;
	v10 =	vld [tilespmem:s3+$0x30];
	v37 =	vmul.f32 v5, v35  }
0x1c5: {  	v51 =	vld [tilespmem:s18+$0x30];
	v4 =	vadd.f32 v4, v6;
	v16 =	vmul.f32 v9, v32;
	v7 =	vmul.f32 v7, v34  }
0x1c6: {  	v54 =	vld [tilespmem:s18+$0x70];
	v38 =	vshrl.u32 v1, $0x1;
	v39 =	vmul.f32 $5.000000000e-01, v1;
	v12 =	vsub.f32 $1.500000000e+00, v37  }
0x1c7: {  	v57 =	vld [tilespmem:s18+$0x40];
	v23 =	vsub.s32 $0x5F3759DF, v38;
	v16 =	vmul.f32 v9, v16;
	v14 =	vmul.f32 v7, v14  }
0x1c8: {  	v58 =	vld [tilespmem:s18+$0x50];
	v21 =	vsub.f32 v49, v50;
	v42 =	vmul.f32 v23, v39;
	v5 =	vmul.f32 v5, v12  }
0x1c9: {  	v49 =	vld [tilespmem:s26+$0xFFFFFFE0];
	v16 =	vsub.f32 $1.500000000e+00, v16;
	v14 =	vmul.f32 v14, v7;
	v47 =	vmul.f32 v10, v13  }
0x1ca: {  	v50 =	vld [tilespmem:s3+$0xFFFFFFA0];
	v3 =	vadd.f32 v3, v4;
	v13 =	vmul.f32 v36, v13;
	v12 =	vmul.f32 v23, v42  }
0x1cb: {  	v4 =	vld [tilespmem:s3+$0x40];
	v10 =	vmul.f32 v10, v33;
	v8 =	vmul.f32 v9, v16;
	v14 =	vsub.f32 $1.500000000e+00, v14  }
0x1cc: {  	v11 =	vmul.f32 v11, v2;
	v2 =	vmul.f32 v5, v19;
	v9 =	vld [tilespmem:s26+$0x50];
	v12 =	vsub.f32 $1.500000000e+00, v12  }
0x1cd: {  	v16 =	vld [tilespmem:s3+$0x10];
	v10 =	vadd.f32 v13, v10;
	v19 =	vmul.f32 v8, v32;
	v7 =	vmul.f32 v14, v7  }
0x1ce: {  	v3 =	vadd.f32 v11, v3;
	v14 =	vmul.f32 v2, v5;
	v2 =	vmul.f32 v23, v12;
	v12 =	vld [tilespmem:s26+$0x0]  }
0x1cf: {  	v11 =	vmul.f32 v17, v40;
	v10 =	vsub.f32 v10, v54;
	v6 =	vmul.f32 v19, v8;
	v19 =	vld [tilespmem:s26+$0x40]  }
0x1d0: {  	v60 =	vld [tilespmem:s26+$0xFFFFFF80];
	v17 =	vmul.f32 v43, v41;
	v23 =	vmul.f32 v50, v49  }
0x1d1: {  	v63 =	vld [tilespmem:s3+$0xFFFFFFC0];
	v15 =	vmul.f32 v7, v15;
	v10 =	vmul.f32 v10, v10  }
0x1d2: {  	v41 =	vld [tilespmem:s26+$0xFFFFFFD0];
	v11 =	vadd.f32 v11, v17;
	v52 =	vmul.f32 v16, v44;
	v53 =	vmul.f32 v45, v9  }
0x1d3: {  	(xrf2) =	vadd.scan.msk.f32 $0xffff, v3;
	v14 =	vsub.f32 $1.500000000e+00, v14;
	v9 =	vmul.f32 v16, v9;
	v16 =	vld [tilespmem:s18+$0x20];
	v17 =	vmul.f32 v2, v39  }
0x1d4: {  	v3 =	vsub.f32 $1.500000000e+00, v6;
	v6 =	vld [tilespmem:s18+$0x0];
	v55 =	vmul.f32 v46, v12;
	v56 =	vmul.f32 v4, v19  }
0x1d5: {  	v45 =	vld [tilespmem:s3+$0xFFFFFFD0];
	v4 =	vmul.f32 v4, v12;
	v13 =	vmul.f32 v46, v19  }
0x1d6: {  	v5 =	vmul.f32 v14, v5;
	v59 =	vsub.f32 v52, v53;
	v9 =	vadd.f32 v20, v9;
	v19 =	vld [tilespmem:s18+$0x10]  }
0x1d7: {  	v17 =	vmul.f32 v17, v2;
	v14 =	vsub.f32 v55, v56;
	v4 =	vadd.f32 v4, v13;
	v13 =	vld [tilespmem:s18+$0x60]  }
0x1d8: {  	v20 =	vmul.f32 v63, v60;
	v5 =	vmul.f32 v5, v18;
	v12 =	vsub.f32 v47, v48  }
0x1d9: {  	v3 =	vmul.f32 v3, v8;
	v6 =	vsub.f32 v14, v6;
	v4 =	vsub.f32 v4, v57  }
0x1da: {  	v9 =	vsub.f32 v9, v58;
	v54 =	vmul.f32 v45, v41;
	v12 =	vsub.f32 v12, v51  }
0x1db: {  	v8 =	vsub.f32 v59, v19;
	v6 =	vmul.f32 v6, v6;
	v4 =	vmul.f32 v4, v4  }
0x1dc: {  	v14 =	vsub.f32 v21, v16;
	v12 =	vmul.f32 v12, v12;
	v11 =	vsub.f32 v11, v13  }
0x1dd: {  	v13, _, _ =	vpop (xrf2);
	v6 =	vadd.f32 v4, v6;
	v4 =	vmul.f32 v8, v8;
	v8 =	vmul.f32 v9, v9  }
0x1de: {  	v9 =	vsub.f32 $9.000000000e+00, v13;
	v13 =	vmul.f32 v14, v14;
	v11 =	vmul.f32 v11, v11  }
0x1df: {  	v14 =	vshrl.u32 v6, $0x1;
	v16 =	vmul.f32 $5.000000000e-01, v6;
	v8 =	vadd.f32 v8, v4  }
0x1e0: {  	v10 =	vadd.f32 v10, v12;
	v4 =	vsub.s32 $0x5F3759DF, v14;
	v11 =	vadd.f32 v11, v13  }
0x1e1: {  	v43 =	vld [tilespmem:s3+$0xFFFFFF90];
	v13 =	vmul.f32 v4, v16;
	v14 =	vshrl.u32 v8, $0x1;
	v19 =	vmul.f32 $5.000000000e-01, v8  }
0x1e2: {  	v39 =	vld [tilespmem:s26+$0xFFFFFF90];
	v14 =	vsub.s32 $0x5F3759DF, v14;
	v61 =	vshrl.u32 v11, $0x1;
	v62 =	vmul.f32 $5.000000000e-01, v11  }
0x1e3: {  	v18 =	vld [tilespmem:s26+$0xFFFFFFC0];
	v13 =	vmul.f32 v4, v13;
	v35 =	vmul.f32 v14, v19;
	v21 =	vsub.s32 $0x5F3759DF, v61  }
0x1e4: {  	v37 =	vshrl.u32 v10, $0x1;
	v38 =	vmul.f32 $5.000000000e-01, v10;
	v36 =	vmul.f32 v21, v62  }
0x1e5: {  	v12 =	vld [tilespmem:s3+$0xFFFFFF80];
	v26 =	vsub.s32 $0x5F3759DF, v37;
	v13 =	vsub.f32 $1.500000000e+00, v13;
	v24 =	vmul.f32 v14, v35  }
0x1e6: {  	v40 =	vmul.f32 v26, v38;
	v25 =	vmul.f32 v21, v36  }
0x1e7: {  	v51 =	vmul.f32 v43, v39;
	v13 =	vmul.f32 v4, v13;
	v24 =	vsub.f32 $1.500000000e+00, v24  }
0x1e8: {  	v44 =	vmul.f32 v63, v18;
	v29 =	vmul.f32 v26, v40;
	v25 =	vsub.f32 $1.500000000e+00, v25  }
0x1e9: {  	v15 =	vadd.f32 $0.0e+00, v15;
	v16 =	vmul.f32 v13, v16;
	v14 =	vmul.f32 v14, v24  }
0x1ea: {  	v42 =	vmul.f32 v12, v60;
	v46 =	vsub.f32 $1.500000000e+00, v29;
	v21 =	vmul.f32 v21, v25  }
0x1eb: {  	v5 =	vadd.f32 v5, v15;
	v15 =	vmul.f32 v16, v13;
	v16 =	vmul.f32 v14, v19  }
0x1ec: {  	v52 =	vld [tilespmem:s3+$0xFFFFFFE0];
	v12 =	vmul.f32 v12, v18;
	v18 =	vmul.f32 v26, v46  }
0x1ed: {  	v47 =	vld [tilespmem:s18+$0xFFFFFFC0];
	v22 =	vmul.f32 v21, v62;
	v15 =	vsub.f32 $1.500000000e+00, v15;
	v16 =	vmul.f32 v16, v14  }
0x1ee: {  	v53 =	vld [tilespmem:s18+$0xFFFFFF90];
	v48 =	vsub.f32 v42, v44;
	v4 =	vsub.f32 $1.500000000e+00, v17;
	v27 =	vmul.f32 v18, v38  }
0x1ef: {  	v17 =	vld [tilespmem:s18+$0xFFFFFF80];
	v13 =	vmul.f32 v15, v13;
	v15 =	vsub.f32 $1.500000000e+00, v16;
	v16 =	vmul.f32 v22, v21  }
0x1f0: {  	v55 =	vld [tilespmem:s18+$0xFFFFFFD0];
	v12 =	vadd.f32 v20, v12;
	v20 =	vsub.f32 v51, v54;
	v27 =	vmul.f32 v27, v18  }
0x1f1: {  	v19 =	vld [tilespmem:s26+$0xFFFFFFA0];
	v6 =	vmul.f32 v13, v6;
	v13 =	vmul.f32 v15, v14;
	v14 =	vsub.f32 $1.500000000e+00, v16  }
0x1f2: {  	v56 =	vmul.f32 v43, v41;
	v57 =	vld [tilespmem:s26+$0xFFFFFFF0];
	v12 =	vsub.f32 v12, v47;
	v27 =	vsub.f32 $1.500000000e+00, v27  }
0x1f3: {  	v15 =	vld [tilespmem:s26+$0xFFFFFFB0];
	v6 =	vadd.f32 $0.0e+00, v6;
	v8 =	vmul.f32 v13, v8;
	v13 =	vmul.f32 v14, v21  }
0x1f4: {  	v12 =	vmul.f32 v12, v12;
	v17 =	vsub.f32 v48, v17;
	v16 =	vmul.f32 v45, v39;
	v14 =	vld [tilespmem:s3+$0xFFFFFFB0]  }
0x1f5: {  	v59 =	vld [tilespmem:s3+$0xFFFFFFF0];
	v6 =	vadd.f32 v8, v6;
	v8 =	vmul.f32 v13, v11;
	v11 =	vmul.f32 v27, v18  }
0x1f6: {  	v58 =	vmul.f32 v50, v19;
	v13 =	vadd.f32 v16, v56;
	v16 =	vmul.f32 v52, v49  }
0x1f7: {  	v18 =	vmul.f32 v52, v19;
	v19 =	vld [tilespmem:s18+$0xFFFFFFA0];
	v6 =	vadd.f32 v8, v6;
	v8 =	vmul.f32 v11, v10  }
0x1f8: {  	v11 =	vmul.f32 v17, v17;
	v17 =	vsub.f32 v20, v53;
	v13 =	vsub.f32 v13, v55  }
0x1f9: {  	v10 =	vld [tilespmem:s18+$0xFFFFFFE0];
	v60 =	vmul.f32 v14, v15;
	v14 =	vmul.f32 v14, v57;
	v61 =	vadd.f32 v8, v6  }
0x1fa: {  	s29 =	simm.s32 $0x81;
	v63 =	vld [tilespmem:s18+$0xFFFFFFF0];
	v6 =	vsub.f32 v58, v16;
	v8 =	vadd.f32 v12, v11;
	v12 =	vmul.f32 v59, v15  }
0x1fb: {  	v7 =	vmov s29;
	v62 =	vld [tilespmem:s18+$0xFFFFFFB0];
	v15 =	vmul.f32 v17, v17;
	v13 =	vmul.f32 v13, v13;
	(xrf2) =	vadd.scan.msk.f32 $0xffff, v61  }
0x1fc: {  	v16 =	vadd.f32 v18, v23;
	v18 =	vmul.f32 v59, v57;
	v17 =	vsub.f32 v6, v19  }
0x1fd: {  	v19 =	vshrl.u32 v8, $0x1;
	v6 =	vadd.f32 v13, v15;
	v12 =	vadd.f32 v12, v14  }
0x1fe: {  	v11 =	vmul.f32 $5.000000000e-01, v8;
	v10 =	vsub.f32 v16, v10;
	v16 =	vsub.f32 v60, v18  }
0x1ff: {  	v13 =	vsub.s32 $0x5F3759DF, v19;
	v14 =	vmul.f32 v17, v17;
	v17 =	vsub.f32 v12, v63  }
0x200: {  	v10 =	vmul.f32 v10, v10;
	v15 =	vsub.f32 v16, v62;
	v16 =	vshrl.u32 v6, $0x1  }
0x201: {  	[tilespmem:v7+s23+$0x0] =	vst.idx.msk vm0, v9;
	v18 =	vmul.f32 v13, v11;
	v12 =	vmul.f32 $5.000000000e-01, v6;
	v9 =	vsub.s32 $0x5F3759DF, v16  }
0x202: {  	s20 =	simm.s32 $0xFFFFFFFE;
	s30 =	simm.s32 $0x83;
	v10 =	vadd.f32 v10, v14;
	v14 =	vmul.f32 v15, v15;
	v15 =	vmul.f32 v17, v17  }
0x203: {  	s24 =	simm.s32 $0x0;
	s25 =	simm.s32 $0x2;
	v7 =	vmov s30;
	s26 =	simm.s32 $0x4880;
	v16 =	vmul.f32 v13, v18;
	v17 =	vmul.f32 v9, v12  }
.LBB2_4:
0x204: {  	v18 =	vld [tilespmem:s26+$0x30];
	v19 =	vshrl.u32 v10, $0x1;
	v20 =	vmul.f32 $5.000000000e-01, v10;
	v14 =	vadd.f32 v15, v14;
	s29 =	smov.u32 s25  }
0x205: {  	s3 =	sadd.s32 $0x100, s3;
	v15 =	vld [tilespmem:s26+$0x70];
	v16 =	vsub.f32 $1.500000000e+00, v16;
	v17 =	vmul.f32 v9, v17;
	v19 =	vsub.s32 $0x5F3759DF, v19;
	v21, _, _ =	vpop (xrf2)  }
0x206: {  	v22 =	vld [tilespmem:s3+$0x30];
	v23 =	vmul.f32 v19, v20;
	v24 =	vshrl.u32 v14, $0x1;
	v21 =	vsub.f32 $9.000000000e+00, v21  }
0x207: {  	v25 =	vld [tilespmem:s3+$0x70];
	v13 =	vmul.f32 v13, v16;
	v16 =	vsub.s32 $0x5F3759DF, v24;
	v24 =	vmul.f32 $5.000000000e-01, v14  }
0x208: {  	v3 =	vmul.f32 v3, v0;
	v17 =	vsub.f32 $1.500000000e+00, v17;
	v26 =	vld [tilespmem:s26+$0x20];
	v23 =	vmul.f32 v19, v23;
	[tilespmem:v7+s23+$0x0] =	vst.idx.msk vm0, v21  }
0x209: {  	v0 =	vmov v10;
	v21 =	vld [tilespmem:s26+$0x60];
	v7 =	vmul.f32 v13, v11;
	v11 =	vmul.f32 v16, v24  }
0x20a: {  	v2 =	vmul.f32 v4, v2;
	v9 =	vmul.f32 v9, v17;
	v10 =	vld [tilespmem:s3+$0x20];
	v17 =	vsub.f32 $1.500000000e+00, v23  }
0x20b: {  	v3 =	vadd.f32 v3, v5;
	v4 =	vld [tilespmem:s3+$0x60];
	v7 =	vmul.f32 v7, v13;
	v11 =	vmul.f32 v16, v11  }
0x20c: {  	v12 =	vmul.f32 v9, v12;
	v5 =	vld [tilespmem:s26+$0x10];
	v17 =	vmul.f32 v19, v17  }
0x20d: {  	v23 =	vmul.f32 v2, v1;
	v1 =	vmovc v14;
	v19 =	vld [tilespmem:s26+$0x50];
	v7 =	vsub.f32 $1.500000000e+00, v7;
	v11 =	vsub.f32 $1.500000000e+00, v11  }
0x20e: {  	v12 =	vmul.f32 v12, v9;
	v14 =	vld [tilespmem:s3+$0x10];
	v20 =	vmul.f32 v17, v20  }
0x20f: {  	v3 =	vadd.f32 v23, v3;
	v27 =	vld [tilespmem:s3+$0x50];
	v7 =	vmul.f32 v7, v13;
	v2 =	vmul.f32 v16, v11  }
0x210: {  	v12 =	vsub.f32 $1.500000000e+00, v12;
	v11 =	vld [tilespmem:s26+$0x0];
	v13 =	vmul.f32 v20, v17  }
0x211: {  	v16 =	vld [tilespmem:s26+$0x40];
	v7 =	vmul.f32 v7, v8;
	v8 =	vmul.f32 v2, v24;
	(xrf2) =	vadd.scan.msk.f32 $0xffff, v3  }
0x212: {  	v23 =	vmul.f32 v25, v15;
	v20 =	vmul.f32 v22, v18;
	v3 =	vld [tilespmem:s3+$0x0];
	v13 =	vsub.f32 $1.500000000e+00, v13  }
0x213: {  	v15 =	vmul.f32 v22, v15;
	v18 =	vmul.f32 v25, v18;
	v24 =	vld [tilespmem:s3+$0x40];
	v22 =	vadd.f32 $0.0e+00, v7  }
0x214: {  	s18 =	sadd.s32 $0x100, s18;
	v25 =	vmul.f32 v10, v26;
	v28 =	vmul.f32 v4, v21;
	v7 =	vld [tilespmem:s26+$0xFFFFFFC0]  }
0x215: {  	s25 =	sadd.s32 $0x2, s25;
	v4 =	vmul.f32 v4, v26;
	v10 =	vmul.f32 v10, v21;
	v21 =	vld [tilespmem:s18+$0x30]  }
0x216: {  	s30 =	sadd.s32 $0x82, s20;
	s20 =	smov.u32 s24;
	p0 =	slt.u32 s25, $0x7E;
	v26 =	vmul.f32 v14, v5;
	v29 =	vmul.f32 v27, v19;
	v30 =	vld [tilespmem:s18+$0x70]  }
0x217: {  	s24 =	smov.u32 s29;
	v14 =	vmul.f32 v14, v19;
	v5 =	vmul.f32 v27, v5;
	v27 =	vmov s30;
	v19 =	vld [tilespmem:s18+$0x20]  }
0x218: {  	v27 =	vand.u32 $0xFFFFFFFE, v27;
	v32 =	vmul.f32 v3, v11;
	v31 =	vld [tilespmem:s18+$0x0];
	v33 =	vmul.f32 v24, v16  }
0x219: {  	v20 =	vsub.f32 v20, v23;
	v15 =	vadd.f32 v18, v15;
	v11 =	vmul.f32 v24, v11;
	v34 =	vld [tilespmem:s18+$0x40]  }
0x21a: {  	v18 =	vsub.f32 v25, v28;
	v4 =	vadd.f32 v4, v10;
	v3 =	vmul.f32 v3, v16;
	v16 =	vld [tilespmem:s18+$0x10]  }
0x21b: {  	v9 =	vmul.f32 v12, v9;
	v23 =	vsub.f32 v26, v29;
	v5 =	vadd.f32 v5, v14;
	v10 =	vld [tilespmem:s18+$0x50];
	v12, _, _ =	vpop (xrf2)  }
0x21c: {  	v8 =	vmul.f32 v8, v2;
	v14 =	vsub.f32 v32, v33;
	v3 =	vadd.f32 v11, v3;
	v11 =	vld [tilespmem:s18+$0x60]  }
0x21d: {  	v6 =	vmul.f32 v9, v6;
	v20 =	vsub.f32 v20, v21;
	v15 =	vsub.f32 v15, v30;
	v24 =	vld [tilespmem:s3+$0xFFFFFF80]  }
0x21e: {  	v14 =	vsub.f32 v14, v31;
	v9 =	vld [tilespmem:s3+$0xFFFFFFC0];
	v21 =	vsub.f32 v3, v34;
	v3 =	vmul.f32 v13, v17  }
0x21f: {  	v17 =	vsub.f32 v18, v19;
	v18 =	vbroadcast v27, $0x0;
	v13 =	vld [tilespmem:s26+$0xFFFFFF80];
	v16 =	vsub.f32 v23, v16  }
0x220: {  	v14 =	vmul.f32 v14, v14;
	v19 =	vld [tilespmem:s26+$0xFFFFFF90];
	v21 =	vmul.f32 v21, v21;
	v5 =	vsub.f32 v5, v10  }
0x221: {  	v15 =	vmul.f32 v15, v15;
	v10 =	vld [tilespmem:s26+$0xFFFFFFD0];
	v4 =	vsub.f32 v4, v11;
	v11 =	vmul.f32 v20, v20  }
0x222: {  	v16 =	vmul.f32 v16, v16;
	v20 =	vld [tilespmem:s3+$0xFFFFFF90];
	v14 =	vadd.f32 v21, v14;
	v5 =	vmul.f32 v5, v5  }
0x223: {  	v17 =	vmul.f32 v17, v17;
	v21 =	vld [tilespmem:s3+$0xFFFFFFD0];
	v23 =	vmul.f32 v4, v4;
	v4 =	vsub.f32 $1.500000000e+00, v8  }
0x224: {  	v8 =	vld [tilespmem:s18+$0xFFFFFF80];
	v25 =	vshrl.u32 v14, $0x1;
	v26 =	vmul.f32 $5.000000000e-01, v14;
	v16 =	vadd.f32 v5, v16  }
0x225: {  	v11 =	vadd.f32 v15, v11;
	v27 =	vld [tilespmem:s18+$0xFFFFFFC0];
	v25 =	vsub.s32 $0x5F3759DF, v25;
	v17 =	vadd.f32 v23, v17  }
0x226: {  	v15 =	vld [tilespmem:s26+$0xFFFFFFA0];
	v5 =	vmul.f32 v25, v26;
	v23 =	vshrl.u32 v16, $0x1;
	v28 =	vmul.f32 $5.000000000e-01, v16  }
0x227: {  	v29 =	vld [tilespmem:s26+$0xFFFFFFE0];
	v23 =	vsub.s32 $0x5F3759DF, v23;
	v30 =	vshrl.u32 v17, $0x1;
	v31 =	vmul.f32 $5.000000000e-01, v17  }
0x228: {  	v32 =	vld [tilespmem:s3+$0xFFFFFFA0];
	v5 =	vmul.f32 v25, v5;
	v33 =	vmul.f32 v23, v28;
	v30 =	vsub.s32 $0x5F3759DF, v30  }
0x229: {  	v36 =	vshrl.u32 v11, $0x1;
	v37 =	vmul.f32 $5.000000000e-01, v11;
	v34 =	vld [tilespmem:s3+$0xFFFFFFE0];
	v35 =	vmul.f32 v30, v31  }
0x22a: {  	v36 =	vsub.s32 $0x5F3759DF, v36;
	v38 =	vld [tilespmem:s18+$0xFFFFFF90];
	v39 =	vsub.f32 $1.500000000e+00, v5;
	v33 =	vmul.f32 v23, v33  }
0x22b: {  	v41 =	vmul.f32 v36, v37;
	v5 =	vadd.f32 v6, v22;
	v40 =	vld [tilespmem:s18+$0xFFFFFFD0];
	v35 =	vmul.f32 v30, v35  }
0x22c: {  	v6 =	vmul.f32 v24, v13;
	v22 =	vld [tilespmem:s26+$0xFFFFFFB0];
	v25 =	vmul.f32 v25, v39;
	v33 =	vsub.f32 $1.500000000e+00, v33  }
0x22d: {  	v41 =	vmul.f32 v36, v41;
	v39 =	vmul.f32 v9, v7;
	v42 =	vld [tilespmem:s26+$0xFFFFFFF0];
	v35 =	vsub.f32 $1.500000000e+00, v35  }
0x22e: {  	v12 =	vsub.f32 $9.000000000e+00, v12;
	v43 =	vld [tilespmem:s3+$0xFFFFFFB0];
	v26 =	vmul.f32 v25, v26;
	v23 =	vmul.f32 v23, v33  }
0x22f: {  	v9 =	vmul.f32 v9, v13;
	v33 =	vsub.f32 $1.500000000e+00, v41;
	v13 =	vld [tilespmem:s3+$0xFFFFFFF0];
	v30 =	vmul.f32 v30, v35  }
0x230: {  	v6 =	vsub.f32 v6, v39;
	v35 =	vld [tilespmem:s18+$0xFFFFFFA0];
	v26 =	vmul.f32 v26, v25;
	v28 =	vmul.f32 v23, v28  }
0x231: {  	v7 =	vmul.f32 v24, v7;
	v33 =	vmul.f32 v36, v33;
	v24 =	vld [tilespmem:s18+$0xFFFFFFE0];
	[tilespmem:v18+s23+$0x0] =	vst.idx.msk vm0, v12  }
0x232: {  	v12 =	vld [tilespmem:s18+$0xFFFFFFB0];
	v18 =	vsub.f32 $1.500000000e+00, v26;
	v26 =	vmul.f32 v28, v23;
	v28 =	vmul.f32 v30, v31  }
0x233: {  	v7 =	vadd.f32 v9, v7;
	v9 =	vmul.f32 v20, v19;
	v36 =	vmul.f32 v33, v37;
	v31 =	vld [tilespmem:s18+$0xFFFFFFF0]  }
0x234: {  	v18 =	vmul.f32 v18, v25;
	v25 =	vsub.f32 $1.500000000e+00, v26;
	v26 =	vmul.f32 v28, v30  }
0x235: {  	v6 =	vsub.f32 v6, v8;
	v8 =	vmul.f32 v21, v10;
	v28 =	vmul.f32 v36, v33  }
0x236: {  	v14 =	vmul.f32 v18, v14;
	v18 =	vmul.f32 v25, v23;
	v23 =	vsub.f32 $1.500000000e+00, v26  }
0x237: {  	v19 =	vmul.f32 v21, v19;
	v10 =	vmul.f32 v20, v10;
	v20 =	vsub.f32 $1.500000000e+00, v28  }
0x238: {  	v14 =	vadd.f32 $0.0e+00, v14;
	v16 =	vmul.f32 v18, v16;
	v18 =	vmul.f32 v23, v30  }
0x239: {  	v7 =	vsub.f32 v7, v27;
	v8 =	vsub.f32 v9, v8;
	v9 =	vmul.f32 v32, v15  }
0x23a: {  	v14 =	vadd.f32 v16, v14;
	v16 =	vmul.f32 v18, v17;
	v17 =	vmul.f32 v20, v33  }
0x23b: {  	v10 =	vadd.f32 v19, v10;
	v15 =	vmul.f32 v34, v15;
	v18 =	vmul.f32 v34, v29  }
0x23c: {  	v19 =	vmul.f32 v32, v29;
	v14 =	vadd.f32 v16, v14;
	v11 =	vmul.f32 v17, v11  }
0x23d: {  	v6 =	vmul.f32 v6, v6;
	v7 =	vmul.f32 v7, v7;
	v16 =	vsub.f32 v8, v38  }
0x23e: {  	v10 =	vsub.f32 v10, v40;
	v17 =	vmul.f32 v43, v22;
	v11 =	vadd.f32 v11, v14  }
0x23f: {  	v9 =	vsub.f32 v9, v18;
	v14 =	vadd.f32 v15, v19;
	v15 =	vmul.f32 v13, v42  }
0x240: {  	v8 =	vadd.f32 v7, v6;
	v7 =	vmul.f32 v13, v22;
	v13 =	vmul.f32 v43, v42;
	(xrf2) =	vadd.scan.msk.f32 $0xffff, v11  }
0x241: {  	v10 =	vmul.f32 v10, v10;
	v6 =	vmul.f32 v16, v16;
	v9 =	vsub.f32 v9, v35  }
0x242: {  	v16 =	vshrl.u32 v8, $0x1;
	v14 =	vsub.f32 v14, v24;
	v15 =	vsub.f32 v17, v15  }
0x243: {  	v11 =	vmul.f32 $5.000000000e-01, v8;
	v6 =	vadd.f32 v10, v6;
	v7 =	vadd.f32 v7, v13  }
.Ltmp1:
0x244: {  	v9 =	vmul.f32 v9, v9;
	v10 =	vmul.f32 v14, v14;
	v14 =	vsub.f32 v15, v12;
	(pc) =	sbr.rel @p0 .LBB2_4-.Ltmp1, $4  }
0x245: {  	v13 =	vsub.s32 $0x5F3759DF, v16;
	v15 =	vshrl.u32 v6, $0x1;
	v7 =	vsub.f32 v7, v31  }
0x246: {  	v16 =	vmul.f32 v13, v11;
	v12 =	vmul.f32 $5.000000000e-01, v6;
	v10 =	vadd.f32 v10, v9  }
0x247: {  	s29 =	sadd.s32 $0x83, s24;
	v9 =	vsub.s32 $0x5F3759DF, v15;
	v14 =	vmul.f32 v14, v14;
	v15 =	vmul.f32 v7, v7  }
0x248: {  	s26 =	sadd.s32 $0x100, s26;
	v16 =	vmul.f32 v13, v16;
	v7 =	vmov s29;
	v17 =	vmul.f32 v9, v12  }
0x249: {  	v18 =	vshrl.u32 v10, $0x1;
	v19 =	vmul.f32 $5.000000000e-01, v10;
	v14 =	vadd.f32 v15, v14  }
0x24a: {  	v15 =	vsub.f32 $1.500000000e+00, v16;
	v16 =	vmul.f32 v9, v17;
	v17 =	vsub.s32 $0x5F3759DF, v18  }
0x24b: {  	v18 =	vmul.f32 v17, v19;
	v20 =	vshrl.u32 v14, $0x1;
	v21 =	vmul.f32 $5.000000000e-01, v14  }
0x24c: {  	v13 =	vmul.f32 v13, v15;
	v15 =	vsub.s32 $0x5F3759DF, v20;
	v16 =	vsub.f32 $1.500000000e+00, v16  }
0x24d: {  	v18 =	vmul.f32 v17, v18;
	v20 =	vmul.f32 v15, v21  }
0x24e: {  	v11 =	vmul.f32 v13, v11;
	v9 =	vmul.f32 v9, v16  }
0x24f: {  	v16 =	vsub.f32 $1.500000000e+00, v18;
	v18 =	vmul.f32 v15, v20  }
0x250: {  	v11 =	vmul.f32 v11, v13;
	v12 =	vmul.f32 v9, v12  }
0x251: {  	v16 =	vmul.f32 v17, v16;
	v17 =	vsub.f32 $1.500000000e+00, v18  }
0x252: {  	v11 =	vsub.f32 $1.500000000e+00, v11;
	v12 =	vmul.f32 v12, v9  }
0x253: {  	v18 =	vmul.f32 v16, v19;
	v15 =	vmul.f32 v15, v17  }
0x254: {  	v11 =	vmul.f32 v11, v13  }
0x255: {  	v12 =	vsub.f32 $1.500000000e+00, v12;
	v13 =	vmul.f32 v18, v16;
	v17 =	vmul.f32 v15, v21  }
0x256: {  	v8 =	vmul.f32 v11, v8  }
0x257: {  	v9 =	vmul.f32 v12, v9;
	v11 =	vsub.f32 $1.500000000e+00, v13;
	v12 =	vmul.f32 v17, v15  }
0x258: {  	v8 =	vadd.f32 $0.0e+00, v8  }
0x259: {  	v6 =	vmul.f32 v9, v6;
	v9 =	vmul.f32 v11, v16;
	v11 =	vsub.f32 $1.500000000e+00, v12  }
0x25a: {  	v0 =	vmul.f32 v3, v0;
	v2 =	vmul.f32 v4, v2  }
0x25b: {  	v3 =	vadd.f32 v6, v8;
	v4 =	vmul.f32 v9, v10;
	v6 =	vmul.f32 v11, v15  }
0x25c: {  	v0 =	vadd.f32 v0, v5;
	v1 =	vmul.f32 v2, v1  }
0x25d: {  	v2 =	vadd.f32 v4, v3;
	v3 =	vmul.f32 v6, v14  }
0x25e: {  	v0 =	vadd.f32 v1, v0  }
0x25f: {  	v1 =	vadd.f32 v3, v2  }
0x260: {  	(xrf2) =	vadd.scan.msk.f32 $0xffff, v0  }
0x261: {  	(xrf2) =	vadd.scan.msk.f32 $0xffff, v1;
	_ =	sdelay $0x2  }
0x262: {  	s3 =	sadd.s32 $0x82, s20  }
0x263: {  	s18 =	sadd.s32 $0x82, s24;
	v0 =	vmov s3  }
0x264: {  	v0 =	vand.u32 $0xFFFFFFFE, v0;
	v1 =	vmov s18  }
0x265: {  	v0 =	vbroadcast v0, $0x0;
	v1 =	vand.u32 $0xFFFFFFFE, v1  }
0x266: {  	v1 =	vbroadcast v1, $0x0  }
0x267: {  	v2, _, _ =	vpop (xrf2)  }
0x268: {  	v3, _, _ =	vpop (xrf2);
	v2 =	vsub.f32 $9.000000000e+00, v2  }
0x269: {  	v3 =	vsub.f32 $9.000000000e+00, v3;
	v4, _, _ =	vpop (xrf2)  }
0x26a: {  	[tilespmem:v7+s23+$0x0] =	vst.idx.msk vm0, v2;
	v2 =	vsub.f32 $9.000000000e+00, v4  }
0x26b: {  	[tilespmem:v0+s23+$0x0] =	vst.idx.msk vm0, v3  }
0x26c: {  	s20 =	simm.s32 $0x180;
	[tilespmem:v1+s23+$0x0] =	vst.idx.msk vm0, v2  }
0x26d: {  	[tilespmem:s17], [sflag:$0x2] =	stream.indirect.gather [hbm4b:s1+s13], $0x80, s20, s13, $0xb8;
	[tilespmem:$0x18800] =	vst v63  }
0x26e: {  	s24 =	simm.s32 $0x380  }
0x26f: {  	[tilespmem:s19], [sflag:$0x2] =	stream.indirect.gather [hbm4b:s4+s13], $0x80, s24, s13, $0xb8;
	[tilespmem:$0x18800] =	vst v63  }
0x270: {  	_ = 	snop  }
0x271: {  	[tilespmem:s21], [sflag:$0x2] =	stream.indirect.gather [hbm4b:s1+s13], $0x80, s31, s13, $0xb8;
	[tilespmem:$0x18800] =	vst v63  }
0x272: {  	_ =	swait.ge [sflag:s22], $0x4000  }
0x273: {  	[sflag:s22] =	ssyncset.done $0x0  }
0x274: {  	[sflag:s22] =	ssyncadd.s32 $0xFFFFC000  }
0x275: {  	_ =	swait.ge [sflag:s22], $0x4000  }
0x276: {  	[sflag:s22] =	ssyncset.done $0x0  }
0x277: {  	[sflag:s22] =	ssyncadd.s32 $0xFFFFC000  }
0x278: {  	_ =	swait.ge [sflag:s22], $0x4000  }
0x279: {  	[sflag:s22] =	ssyncset.done $0x0  }
0x27a: {  	s25 =	simm.s32 $0x680;
	[sflag:s22] =	ssyncadd.s32 $0xFFFFC000  }
0x27b: {  	v0 =	vld [tilespmem:s25+$0x30]  }
0x27c: {  	s18 =	simm.s32 $0x8680;
	v1 =	vld [tilespmem:s25+$0x70]  }
0x27d: {  	v2 =	vld [tilespmem:s18+$0x30]  }
0x27e: {  	v3 =	vld [tilespmem:s18+$0x70]  }
0x27f: {  	v4 =	vld [tilespmem:s25+$0x20]  }
0x280: {  	v5 =	vld [tilespmem:s25+$0x60]  }
0x281: {  	v6 =	vld [tilespmem:s18+$0x20]  }
0x282: {  	v7 =	vld [tilespmem:s18+$0x60]  }
0x283: {  	v8 =	vld [tilespmem:s25+$0x10]  }
0x284: {  	v9 =	vld [tilespmem:s25+$0x50]  }
0x285: {  	v10 =	vld [tilespmem:s18+$0x10]  }
0x286: {  	v11 =	vld [tilespmem:s18+$0x50]  }
0x287: {  	v12 =	vld [tilespmem:s25+$0x0]  }
0x288: {  	v13 =	vld [tilespmem:s25+$0x40]  }
0x289: {  	v14 =	vld [tilespmem:s18+$0x0]  }
0x28a: {  	s26 =	simm.s32 $0x10680;
	v17 =	vld [tilespmem:s18+$0x40]  }
0x28b: {  	v19 =	vld [tilespmem:s26+$0x70]  }
0x28c: {  	v22 =	vld [tilespmem:s26+$0x40]  }
0x28d: {  	v59 =	vld [tilespmem:s25+$0xFFFFFFD0]  }
0x28e: {  	s29 =	simm.s32 $0x780;
	v23 =	vld [tilespmem:s18+$0xFFFFFFD0];
	v15 =	vmul.f32 v2, v0;
	v16 =	vmul.f32 v3, v1  }
0x28f: {  	s3 =	simm.s32 $0x8780;
	v37 =	vld [tilespmem:s29+$0x70];
	v0 =	vmul.f32 v3, v0;
	v1 =	vmul.f32 v2, v1  }
0x290: {  	v40 =	vld [tilespmem:s3+$0x70];
	v2 =	vmul.f32 v6, v4;
	v3 =	vmul.f32 v7, v5  }
0x291: {  	v44 =	vld [tilespmem:s29+$0x20];
	v4 =	vmul.f32 v7, v4;
	v5 =	vmul.f32 v6, v5  }
0x292: {  	v47 =	vld [tilespmem:s3+$0x20];
	v7 =	vmul.f32 v10, v8;
	v18 =	vmul.f32 v11, v9  }
0x293: {  	v8 =	vmul.f32 v11, v8;
	v9 =	vmul.f32 v10, v9;
	v10 =	vld [tilespmem:s26+$0x20]  }
0x294: {  	v11 =	vld [tilespmem:s26+$0x0];
	v57 =	vmul.f32 v14, v12;
	v58 =	vmul.f32 v17, v13  }
0x295: {  	v0 =	vadd.f32 v0, v1;
	v1 =	vmul.f32 v14, v13;
	v13 =	vld [tilespmem:s26+$0x10];
	v2 =	vsub.f32 v2, v3  }
0x296: {  	v3 =	vadd.f32 v4, v5;
	v4 =	vld [tilespmem:s26+$0x50];
	v5 =	vsub.f32 v7, v18  }
0x297: {  	v12 =	vmul.f32 v17, v12;
	v7 =	vadd.f32 v8, v9;
	v8 =	vsub.f32 v57, v58;
	v9 =	vld [tilespmem:s26+$0x60]  }
0x298: {  	v6 =	vld [tilespmem:s26+$0x30];
	v63 =	vmul.f32 v23, v59;
	v15 =	vsub.f32 v15, v16  }
0x299: {  	v30 =	vmul.f32 v40, v37;
	v1 =	vadd.f32 v12, v1;
	v8 =	vsub.f32 v8, v11  }
0x29a: {  	v48 =	vld [tilespmem:s29+$0x10];
	v52 =	vmul.f32 v47, v44;
	v0 =	vsub.f32 v0, v19;
	v2 =	vsub.f32 v2, v10  }
0x29b: {  	v49 =	vld [tilespmem:s3+$0x50];
	v1 =	vsub.f32 v1, v22;
	v5 =	vsub.f32 v5, v13;
	v8 =	vmul.f32 v8, v8  }
0x29c: {  	v4 =	vsub.f32 v7, v4;
	v3 =	vsub.f32 v3, v9;
	v2 =	vmul.f32 v2, v2  }
0x29d: {  	v6 =	vsub.f32 v15, v6;
	v1 =	vmul.f32 v1, v1;
	v5 =	vmul.f32 v5, v5  }
0x29e: {  	v4 =	vmul.f32 v4, v4;
	v3 =	vmul.f32 v3, v3  }
0x29f: {  	v0 =	vmul.f32 v0, v0;
	v6 =	vmul.f32 v6, v6;
	v1 =	vadd.f32 v1, v8  }
0x2a0: {  	v20 =	vmul.f32 v49, v48;
	v4 =	vadd.f32 v4, v5;
	v3 =	vadd.f32 v3, v2  }
0x2a1: {  	v14 =	vld [tilespmem:s25+$0xFFFFFF80];
	v2 =	vadd.f32 v0, v6;
	v7 =	vshrl.u32 v1, $0x1;
	v8 =	vmul.f32 $5.000000000e-01, v1  }
0x2a2: {  	v0 =	vld [tilespmem:s18+$0xFFFFFF80];
	v7 =	vsub.s32 $0x5F3759DF, v7;
	v9 =	vshrl.u32 v4, $0x1;
	v10 =	vmul.f32 $5.000000000e-01, v4  }
0x2a3: {  	v11 =	vld [tilespmem:s18+$0xFFFFFFC0];
	v12 =	vshrl.u32 v3, $0x1;
	v13 =	vmul.f32 $5.000000000e-01, v3;
	v18 =	vshrl.u32 v2, $0x1  }
0x2a4: {  	v5 =	vld [tilespmem:s25+$0xFFFFFFC0];
	v19 =	vmul.f32 $5.000000000e-01, v2;
	v6 =	vmul.f32 v7, v8;
	v9 =	vsub.s32 $0x5F3759DF, v9  }
0x2a5: {  	v12 =	vsub.s32 $0x5F3759DF, v12;
	v18 =	vsub.s32 $0x5F3759DF, v18;
	v15 =	vmul.f32 v9, v10  }
0x2a6: {  	v60 =	vld [tilespmem:s18+$0xFFFFFF90];
	v17 =	vmul.f32 v12, v13;
	v61 =	vmul.f32 v18, v19  }
0x2a7: {  	v25 =	vld [tilespmem:s26+$0xFFFFFFC0];
	v6 =	vmul.f32 v7, v6;
	v24 =	vmul.f32 v0, v14  }
0x2a8: {  	v27 =	vld [tilespmem:s18+$0xFFFFFFA0];
	v17 =	vmul.f32 v12, v17;
	v22 =	vmul.f32 v18, v61  }
0x2a9: {  	v16 =	vld [tilespmem:s25+$0xFFFFFF90];
	v26 =	vmul.f32 v11, v5;
	v15 =	vmul.f32 v9, v15;
	v6 =	vsub.f32 $1.500000000e+00, v6  }
0x2aa: {  	v11 =	vmul.f32 v11, v14;
	v14 =	vld [tilespmem:s25+$0xFFFFFFE0];
	v17 =	vsub.f32 $1.500000000e+00, v17;
	v22 =	vsub.f32 $1.500000000e+00, v22  }
0x2ab: {  	v0 =	vmul.f32 v0, v5;
	v5 =	vld [tilespmem:s18+$0xFFFFFFE0];
	v6 =	vmul.f32 v7, v6;
	v7 =	vsub.f32 $1.500000000e+00, v15  }
0x2ac: {  	v15 =	vld [tilespmem:s26+$0xFFFFFF80];
	v12 =	vmul.f32 v12, v17;
	v17 =	vmul.f32 v18, v22  }
0x2ad: {  	v8 =	vmul.f32 v6, v8;
	v7 =	vmul.f32 v9, v7;
	v9 =	vld [tilespmem:s25+$0xFFFFFFA0]  }
0x2ae: {  	v62 =	vmul.f32 v60, v16;
	v0 =	vadd.f32 v11, v0;
	v19 =	vmul.f32 v17, v19  }
0x2af: {  	v24 =	vsub.f32 v24, v26;
	v8 =	vmul.f32 v8, v6;
	v10 =	vmul.f32 v7, v10  }
0x2b0: {  	v28 =	vld [tilespmem:s26+$0xFFFFFFD0];
	v0 =	vsub.f32 v0, v25;
	v33 =	vmul.f32 v5, v14;
	v13 =	vmul.f32 v12, v13  }
0x2b1: {  	v29 =	vld [tilespmem:s25+$0xFFFFFFF0];
	v11 =	vmul.f32 v19, v17;
	v8 =	vsub.f32 $1.500000000e+00, v8;
	v10 =	vmul.f32 v10, v7  }
0x2b2: {  	v18 =	vld [tilespmem:s26+$0xFFFFFF90];
	v15 =	vsub.f32 v24, v15;
	v32 =	vmul.f32 v27, v9;
	v5 =	vmul.f32 v5, v9  }
0x2b3: {  	v9 =	vmul.f32 v27, v14;
	v14 =	vld [tilespmem:s26+$0xFFFFFFE0];
	v6 =	vmul.f32 v8, v6;
	v8 =	vsub.f32 $1.500000000e+00, v10  }
0x2b4: {  	v0 =	vmul.f32 v0, v0;
	v13 =	vmul.f32 v13, v12;
	v10 =	vld [tilespmem:s25+$0xFFFFFFB0]  }
0x2b5: {  	v15 =	vmul.f32 v15, v15;
	v11 =	vsub.f32 $1.500000000e+00, v11;
	v7 =	vmul.f32 v8, v7;
	v8 =	vld [tilespmem:s18+$0xFFFFFFB0]  }
0x2b6: {  	v5 =	vadd.f32 v5, v9;
	v6 =	vmul.f32 v6, v1;
	v1 =	vmul.f32 v23, v16;
	v16 =	vld [tilespmem:s18+$0xFFFFFFF0]  }
0x2b7: {  	v19 =	vmul.f32 v60, v59;
	v15 =	vadd.f32 v0, v15;
	v11 =	vmul.f32 v11, v17  }
0x2b8: {  	v34 =	vld [tilespmem:s26+$0xFFFFFFA0];
	v4 =	vmul.f32 v7, v4;
	v7 =	vsub.f32 v62, v63;
	v5 =	vsub.f32 v5, v14  }
0x2b9: {  	v11 =	vmul.f32 v11, v2;
	v1 =	vadd.f32 v1, v19;
	v19 =	vsub.f32 v32, v33  }
0x2ba: {  	v14 =	vmul.f32 $5.000000000e-01, v15;
	v7 =	vsub.f32 v7, v18;
	v5 =	vmul.f32 v5, v5  }
0x2bb: {  	v35 =	vld [tilespmem:s26+$0xFFFFFFB0];
	v1 =	vsub.f32 v1, v28;
	v18 =	vmul.f32 v8, v10;
	v9 =	vmul.f32 v16, v29  }
0x2bc: {  	v0 =	vmul.f32 v16, v10;
	v8 =	vmul.f32 v8, v29;
	v10 =	vld [tilespmem:s26+$0xFFFFFFF0]  }
0x2bd: {  	v16 =	vsub.f32 v19, v34;
	v7 =	vmul.f32 v7, v7;
	v1 =	vmul.f32 v1, v1  }
0x2be: {  	v19 =	vshrl.u32 v15, $0x1;
	v9 =	vsub.f32 v18, v9;
	v0 =	vadd.f32 v0, v8  }
0x2bf: {  	v8 =	vsub.f32 $1.500000000e+00, v13;
	v18 =	vadd.f32 v1, v7;
	v7 =	vsub.s32 $0x5F3759DF, v19  }
0x2c0: {  	v1 =	vmul.f32 v16, v16;
	v13 =	vmul.f32 v7, v14;
	v9 =	vsub.f32 v9, v35  }
0x2c1: {  	v8 =	vmul.f32 v8, v12;
	v16 =	vshrl.u32 v18, $0x1;
	v10 =	vsub.f32 v0, v10  }
0x2c2: {  	v19 =	vmul.f32 $5.000000000e-01, v18;
	v0 =	vadd.f32 v5, v1;
	v1 =	vmul.f32 v7, v13  }
0x2c3: {  	v45 =	vld [tilespmem:s29+$0x60];
	v5 =	vsub.s32 $0x5F3759DF, v16;
	v9 =	vmul.f32 v9, v9;
	v3 =	vmul.f32 v8, v3  }
0x2c4: {  	v50 =	vld [tilespmem:s3+$0x0];
	v10 =	vmul.f32 v10, v10;
	v39 =	vmul.f32 v5, v19  }
0x2c5: {  	v13 =	vld [tilespmem:s29+$0x30];
	v16 =	vshrl.u32 v0, $0x1;
	v36 =	vmul.f32 $5.000000000e-01, v0;
	v38 =	vsub.f32 $1.500000000e+00, v1  }
0x2c6: {  	v1 =	vadd.f32 v10, v9;
	v9 =	vsub.s32 $0x5F3759DF, v16;
	v10 =	vld [tilespmem:s3+$0x30];
	v41 =	vmul.f32 v5, v39  }
0x2c7: {  	v60 =	vld [tilespmem:s29+$0xFFFFFF80];
	v6 =	vadd.f32 $0.0e+00, v6;
	v16 =	vmul.f32 v9, v36;
	v7 =	vmul.f32 v7, v38  }
0x2c8: {  	v17 =	vld [tilespmem:s3+$0x60];
	s18 =	simm.s32 $0x10780;
	v42 =	vshrl.u32 v1, $0x1;
	v43 =	vmul.f32 $5.000000000e-01, v1;
	v12 =	vsub.f32 $1.500000000e+00, v41  }
0x2c9: {  	v54 =	vld [tilespmem:s18+$0x30];
	v23 =	vsub.s32 $0x5F3759DF, v42;
	v16 =	vmul.f32 v9, v16;
	v14 =	vmul.f32 v7, v14  }
0x2ca: {  	v31 =	vld [tilespmem:s18+$0x70];
	v4 =	vadd.f32 v4, v6;
	v46 =	vmul.f32 v23, v43;
	v5 =	vmul.f32 v5, v12  }
0x2cb: {  	v58 =	vld [tilespmem:s18+$0x50];
	v16 =	vsub.f32 $1.500000000e+00, v16;
	v14 =	vmul.f32 v14, v7;
	v51 =	vmul.f32 v10, v13  }
0x2cc: {  	v33 =	vld [tilespmem:s18+$0x40];
	v3 =	vadd.f32 v3, v4;
	v13 =	vmul.f32 v40, v13;
	v12 =	vmul.f32 v23, v46  }
0x2cd: {  	v4 =	vld [tilespmem:s3+$0x40];
	v10 =	vmul.f32 v10, v37;
	v8 =	vmul.f32 v9, v16;
	v14 =	vsub.f32 $1.500000000e+00, v14  }
0x2ce: {  	v53 =	vmul.f32 v17, v45;
	v2 =	vmul.f32 v5, v19;
	v16 =	vld [tilespmem:s3+$0x10];
	v12 =	vsub.f32 $1.500000000e+00, v12  }
0x2cf: {  	v9 =	vld [tilespmem:s29+$0x50];
	v10 =	vadd.f32 v13, v10;
	v19 =	vmul.f32 v8, v36;
	v7 =	vmul.f32 v14, v7  }
0x2d0: {  	v3 =	vadd.f32 v11, v3;
	v14 =	vmul.f32 v2, v5;
	v2 =	vmul.f32 v23, v12;
	v12 =	vld [tilespmem:s29+$0x0]  }
0x2d1: {  	v11 =	vmul.f32 v17, v44;
	v10 =	vsub.f32 v10, v31;
	v6 =	vmul.f32 v19, v8;
	v19 =	vld [tilespmem:s29+$0x40]  }
0x2d2: {  	v63 =	vld [tilespmem:s3+$0xFFFFFFC0];
	v17 =	vmul.f32 v47, v45;
	v15 =	vmul.f32 v7, v15  }
0x2d3: {  	v44 =	vld [tilespmem:s3+$0xFFFFFF90];
	v14 =	vsub.f32 $1.500000000e+00, v14;
	v10 =	vmul.f32 v10, v10;
	v55 =	vmul.f32 v16, v48  }
0x2d4: {  	v42 =	vld [tilespmem:s29+$0xFFFFFFD0];
	v56 =	vmul.f32 v49, v9;
	v9 =	vmul.f32 v16, v9  }
0x2d5: {  	(xrf2) =	vadd.scan.msk.f32 $0xffff, v3;
	v11 =	vadd.f32 v11, v17;
	v40 =	vld [tilespmem:s29+$0xFFFFFF90];
	v17 =	vmul.f32 v2, v43;
	v5 =	vmul.f32 v14, v5  }
0x2d6: {  	v3 =	vsub.f32 $1.500000000e+00, v6;
	v6 =	vld [tilespmem:s18+$0x0];
	v57 =	vmul.f32 v50, v12;
	v32 =	vmul.f32 v4, v19  }
0x2d7: {  	v21 =	vsub.f32 v52, v53;
	v16 =	vld [tilespmem:s18+$0x20];
	v4 =	vmul.f32 v4, v12;
	v13 =	vmul.f32 v50, v19  }
0x2d8: {  	v59 =	vsub.f32 v55, v56;
	v9 =	vadd.f32 v20, v9;
	v17 =	vmul.f32 v17, v2;
	v19 =	vld [tilespmem:s18+$0x10]  }
0x2d9: {  	v20 =	vmul.f32 v63, v60;
	v14 =	vsub.f32 v57, v32;
	v4 =	vadd.f32 v4, v13;
	v13 =	vld [tilespmem:s18+$0x60]  }
0x2da: {  	v56 =	vmul.f32 v44, v42;
	v5 =	vmul.f32 v5, v18;
	v12 =	vsub.f32 v51, v30  }
0x2db: {  	v3 =	vmul.f32 v3, v8;
	v6 =	vsub.f32 v14, v6;
	v4 =	vsub.f32 v4, v33  }
0x2dc: {  	v9 =	vsub.f32 v9, v58;
	v51 =	vmul.f32 v44, v40;
	v12 =	vsub.f32 v12, v54  }
0x2dd: {  	v8 =	vsub.f32 v59, v19;
	v6 =	vmul.f32 v6, v6;
	v4 =	vmul.f32 v4, v4  }
0x2de: {  	v14 =	vsub.f32 v21, v16;
	v12 =	vmul.f32 v12, v12;
	v11 =	vsub.f32 v11, v13  }
0x2df: {  	v13, _, _ =	vpop (xrf2);
	v6 =	vadd.f32 v4, v6;
	v4 =	vmul.f32 v8, v8;
	v8 =	vmul.f32 v9, v9  }
0x2e0: {  	v9 =	vsub.f32 $9.000000000e+00, v13;
	v13 =	vmul.f32 v14, v14;
	v11 =	vmul.f32 v11, v11  }
0x2e1: {  	v14 =	vshrl.u32 v6, $0x1;
	v16 =	vmul.f32 $5.000000000e-01, v6;
	v8 =	vadd.f32 v8, v4  }
0x2e2: {  	v10 =	vadd.f32 v10, v12;
	v4 =	vsub.s32 $0x5F3759DF, v14;
	v11 =	vadd.f32 v11, v13  }
0x2e3: {  	v13 =	vmul.f32 v4, v16;
	v14 =	vshrl.u32 v8, $0x1;
	v19 =	vmul.f32 $5.000000000e-01, v8  }
0x2e4: {  	v34 =	vld [tilespmem:s3+$0xFFFFFFD0];
	v14 =	vsub.s32 $0x5F3759DF, v14;
	v61 =	vshrl.u32 v11, $0x1;
	v62 =	vmul.f32 $5.000000000e-01, v11  }
0x2e5: {  	v18 =	vld [tilespmem:s29+$0xFFFFFFC0];
	v13 =	vmul.f32 v4, v13;
	v36 =	vmul.f32 v14, v19;
	v21 =	vsub.s32 $0x5F3759DF, v61  }
0x2e6: {  	v38 =	vshrl.u32 v10, $0x1;
	v39 =	vmul.f32 $5.000000000e-01, v10;
	v37 =	vmul.f32 v21, v62  }
0x2e7: {  	v12 =	vld [tilespmem:s3+$0xFFFFFF80];
	v26 =	vsub.s32 $0x5F3759DF, v38;
	v13 =	vsub.f32 $1.500000000e+00, v13;
	v24 =	vmul.f32 v14, v36  }
0x2e8: {  	v41 =	vmul.f32 v26, v39;
	v25 =	vmul.f32 v21, v37  }
0x2e9: {  	v54 =	vmul.f32 v34, v42;
	v13 =	vmul.f32 v4, v13;
	v24 =	vsub.f32 $1.500000000e+00, v24  }
0x2ea: {  	v45 =	vmul.f32 v63, v18;
	v29 =	vmul.f32 v26, v41;
	v25 =	vsub.f32 $1.500000000e+00, v25  }
0x2eb: {  	v15 =	vadd.f32 $0.0e+00, v15;
	v16 =	vmul.f32 v13, v16;
	v14 =	vmul.f32 v14, v24  }
0x2ec: {  	v52 =	vld [tilespmem:s3+$0xFFFFFFE0];
	v43 =	vmul.f32 v12, v60;
	v46 =	vsub.f32 $1.500000000e+00, v29;
	v21 =	vmul.f32 v21, v25  }
0x2ed: {  	v47 =	vld [tilespmem:s18+$0xFFFFFFC0];
	v5 =	vadd.f32 v5, v15;
	v15 =	vmul.f32 v16, v13;
	v16 =	vmul.f32 v14, v19  }
0x2ee: {  	v49 =	vld [tilespmem:s29+$0xFFFFFFE0];
	v12 =	vmul.f32 v12, v18;
	v18 =	vmul.f32 v26, v46  }
0x2ef: {  	v50 =	vld [tilespmem:s3+$0xFFFFFFA0];
	v22 =	vmul.f32 v21, v62;
	v15 =	vsub.f32 $1.500000000e+00, v15;
	v16 =	vmul.f32 v16, v14  }
0x2f0: {  	v53 =	vld [tilespmem:s18+$0xFFFFFF90];
	v48 =	vsub.f32 v43, v45;
	v4 =	vsub.f32 $1.500000000e+00, v17;
	v27 =	vmul.f32 v18, v39  }
0x2f1: {  	v17 =	vld [tilespmem:s18+$0xFFFFFF80];
	v13 =	vmul.f32 v15, v13;
	v15 =	vsub.f32 $1.500000000e+00, v16;
	v16 =	vmul.f32 v22, v21  }
0x2f2: {  	v55 =	vld [tilespmem:s18+$0xFFFFFFD0];
	v12 =	vadd.f32 v20, v12;
	v20 =	vsub.f32 v51, v54;
	v27 =	vmul.f32 v27, v18  }
0x2f3: {  	v19 =	vld [tilespmem:s29+$0xFFFFFFA0];
	v6 =	vmul.f32 v13, v6;
	v13 =	vmul.f32 v15, v14;
	v14 =	vsub.f32 $1.500000000e+00, v16  }
0x2f4: {  	v57 =	vld [tilespmem:s29+$0xFFFFFFF0];
	v23 =	vmul.f32 v50, v49;
	v12 =	vsub.f32 v12, v47;
	v27 =	vsub.f32 $1.500000000e+00, v27  }
0x2f5: {  	v15 =	vld [tilespmem:s29+$0xFFFFFFB0];
	v6 =	vadd.f32 $0.0e+00, v6;
	v8 =	vmul.f32 v13, v8;
	v13 =	vmul.f32 v14, v21  }
0x2f6: {  	v12 =	vmul.f32 v12, v12;
	v17 =	vsub.f32 v48, v17;
	v16 =	vmul.f32 v34, v40;
	v14 =	vld [tilespmem:s3+$0xFFFFFFB0]  }
0x2f7: {  	v59 =	vld [tilespmem:s3+$0xFFFFFFF0];
	v6 =	vadd.f32 v8, v6;
	v8 =	vmul.f32 v13, v11;
	v11 =	vmul.f32 v27, v18  }
0x2f8: {  	v58 =	vmul.f32 v50, v19;
	v13 =	vadd.f32 v16, v56;
	v16 =	vmul.f32 v52, v49  }
0x2f9: {  	v18 =	vmul.f32 v52, v19;
	v19 =	vld [tilespmem:s18+$0xFFFFFFA0];
	v6 =	vadd.f32 v8, v6;
	v8 =	vmul.f32 v11, v10  }
0x2fa: {  	v11 =	vmul.f32 v17, v17;
	v17 =	vsub.f32 v20, v53;
	v13 =	vsub.f32 v13, v55  }
0x2fb: {  	v10 =	vld [tilespmem:s18+$0xFFFFFFE0];
	v60 =	vmul.f32 v14, v15;
	v14 =	vmul.f32 v14, v57;
	v61 =	vadd.f32 v8, v6  }
0x2fc: {  	s30 =	simm.s32 $0x101;
	v63 =	vld [tilespmem:s18+$0xFFFFFFF0];
	v6 =	vsub.f32 v58, v16;
	v8 =	vadd.f32 v12, v11;
	v12 =	vmul.f32 v59, v15  }
0x2fd: {  	v7 =	vmov s30;
	v62 =	vld [tilespmem:s18+$0xFFFFFFB0];
	v15 =	vmul.f32 v17, v17;
	v13 =	vmul.f32 v13, v13;
	(xrf2) =	vadd.scan.msk.f32 $0xffff, v61  }
0x2fe: {  	v16 =	vadd.f32 v18, v23;
	v18 =	vmul.f32 v59, v57;
	v17 =	vsub.f32 v6, v19  }
0x2ff: {  	v19 =	vshrl.u32 v8, $0x1;
	v6 =	vadd.f32 v13, v15;
	v12 =	vadd.f32 v12, v14  }
0x300: {  	v11 =	vmul.f32 $5.000000000e-01, v8;
	v10 =	vsub.f32 v16, v10;
	v16 =	vsub.f32 v60, v18  }
0x301: {  	v13 =	vsub.s32 $0x5F3759DF, v19;
	v14 =	vmul.f32 v17, v17;
	v17 =	vsub.f32 v12, v63  }
0x302: {  	v10 =	vmul.f32 v10, v10;
	v15 =	vsub.f32 v16, v62;
	v16 =	vshrl.u32 v6, $0x1  }
0x303: {  	[tilespmem:v7+s23+$0x0] =	vst.idx.msk vm0, v9;
	v18 =	vmul.f32 v13, v11;
	v12 =	vmul.f32 $5.000000000e-01, v6;
	v9 =	vsub.s32 $0x5F3759DF, v16  }
0x304: {  	s20 =	simm.s32 $0xFFFFFFFE;
	s26 =	simm.s32 $0x103;
	v10 =	vadd.f32 v10, v14;
	v14 =	vmul.f32 v15, v15;
	v15 =	vmul.f32 v17, v17  }
0x305: {  	s24 =	simm.s32 $0x0;
	s25 =	simm.s32 $0x2;
	v7 =	vmov s26;
	s26 =	simm.s32 $0x880;
	v16 =	vmul.f32 v13, v18;
	v17 =	vmul.f32 v9, v12  }
.LBB2_6:
0x306: {  	v18 =	vld [tilespmem:s26+$0x30];
	v19 =	vshrl.u32 v10, $0x1;
	v20 =	vmul.f32 $5.000000000e-01, v10;
	v14 =	vadd.f32 v15, v14;
	s29 =	smov.u32 s25  }
0x307: {  	s3 =	sadd.s32 $0x100, s3;
	v15 =	vld [tilespmem:s26+$0x70];
	v16 =	vsub.f32 $1.500000000e+00, v16;
	v17 =	vmul.f32 v9, v17;
	v19 =	vsub.s32 $0x5F3759DF, v19;
	v21, _, _ =	vpop (xrf2)  }
0x308: {  	v22 =	vld [tilespmem:s3+$0x30];
	v23 =	vmul.f32 v19, v20;
	v24 =	vshrl.u32 v14, $0x1;
	v21 =	vsub.f32 $9.000000000e+00, v21  }
0x309: {  	v25 =	vld [tilespmem:s3+$0x70];
	v13 =	vmul.f32 v13, v16;
	v16 =	vsub.s32 $0x5F3759DF, v24;
	v24 =	vmul.f32 $5.000000000e-01, v14  }
0x30a: {  	v3 =	vmul.f32 v3, v0;
	v17 =	vsub.f32 $1.500000000e+00, v17;
	v26 =	vld [tilespmem:s26+$0x20];
	v23 =	vmul.f32 v19, v23;
	[tilespmem:v7+s23+$0x0] =	vst.idx.msk vm0, v21  }
0x30b: {  	v0 =	vmov v10;
	v21 =	vld [tilespmem:s26+$0x60];
	v7 =	vmul.f32 v13, v11;
	v11 =	vmul.f32 v16, v24  }
0x30c: {  	v2 =	vmul.f32 v4, v2;
	v9 =	vmul.f32 v9, v17;
	v10 =	vld [tilespmem:s3+$0x20];
	v17 =	vsub.f32 $1.500000000e+00, v23  }
0x30d: {  	v3 =	vadd.f32 v3, v5;
	v4 =	vld [tilespmem:s3+$0x60];
	v7 =	vmul.f32 v7, v13;
	v11 =	vmul.f32 v16, v11  }
0x30e: {  	v12 =	vmul.f32 v9, v12;
	v5 =	vld [tilespmem:s26+$0x10];
	v17 =	vmul.f32 v19, v17  }
0x30f: {  	v23 =	vmul.f32 v2, v1;
	v1 =	vmovc v14;
	v19 =	vld [tilespmem:s26+$0x50];
	v7 =	vsub.f32 $1.500000000e+00, v7;
	v11 =	vsub.f32 $1.500000000e+00, v11  }
0x310: {  	v12 =	vmul.f32 v12, v9;
	v14 =	vld [tilespmem:s3+$0x10];
	v20 =	vmul.f32 v17, v20  }
0x311: {  	v3 =	vadd.f32 v23, v3;
	v27 =	vld [tilespmem:s3+$0x50];
	v7 =	vmul.f32 v7, v13;
	v2 =	vmul.f32 v16, v11  }
0x312: {  	v12 =	vsub.f32 $1.500000000e+00, v12;
	v11 =	vld [tilespmem:s26+$0x0];
	v13 =	vmul.f32 v20, v17  }
0x313: {  	v16 =	vld [tilespmem:s26+$0x40];
	v7 =	vmul.f32 v7, v8;
	v8 =	vmul.f32 v2, v24;
	(xrf2) =	vadd.scan.msk.f32 $0xffff, v3  }
0x314: {  	v23 =	vmul.f32 v25, v15;
	v20 =	vmul.f32 v22, v18;
	v3 =	vld [tilespmem:s3+$0x0];
	v13 =	vsub.f32 $1.500000000e+00, v13  }
0x315: {  	v15 =	vmul.f32 v22, v15;
	v18 =	vmul.f32 v25, v18;
	v24 =	vld [tilespmem:s3+$0x40];
	v22 =	vadd.f32 $0.0e+00, v7  }
0x316: {  	s18 =	sadd.s32 $0x100, s18;
	v25 =	vmul.f32 v10, v26;
	v28 =	vmul.f32 v4, v21;
	v7 =	vld [tilespmem:s26+$0xFFFFFFC0]  }
0x317: {  	s25 =	sadd.s32 $0x2, s25;
	v4 =	vmul.f32 v4, v26;
	v10 =	vmul.f32 v10, v21;
	v21 =	vld [tilespmem:s18+$0x30]  }
0x318: {  	s30 =	sadd.s32 $0x102, s20;
	s20 =	smov.u32 s24;
	p0 =	slt.u32 s25, $0x7E;
	v26 =	vmul.f32 v14, v5;
	v29 =	vmul.f32 v27, v19;
	v30 =	vld [tilespmem:s18+$0x70]  }
0x319: {  	s24 =	smov.u32 s29;
	v14 =	vmul.f32 v14, v19;
	v5 =	vmul.f32 v27, v5;
	v27 =	vmov s30;
	v19 =	vld [tilespmem:s18+$0x20]  }
0x31a: {  	v27 =	vand.u32 $0xFFFFFFFE, v27;
	v32 =	vmul.f32 v3, v11;
	v31 =	vld [tilespmem:s18+$0x0];
	v33 =	vmul.f32 v24, v16  }
0x31b: {  	v20 =	vsub.f32 v20, v23;
	v15 =	vadd.f32 v18, v15;
	v11 =	vmul.f32 v24, v11;
	v34 =	vld [tilespmem:s18+$0x40]  }
0x31c: {  	v18 =	vsub.f32 v25, v28;
	v4 =	vadd.f32 v4, v10;
	v3 =	vmul.f32 v3, v16;
	v16 =	vld [tilespmem:s18+$0x10]  }
0x31d: {  	v9 =	vmul.f32 v12, v9;
	v23 =	vsub.f32 v26, v29;
	v5 =	vadd.f32 v5, v14;
	v10 =	vld [tilespmem:s18+$0x50];
	v12, _, _ =	vpop (xrf2)  }
0x31e: {  	v8 =	vmul.f32 v8, v2;
	v14 =	vsub.f32 v32, v33;
	v3 =	vadd.f32 v11, v3;
	v11 =	vld [tilespmem:s18+$0x60]  }
0x31f: {  	v6 =	vmul.f32 v9, v6;
	v20 =	vsub.f32 v20, v21;
	v15 =	vsub.f32 v15, v30;
	v24 =	vld [tilespmem:s3+$0xFFFFFF80]  }
0x320: {  	v14 =	vsub.f32 v14, v31;
	v9 =	vld [tilespmem:s3+$0xFFFFFFC0];
	v21 =	vsub.f32 v3, v34;
	v3 =	vmul.f32 v13, v17  }
0x321: {  	v17 =	vsub.f32 v18, v19;
	v18 =	vbroadcast v27, $0x0;
	v13 =	vld [tilespmem:s26+$0xFFFFFF80];
	v16 =	vsub.f32 v23, v16  }
0x322: {  	v14 =	vmul.f32 v14, v14;
	v19 =	vld [tilespmem:s26+$0xFFFFFF90];
	v21 =	vmul.f32 v21, v21;
	v5 =	vsub.f32 v5, v10  }
0x323: {  	v15 =	vmul.f32 v15, v15;
	v10 =	vld [tilespmem:s26+$0xFFFFFFD0];
	v4 =	vsub.f32 v4, v11;
	v11 =	vmul.f32 v20, v20  }
0x324: {  	v16 =	vmul.f32 v16, v16;
	v20 =	vld [tilespmem:s3+$0xFFFFFF90];
	v14 =	vadd.f32 v21, v14;
	v5 =	vmul.f32 v5, v5  }
0x325: {  	v17 =	vmul.f32 v17, v17;
	v21 =	vld [tilespmem:s3+$0xFFFFFFD0];
	v23 =	vmul.f32 v4, v4;
	v4 =	vsub.f32 $1.500000000e+00, v8  }
0x326: {  	v8 =	vld [tilespmem:s18+$0xFFFFFF80];
	v25 =	vshrl.u32 v14, $0x1;
	v26 =	vmul.f32 $5.000000000e-01, v14;
	v16 =	vadd.f32 v5, v16  }
0x327: {  	v11 =	vadd.f32 v15, v11;
	v27 =	vld [tilespmem:s18+$0xFFFFFFC0];
	v25 =	vsub.s32 $0x5F3759DF, v25;
	v17 =	vadd.f32 v23, v17  }
0x328: {  	v15 =	vld [tilespmem:s26+$0xFFFFFFA0];
	v5 =	vmul.f32 v25, v26;
	v23 =	vshrl.u32 v16, $0x1;
	v28 =	vmul.f32 $5.000000000e-01, v16  }
0x329: {  	v29 =	vld [tilespmem:s26+$0xFFFFFFE0];
	v23 =	vsub.s32 $0x5F3759DF, v23;
	v30 =	vshrl.u32 v17, $0x1;
	v31 =	vmul.f32 $5.000000000e-01, v17  }
0x32a: {  	v32 =	vld [tilespmem:s3+$0xFFFFFFA0];
	v5 =	vmul.f32 v25, v5;
	v33 =	vmul.f32 v23, v28;
	v30 =	vsub.s32 $0x5F3759DF, v30  }
0x32b: {  	v36 =	vshrl.u32 v11, $0x1;
	v37 =	vmul.f32 $5.000000000e-01, v11;
	v34 =	vld [tilespmem:s3+$0xFFFFFFE0];
	v35 =	vmul.f32 v30, v31  }
0x32c: {  	v36 =	vsub.s32 $0x5F3759DF, v36;
	v38 =	vld [tilespmem:s18+$0xFFFFFF90];
	v39 =	vsub.f32 $1.500000000e+00, v5;
	v33 =	vmul.f32 v23, v33  }
0x32d: {  	v41 =	vmul.f32 v36, v37;
	v5 =	vadd.f32 v6, v22;
	v40 =	vld [tilespmem:s18+$0xFFFFFFD0];
	v35 =	vmul.f32 v30, v35  }
0x32e: {  	v6 =	vmul.f32 v24, v13;
	v22 =	vld [tilespmem:s26+$0xFFFFFFB0];
	v25 =	vmul.f32 v25, v39;
	v33 =	vsub.f32 $1.500000000e+00, v33  }
0x32f: {  	v41 =	vmul.f32 v36, v41;
	v39 =	vmul.f32 v9, v7;
	v42 =	vld [tilespmem:s26+$0xFFFFFFF0];
	v35 =	vsub.f32 $1.500000000e+00, v35  }
0x330: {  	v12 =	vsub.f32 $9.000000000e+00, v12;
	v43 =	vld [tilespmem:s3+$0xFFFFFFB0];
	v26 =	vmul.f32 v25, v26;
	v23 =	vmul.f32 v23, v33  }
0x331: {  	v9 =	vmul.f32 v9, v13;
	v33 =	vsub.f32 $1.500000000e+00, v41;
	v13 =	vld [tilespmem:s3+$0xFFFFFFF0];
	v30 =	vmul.f32 v30, v35  }
0x332: {  	v6 =	vsub.f32 v6, v39;
	v35 =	vld [tilespmem:s18+$0xFFFFFFA0];
	v26 =	vmul.f32 v26, v25;
	v28 =	vmul.f32 v23, v28  }
0x333: {  	v7 =	vmul.f32 v24, v7;
	v33 =	vmul.f32 v36, v33;
	v24 =	vld [tilespmem:s18+$0xFFFFFFE0];
	[tilespmem:v18+s23+$0x0] =	vst.idx.msk vm0, v12  }
0x334: {  	v12 =	vld [tilespmem:s18+$0xFFFFFFB0];
	v18 =	vsub.f32 $1.500000000e+00, v26;
	v26 =	vmul.f32 v28, v23;
	v28 =	vmul.f32 v30, v31  }
0x335: {  	v7 =	vadd.f32 v9, v7;
	v9 =	vmul.f32 v20, v19;
	v36 =	vmul.f32 v33, v37;
	v31 =	vld [tilespmem:s18+$0xFFFFFFF0]  }
0x336: {  	v18 =	vmul.f32 v18, v25;
	v25 =	vsub.f32 $1.500000000e+00, v26;
	v26 =	vmul.f32 v28, v30  }
0x337: {  	v6 =	vsub.f32 v6, v8;
	v8 =	vmul.f32 v21, v10;
	v28 =	vmul.f32 v36, v33  }
0x338: {  	v14 =	vmul.f32 v18, v14;
	v18 =	vmul.f32 v25, v23;
	v23 =	vsub.f32 $1.500000000e+00, v26  }
0x339: {  	v19 =	vmul.f32 v21, v19;
	v10 =	vmul.f32 v20, v10;
	v20 =	vsub.f32 $1.500000000e+00, v28  }
0x33a: {  	v14 =	vadd.f32 $0.0e+00, v14;
	v16 =	vmul.f32 v18, v16;
	v18 =	vmul.f32 v23, v30  }
0x33b: {  	v7 =	vsub.f32 v7, v27;
	v8 =	vsub.f32 v9, v8;
	v9 =	vmul.f32 v32, v15  }
0x33c: {  	v14 =	vadd.f32 v16, v14;
	v16 =	vmul.f32 v18, v17;
	v17 =	vmul.f32 v20, v33  }
0x33d: {  	v10 =	vadd.f32 v19, v10;
	v15 =	vmul.f32 v34, v15;
	v18 =	vmul.f32 v34, v29  }
0x33e: {  	v19 =	vmul.f32 v32, v29;
	v14 =	vadd.f32 v16, v14;
	v11 =	vmul.f32 v17, v11  }
0x33f: {  	v6 =	vmul.f32 v6, v6;
	v7 =	vmul.f32 v7, v7;
	v16 =	vsub.f32 v8, v38  }
0x340: {  	v10 =	vsub.f32 v10, v40;
	v17 =	vmul.f32 v43, v22;
	v11 =	vadd.f32 v11, v14  }
0x341: {  	v9 =	vsub.f32 v9, v18;
	v14 =	vadd.f32 v15, v19;
	v15 =	vmul.f32 v13, v42  }
0x342: {  	v8 =	vadd.f32 v7, v6;
	v7 =	vmul.f32 v13, v22;
	v13 =	vmul.f32 v43, v42;
	(xrf2) =	vadd.scan.msk.f32 $0xffff, v11  }
0x343: {  	v10 =	vmul.f32 v10, v10;
	v6 =	vmul.f32 v16, v16;
	v9 =	vsub.f32 v9, v35  }
0x344: {  	v16 =	vshrl.u32 v8, $0x1;
	v14 =	vsub.f32 v14, v24;
	v15 =	vsub.f32 v17, v15  }
0x345: {  	v11 =	vmul.f32 $5.000000000e-01, v8;
	v6 =	vadd.f32 v10, v6;
	v7 =	vadd.f32 v7, v13  }
.Ltmp2:
0x346: {  	v9 =	vmul.f32 v9, v9;
	v10 =	vmul.f32 v14, v14;
	v14 =	vsub.f32 v15, v12;
	(pc) =	sbr.rel @p0 .LBB2_6-.Ltmp2, $4  }
0x347: {  	v13 =	vsub.s32 $0x5F3759DF, v16;
	v15 =	vshrl.u32 v6, $0x1;
	v7 =	vsub.f32 v7, v31  }
0x348: {  	v16 =	vmul.f32 v13, v11;
	v12 =	vmul.f32 $5.000000000e-01, v6;
	v10 =	vadd.f32 v10, v9  }
0x349: {  	s29 =	sadd.s32 $0x103, s24;
	v9 =	vsub.s32 $0x5F3759DF, v15;
	v14 =	vmul.f32 v14, v14;
	v15 =	vmul.f32 v7, v7  }
0x34a: {  	s26 =	sadd.s32 $0x100, s26;
	v16 =	vmul.f32 v13, v16;
	v7 =	vmov s29;
	v17 =	vmul.f32 v9, v12  }
0x34b: {  	v18 =	vshrl.u32 v10, $0x1;
	v19 =	vmul.f32 $5.000000000e-01, v10;
	v14 =	vadd.f32 v15, v14  }
0x34c: {  	v15 =	vsub.f32 $1.500000000e+00, v16;
	v16 =	vmul.f32 v9, v17;
	v17 =	vsub.s32 $0x5F3759DF, v18  }
0x34d: {  	v18 =	vmul.f32 v17, v19;
	v20 =	vshrl.u32 v14, $0x1;
	v21 =	vmul.f32 $5.000000000e-01, v14  }
0x34e: {  	v13 =	vmul.f32 v13, v15;
	v15 =	vsub.s32 $0x5F3759DF, v20;
	v16 =	vsub.f32 $1.500000000e+00, v16  }
0x34f: {  	v18 =	vmul.f32 v17, v18;
	v20 =	vmul.f32 v15, v21  }
0x350: {  	v11 =	vmul.f32 v13, v11;
	v9 =	vmul.f32 v9, v16  }
0x351: {  	v16 =	vsub.f32 $1.500000000e+00, v18;
	v18 =	vmul.f32 v15, v20  }
0x352: {  	v11 =	vmul.f32 v11, v13;
	v12 =	vmul.f32 v9, v12  }
0x353: {  	v16 =	vmul.f32 v17, v16;
	v17 =	vsub.f32 $1.500000000e+00, v18  }
0x354: {  	v11 =	vsub.f32 $1.500000000e+00, v11;
	v12 =	vmul.f32 v12, v9  }
0x355: {  	v18 =	vmul.f32 v16, v19;
	v15 =	vmul.f32 v15, v17  }
0x356: {  	v11 =	vmul.f32 v11, v13  }
0x357: {  	v12 =	vsub.f32 $1.500000000e+00, v12;
	v13 =	vmul.f32 v18, v16;
	v17 =	vmul.f32 v15, v21  }
0x358: {  	v8 =	vmul.f32 v11, v8  }
0x359: {  	v9 =	vmul.f32 v12, v9;
	v11 =	vsub.f32 $1.500000000e+00, v13;
	v12 =	vmul.f32 v17, v15  }
0x35a: {  	v8 =	vadd.f32 $0.0e+00, v8  }
0x35b: {  	v6 =	vmul.f32 v9, v6;
	v9 =	vmul.f32 v11, v16;
	v11 =	vsub.f32 $1.500000000e+00, v12  }
0x35c: {  	v0 =	vmul.f32 v3, v0;
	v2 =	vmul.f32 v4, v2  }
0x35d: {  	v3 =	vadd.f32 v6, v8;
	v4 =	vmul.f32 v9, v10;
	v6 =	vmul.f32 v11, v15  }
0x35e: {  	v0 =	vadd.f32 v0, v5;
	v1 =	vmul.f32 v2, v1  }
0x35f: {  	v2 =	vadd.f32 v4, v3;
	v3 =	vmul.f32 v6, v14  }
0x360: {  	v0 =	vadd.f32 v1, v0  }
0x361: {  	v1 =	vadd.f32 v3, v2  }
0x362: {  	(xrf2) =	vadd.scan.msk.f32 $0xffff, v0  }
0x363: {  	(xrf2) =	vadd.scan.msk.f32 $0xffff, v1;
	_ =	sdelay $0x2  }
0x364: {  	s3 =	sadd.s32 $0x102, s20  }
0x365: {  	s24 =	sadd.s32 $0x102, s24;
	v0 =	vmov s3  }
0x366: {  	v0 =	vand.u32 $0xFFFFFFFE, v0;
	v1 =	vmov s24  }
0x367: {  	v0 =	vbroadcast v0, $0x0;
	v1 =	vand.u32 $0xFFFFFFFE, v1  }
0x368: {  	v1 =	vbroadcast v1, $0x0  }
0x369: {  	v2, _, _ =	vpop (xrf2)  }
0x36a: {  	v3, _, _ =	vpop (xrf2);
	v2 =	vsub.f32 $9.000000000e+00, v2  }
0x36b: {  	v3 =	vsub.f32 $9.000000000e+00, v3;
	v4, _, _ =	vpop (xrf2)  }
0x36c: {  	[tilespmem:v7+s23+$0x0] =	vst.idx.msk vm0, v2;
	v2 =	vsub.f32 $9.000000000e+00, v4  }
0x36d: {  	[tilespmem:v0+s23+$0x0] =	vst.idx.msk vm0, v3  }
0x36e: {  	[tilespmem:v1+s23+$0x0] =	vst.idx.msk vm0, v2  }
0x36f: {  	_ =	swait.ge [sflag:s28], $0x4000  }
0x370: {  	[sflag:s28] =	ssyncset.done $0x0  }
0x371: {  	[sflag:s28] =	ssyncadd.s32 $0xFFFFC000  }
0x372: {  	_ =	swait.ge [sflag:s28], $0x4000  }
0x373: {  	[sflag:s28] =	ssyncset.done $0x0  }
0x374: {  	[sflag:s28] =	ssyncadd.s32 $0xFFFFC000  }
0x375: {  	_ =	swait.ge [sflag:s28], $0x4000  }
0x376: {  	[sflag:s28] =	ssyncset.done $0x0  }
0x377: {  	s25 =	simm.s32 $0x4680;
	[sflag:s28] =	ssyncadd.s32 $0xFFFFC000  }
0x378: {  	v0 =	vld [tilespmem:s25+$0x30]  }
0x379: {  	s18 =	simm.s32 $0xC680;
	v1 =	vld [tilespmem:s25+$0x70]  }
0x37a: {  	v2 =	vld [tilespmem:s18+$0x30]  }
0x37b: {  	v3 =	vld [tilespmem:s18+$0x70]  }
0x37c: {  	v4 =	vld [tilespmem:s25+$0x20]  }
0x37d: {  	v5 =	vld [tilespmem:s25+$0x60]  }
0x37e: {  	v6 =	vld [tilespmem:s18+$0x20]  }
0x37f: {  	v7 =	vld [tilespmem:s18+$0x60]  }
0x380: {  	v8 =	vld [tilespmem:s25+$0x10]  }
0x381: {  	v9 =	vld [tilespmem:s25+$0x50]  }
0x382: {  	v10 =	vld [tilespmem:s18+$0x10]  }
0x383: {  	v11 =	vld [tilespmem:s18+$0x50]  }
0x384: {  	v12 =	vld [tilespmem:s25+$0x0]  }
0x385: {  	v13 =	vld [tilespmem:s25+$0x40]  }
0x386: {  	v14 =	vld [tilespmem:s18+$0x0]  }
0x387: {  	s26 =	simm.s32 $0x14680;
	v17 =	vld [tilespmem:s18+$0x40]  }
0x388: {  	v19 =	vld [tilespmem:s26+$0x70]  }
0x389: {  	v22 =	vld [tilespmem:s26+$0x40]  }
0x38a: {  	v59 =	vld [tilespmem:s25+$0xFFFFFFD0]  }
0x38b: {  	s29 =	simm.s32 $0x4780;
	v23 =	vld [tilespmem:s18+$0xFFFFFFD0];
	v15 =	vmul.f32 v2, v0;
	v16 =	vmul.f32 v3, v1  }
0x38c: {  	s3 =	simm.s32 $0xC780;
	v37 =	vld [tilespmem:s29+$0x70];
	v0 =	vmul.f32 v3, v0;
	v1 =	vmul.f32 v2, v1  }
0x38d: {  	v40 =	vld [tilespmem:s3+$0x70];
	v2 =	vmul.f32 v6, v4;
	v3 =	vmul.f32 v7, v5  }
0x38e: {  	v44 =	vld [tilespmem:s29+$0x20];
	v4 =	vmul.f32 v7, v4;
	v5 =	vmul.f32 v6, v5  }
0x38f: {  	v47 =	vld [tilespmem:s3+$0x20];
	v7 =	vmul.f32 v10, v8;
	v18 =	vmul.f32 v11, v9  }
0x390: {  	v8 =	vmul.f32 v11, v8;
	v9 =	vmul.f32 v10, v9;
	v10 =	vld [tilespmem:s26+$0x20]  }
0x391: {  	v11 =	vld [tilespmem:s26+$0x0];
	v57 =	vmul.f32 v14, v12;
	v58 =	vmul.f32 v17, v13  }
0x392: {  	v0 =	vadd.f32 v0, v1;
	v1 =	vmul.f32 v14, v13;
	v13 =	vld [tilespmem:s26+$0x10];
	v2 =	vsub.f32 v2, v3  }
0x393: {  	v3 =	vadd.f32 v4, v5;
	v4 =	vld [tilespmem:s26+$0x50];
	v5 =	vsub.f32 v7, v18  }
0x394: {  	v12 =	vmul.f32 v17, v12;
	v7 =	vadd.f32 v8, v9;
	v8 =	vsub.f32 v57, v58;
	v9 =	vld [tilespmem:s26+$0x60]  }
0x395: {  	v6 =	vld [tilespmem:s26+$0x30];
	v63 =	vmul.f32 v23, v59;
	v15 =	vsub.f32 v15, v16  }
0x396: {  	v30 =	vmul.f32 v40, v37;
	v1 =	vadd.f32 v12, v1;
	v8 =	vsub.f32 v8, v11  }
0x397: {  	v48 =	vld [tilespmem:s29+$0x10];
	v52 =	vmul.f32 v47, v44;
	v0 =	vsub.f32 v0, v19;
	v2 =	vsub.f32 v2, v10  }
0x398: {  	v49 =	vld [tilespmem:s3+$0x50];
	v1 =	vsub.f32 v1, v22;
	v5 =	vsub.f32 v5, v13;
	v8 =	vmul.f32 v8, v8  }
0x399: {  	v4 =	vsub.f32 v7, v4;
	v3 =	vsub.f32 v3, v9;
	v2 =	vmul.f32 v2, v2  }
0x39a: {  	v6 =	vsub.f32 v15, v6;
	v1 =	vmul.f32 v1, v1;
	v5 =	vmul.f32 v5, v5  }
0x39b: {  	v4 =	vmul.f32 v4, v4;
	v3 =	vmul.f32 v3, v3  }
0x39c: {  	v0 =	vmul.f32 v0, v0;
	v6 =	vmul.f32 v6, v6;
	v1 =	vadd.f32 v1, v8  }
0x39d: {  	v20 =	vmul.f32 v49, v48;
	v4 =	vadd.f32 v4, v5;
	v3 =	vadd.f32 v3, v2  }
0x39e: {  	v14 =	vld [tilespmem:s25+$0xFFFFFF80];
	v2 =	vadd.f32 v0, v6;
	v7 =	vshrl.u32 v1, $0x1;
	v8 =	vmul.f32 $5.000000000e-01, v1  }
0x39f: {  	v0 =	vld [tilespmem:s18+$0xFFFFFF80];
	v7 =	vsub.s32 $0x5F3759DF, v7;
	v9 =	vshrl.u32 v4, $0x1;
	v10 =	vmul.f32 $5.000000000e-01, v4  }
0x3a0: {  	v11 =	vld [tilespmem:s18+$0xFFFFFFC0];
	v12 =	vshrl.u32 v3, $0x1;
	v13 =	vmul.f32 $5.000000000e-01, v3;
	v18 =	vshrl.u32 v2, $0x1  }
0x3a1: {  	v5 =	vld [tilespmem:s25+$0xFFFFFFC0];
	v19 =	vmul.f32 $5.000000000e-01, v2;
	v6 =	vmul.f32 v7, v8;
	v9 =	vsub.s32 $0x5F3759DF, v9  }
0x3a2: {  	v12 =	vsub.s32 $0x5F3759DF, v12;
	v18 =	vsub.s32 $0x5F3759DF, v18;
	v15 =	vmul.f32 v9, v10  }
0x3a3: {  	v60 =	vld [tilespmem:s18+$0xFFFFFF90];
	v17 =	vmul.f32 v12, v13;
	v61 =	vmul.f32 v18, v19  }
0x3a4: {  	v25 =	vld [tilespmem:s26+$0xFFFFFFC0];
	v6 =	vmul.f32 v7, v6;
	v24 =	vmul.f32 v0, v14  }
0x3a5: {  	v27 =	vld [tilespmem:s18+$0xFFFFFFA0];
	v17 =	vmul.f32 v12, v17;
	v22 =	vmul.f32 v18, v61  }
0x3a6: {  	v16 =	vld [tilespmem:s25+$0xFFFFFF90];
	v26 =	vmul.f32 v11, v5;
	v15 =	vmul.f32 v9, v15;
	v6 =	vsub.f32 $1.500000000e+00, v6  }
0x3a7: {  	v11 =	vmul.f32 v11, v14;
	v14 =	vld [tilespmem:s25+$0xFFFFFFE0];
	v17 =	vsub.f32 $1.500000000e+00, v17;
	v22 =	vsub.f32 $1.500000000e+00, v22  }
0x3a8: {  	v0 =	vmul.f32 v0, v5;
	v5 =	vld [tilespmem:s18+$0xFFFFFFE0];
	v6 =	vmul.f32 v7, v6;
	v7 =	vsub.f32 $1.500000000e+00, v15  }
0x3a9: {  	v15 =	vld [tilespmem:s26+$0xFFFFFF80];
	v12 =	vmul.f32 v12, v17;
	v17 =	vmul.f32 v18, v22  }
0x3aa: {  	v8 =	vmul.f32 v6, v8;
	v7 =	vmul.f32 v9, v7;
	v9 =	vld [tilespmem:s25+$0xFFFFFFA0]  }
0x3ab: {  	v62 =	vmul.f32 v60, v16;
	v0 =	vadd.f32 v11, v0;
	v19 =	vmul.f32 v17, v19  }
0x3ac: {  	v24 =	vsub.f32 v24, v26;
	v8 =	vmul.f32 v8, v6;
	v10 =	vmul.f32 v7, v10  }
0x3ad: {  	v28 =	vld [tilespmem:s26+$0xFFFFFFD0];
	v0 =	vsub.f32 v0, v25;
	v33 =	vmul.f32 v5, v14;
	v13 =	vmul.f32 v12, v13  }
0x3ae: {  	v29 =	vld [tilespmem:s25+$0xFFFFFFF0];
	v11 =	vmul.f32 v19, v17;
	v8 =	vsub.f32 $1.500000000e+00, v8;
	v10 =	vmul.f32 v10, v7  }
0x3af: {  	v18 =	vld [tilespmem:s26+$0xFFFFFF90];
	v15 =	vsub.f32 v24, v15;
	v32 =	vmul.f32 v27, v9;
	v5 =	vmul.f32 v5, v9  }
0x3b0: {  	v9 =	vmul.f32 v27, v14;
	v14 =	vld [tilespmem:s26+$0xFFFFFFE0];
	v6 =	vmul.f32 v8, v6;
	v8 =	vsub.f32 $1.500000000e+00, v10  }
0x3b1: {  	v0 =	vmul.f32 v0, v0;
	v13 =	vmul.f32 v13, v12;
	v10 =	vld [tilespmem:s25+$0xFFFFFFB0]  }
0x3b2: {  	v15 =	vmul.f32 v15, v15;
	v11 =	vsub.f32 $1.500000000e+00, v11;
	v7 =	vmul.f32 v8, v7;
	v8 =	vld [tilespmem:s18+$0xFFFFFFB0]  }
0x3b3: {  	v5 =	vadd.f32 v5, v9;
	v6 =	vmul.f32 v6, v1;
	v1 =	vmul.f32 v23, v16;
	v16 =	vld [tilespmem:s18+$0xFFFFFFF0]  }
0x3b4: {  	v19 =	vmul.f32 v60, v59;
	v15 =	vadd.f32 v0, v15;
	v11 =	vmul.f32 v11, v17  }
0x3b5: {  	v34 =	vld [tilespmem:s26+$0xFFFFFFA0];
	v4 =	vmul.f32 v7, v4;
	v7 =	vsub.f32 v62, v63;
	v5 =	vsub.f32 v5, v14  }
0x3b6: {  	v11 =	vmul.f32 v11, v2;
	v1 =	vadd.f32 v1, v19;
	v19 =	vsub.f32 v32, v33  }
0x3b7: {  	v14 =	vmul.f32 $5.000000000e-01, v15;
	v7 =	vsub.f32 v7, v18;
	v5 =	vmul.f32 v5, v5  }
0x3b8: {  	v35 =	vld [tilespmem:s26+$0xFFFFFFB0];
	v1 =	vsub.f32 v1, v28;
	v18 =	vmul.f32 v8, v10;
	v9 =	vmul.f32 v16, v29  }
0x3b9: {  	v0 =	vmul.f32 v16, v10;
	v8 =	vmul.f32 v8, v29;
	v10 =	vld [tilespmem:s26+$0xFFFFFFF0]  }
0x3ba: {  	v16 =	vsub.f32 v19, v34;
	v7 =	vmul.f32 v7, v7;
	v1 =	vmul.f32 v1, v1  }
0x3bb: {  	v19 =	vshrl.u32 v15, $0x1;
	v9 =	vsub.f32 v18, v9;
	v0 =	vadd.f32 v0, v8  }
0x3bc: {  	v8 =	vsub.f32 $1.500000000e+00, v13;
	v18 =	vadd.f32 v1, v7;
	v7 =	vsub.s32 $0x5F3759DF, v19  }
0x3bd: {  	v1 =	vmul.f32 v16, v16;
	v13 =	vmul.f32 v7, v14;
	v9 =	vsub.f32 v9, v35  }
0x3be: {  	v8 =	vmul.f32 v8, v12;
	v16 =	vshrl.u32 v18, $0x1;
	v10 =	vsub.f32 v0, v10  }
0x3bf: {  	v19 =	vmul.f32 $5.000000000e-01, v18;
	v0 =	vadd.f32 v5, v1;
	v1 =	vmul.f32 v7, v13  }
0x3c0: {  	v45 =	vld [tilespmem:s29+$0x60];
	v5 =	vsub.s32 $0x5F3759DF, v16;
	v9 =	vmul.f32 v9, v9;
	v3 =	vmul.f32 v8, v3  }
0x3c1: {  	v50 =	vld [tilespmem:s3+$0x0];
	v10 =	vmul.f32 v10, v10;
	v39 =	vmul.f32 v5, v19  }
0x3c2: {  	v13 =	vld [tilespmem:s29+$0x30];
	v16 =	vshrl.u32 v0, $0x1;
	v36 =	vmul.f32 $5.000000000e-01, v0;
	v38 =	vsub.f32 $1.500000000e+00, v1  }
0x3c3: {  	v1 =	vadd.f32 v10, v9;
	v9 =	vsub.s32 $0x5F3759DF, v16;
	v10 =	vld [tilespmem:s3+$0x30];
	v41 =	vmul.f32 v5, v39  }
0x3c4: {  	v60 =	vld [tilespmem:s29+$0xFFFFFF80];
	v6 =	vadd.f32 $0.0e+00, v6;
	v16 =	vmul.f32 v9, v36;
	v7 =	vmul.f32 v7, v38  }
0x3c5: {  	v17 =	vld [tilespmem:s3+$0x60];
	s18 =	simm.s32 $0x14780;
	v42 =	vshrl.u32 v1, $0x1;
	v43 =	vmul.f32 $5.000000000e-01, v1;
	v12 =	vsub.f32 $1.500000000e+00, v41  }
0x3c6: {  	v54 =	vld [tilespmem:s18+$0x30];
	v23 =	vsub.s32 $0x5F3759DF, v42;
	v16 =	vmul.f32 v9, v16;
	v14 =	vmul.f32 v7, v14  }
0x3c7: {  	v31 =	vld [tilespmem:s18+$0x70];
	v4 =	vadd.f32 v4, v6;
	v46 =	vmul.f32 v23, v43;
	v5 =	vmul.f32 v5, v12  }
0x3c8: {  	v58 =	vld [tilespmem:s18+$0x50];
	v16 =	vsub.f32 $1.500000000e+00, v16;
	v14 =	vmul.f32 v14, v7;
	v51 =	vmul.f32 v10, v13  }
0x3c9: {  	v33 =	vld [tilespmem:s18+$0x40];
	v3 =	vadd.f32 v3, v4;
	v13 =	vmul.f32 v40, v13;
	v12 =	vmul.f32 v23, v46  }
0x3ca: {  	v4 =	vld [tilespmem:s3+$0x40];
	v10 =	vmul.f32 v10, v37;
	v8 =	vmul.f32 v9, v16;
	v14 =	vsub.f32 $1.500000000e+00, v14  }
0x3cb: {  	v53 =	vmul.f32 v17, v45;
	v2 =	vmul.f32 v5, v19;
	v16 =	vld [tilespmem:s3+$0x10];
	v12 =	vsub.f32 $1.500000000e+00, v12  }
0x3cc: {  	v9 =	vld [tilespmem:s29+$0x50];
	v10 =	vadd.f32 v13, v10;
	v19 =	vmul.f32 v8, v36;
	v7 =	vmul.f32 v14, v7  }
0x3cd: {  	v3 =	vadd.f32 v11, v3;
	v14 =	vmul.f32 v2, v5;
	v2 =	vmul.f32 v23, v12;
	v12 =	vld [tilespmem:s29+$0x0]  }
0x3ce: {  	v11 =	vmul.f32 v17, v44;
	v10 =	vsub.f32 v10, v31;
	v6 =	vmul.f32 v19, v8;
	v19 =	vld [tilespmem:s29+$0x40]  }
0x3cf: {  	v63 =	vld [tilespmem:s3+$0xFFFFFFC0];
	v17 =	vmul.f32 v47, v45;
	v15 =	vmul.f32 v7, v15  }
0x3d0: {  	v44 =	vld [tilespmem:s3+$0xFFFFFF90];
	v14 =	vsub.f32 $1.500000000e+00, v14;
	v10 =	vmul.f32 v10, v10;
	v55 =	vmul.f32 v16, v48  }
0x3d1: {  	v42 =	vld [tilespmem:s29+$0xFFFFFFD0];
	v56 =	vmul.f32 v49, v9;
	v9 =	vmul.f32 v16, v9  }
0x3d2: {  	(xrf2) =	vadd.scan.msk.f32 $0xffff, v3;
	v11 =	vadd.f32 v11, v17;
	v40 =	vld [tilespmem:s29+$0xFFFFFF90];
	v17 =	vmul.f32 v2, v43;
	v5 =	vmul.f32 v14, v5  }
0x3d3: {  	v3 =	vsub.f32 $1.500000000e+00, v6;
	v6 =	vld [tilespmem:s18+$0x0];
	v57 =	vmul.f32 v50, v12;
	v32 =	vmul.f32 v4, v19  }
0x3d4: {  	v21 =	vsub.f32 v52, v53;
	v16 =	vld [tilespmem:s18+$0x20];
	v4 =	vmul.f32 v4, v12;
	v13 =	vmul.f32 v50, v19  }
0x3d5: {  	v59 =	vsub.f32 v55, v56;
	v9 =	vadd.f32 v20, v9;
	v17 =	vmul.f32 v17, v2;
	v19 =	vld [tilespmem:s18+$0x10]  }
0x3d6: {  	v20 =	vmul.f32 v63, v60;
	v14 =	vsub.f32 v57, v32;
	v4 =	vadd.f32 v4, v13;
	v13 =	vld [tilespmem:s18+$0x60]  }
0x3d7: {  	v56 =	vmul.f32 v44, v42;
	v5 =	vmul.f32 v5, v18;
	v12 =	vsub.f32 v51, v30  }
0x3d8: {  	v3 =	vmul.f32 v3, v8;
	v6 =	vsub.f32 v14, v6;
	v4 =	vsub.f32 v4, v33  }
0x3d9: {  	v9 =	vsub.f32 v9, v58;
	v51 =	vmul.f32 v44, v40;
	v12 =	vsub.f32 v12, v54  }
0x3da: {  	v8 =	vsub.f32 v59, v19;
	v6 =	vmul.f32 v6, v6;
	v4 =	vmul.f32 v4, v4  }
0x3db: {  	v14 =	vsub.f32 v21, v16;
	v12 =	vmul.f32 v12, v12;
	v11 =	vsub.f32 v11, v13  }
0x3dc: {  	v13, _, _ =	vpop (xrf2);
	v6 =	vadd.f32 v4, v6;
	v4 =	vmul.f32 v8, v8;
	v8 =	vmul.f32 v9, v9  }
0x3dd: {  	v9 =	vsub.f32 $9.000000000e+00, v13;
	v13 =	vmul.f32 v14, v14;
	v11 =	vmul.f32 v11, v11  }
0x3de: {  	v14 =	vshrl.u32 v6, $0x1;
	v16 =	vmul.f32 $5.000000000e-01, v6;
	v8 =	vadd.f32 v8, v4  }
0x3df: {  	v10 =	vadd.f32 v10, v12;
	v4 =	vsub.s32 $0x5F3759DF, v14;
	v11 =	vadd.f32 v11, v13  }
0x3e0: {  	v13 =	vmul.f32 v4, v16;
	v14 =	vshrl.u32 v8, $0x1;
	v19 =	vmul.f32 $5.000000000e-01, v8  }
0x3e1: {  	v34 =	vld [tilespmem:s3+$0xFFFFFFD0];
	v14 =	vsub.s32 $0x5F3759DF, v14;
	v61 =	vshrl.u32 v11, $0x1;
	v62 =	vmul.f32 $5.000000000e-01, v11  }
0x3e2: {  	v18 =	vld [tilespmem:s29+$0xFFFFFFC0];
	v13 =	vmul.f32 v4, v13;
	v36 =	vmul.f32 v14, v19;
	v21 =	vsub.s32 $0x5F3759DF, v61  }
0x3e3: {  	v38 =	vshrl.u32 v10, $0x1;
	v39 =	vmul.f32 $5.000000000e-01, v10;
	v37 =	vmul.f32 v21, v62  }
0x3e4: {  	v12 =	vld [tilespmem:s3+$0xFFFFFF80];
	v26 =	vsub.s32 $0x5F3759DF, v38;
	v13 =	vsub.f32 $1.500000000e+00, v13;
	v24 =	vmul.f32 v14, v36  }
0x3e5: {  	v41 =	vmul.f32 v26, v39;
	v25 =	vmul.f32 v21, v37  }
0x3e6: {  	v54 =	vmul.f32 v34, v42;
	v13 =	vmul.f32 v4, v13;
	v24 =	vsub.f32 $1.500000000e+00, v24  }
0x3e7: {  	v45 =	vmul.f32 v63, v18;
	v29 =	vmul.f32 v26, v41;
	v25 =	vsub.f32 $1.500000000e+00, v25  }
0x3e8: {  	v15 =	vadd.f32 $0.0e+00, v15;
	v16 =	vmul.f32 v13, v16;
	v14 =	vmul.f32 v14, v24  }
0x3e9: {  	v52 =	vld [tilespmem:s3+$0xFFFFFFE0];
	v43 =	vmul.f32 v12, v60;
	v46 =	vsub.f32 $1.500000000e+00, v29;
	v21 =	vmul.f32 v21, v25  }
0x3ea: {  	v47 =	vld [tilespmem:s18+$0xFFFFFFC0];
	v5 =	vadd.f32 v5, v15;
	v15 =	vmul.f32 v16, v13;
	v16 =	vmul.f32 v14, v19  }
0x3eb: {  	v49 =	vld [tilespmem:s29+$0xFFFFFFE0];
	v12 =	vmul.f32 v12, v18;
	v18 =	vmul.f32 v26, v46  }
0x3ec: {  	v50 =	vld [tilespmem:s3+$0xFFFFFFA0];
	v22 =	vmul.f32 v21, v62;
	v15 =	vsub.f32 $1.500000000e+00, v15;
	v16 =	vmul.f32 v16, v14  }
0x3ed: {  	v53 =	vld [tilespmem:s18+$0xFFFFFF90];
	v48 =	vsub.f32 v43, v45;
	v4 =	vsub.f32 $1.500000000e+00, v17;
	v27 =	vmul.f32 v18, v39  }
0x3ee: {  	v17 =	vld [tilespmem:s18+$0xFFFFFF80];
	v13 =	vmul.f32 v15, v13;
	v15 =	vsub.f32 $1.500000000e+00, v16;
	v16 =	vmul.f32 v22, v21  }
0x3ef: {  	v55 =	vld [tilespmem:s18+$0xFFFFFFD0];
	v12 =	vadd.f32 v20, v12;
	v20 =	vsub.f32 v51, v54;
	v27 =	vmul.f32 v27, v18  }
0x3f0: {  	v19 =	vld [tilespmem:s29+$0xFFFFFFA0];
	v6 =	vmul.f32 v13, v6;
	v13 =	vmul.f32 v15, v14;
	v14 =	vsub.f32 $1.500000000e+00, v16  }
0x3f1: {  	v57 =	vld [tilespmem:s29+$0xFFFFFFF0];
	v23 =	vmul.f32 v50, v49;
	v12 =	vsub.f32 v12, v47;
	v27 =	vsub.f32 $1.500000000e+00, v27  }
0x3f2: {  	v15 =	vld [tilespmem:s29+$0xFFFFFFB0];
	v6 =	vadd.f32 $0.0e+00, v6;
	v8 =	vmul.f32 v13, v8;
	v13 =	vmul.f32 v14, v21  }
0x3f3: {  	v12 =	vmul.f32 v12, v12;
	v17 =	vsub.f32 v48, v17;
	v16 =	vmul.f32 v34, v40;
	v14 =	vld [tilespmem:s3+$0xFFFFFFB0]  }
0x3f4: {  	v59 =	vld [tilespmem:s3+$0xFFFFFFF0];
	v6 =	vadd.f32 v8, v6;
	v8 =	vmul.f32 v13, v11;
	v11 =	vmul.f32 v27, v18  }
0x3f5: {  	v58 =	vmul.f32 v50, v19;
	v13 =	vadd.f32 v16, v56;
	v16 =	vmul.f32 v52, v49  }
0x3f6: {  	v18 =	vmul.f32 v52, v19;
	v19 =	vld [tilespmem:s18+$0xFFFFFFA0];
	v6 =	vadd.f32 v8, v6;
	v8 =	vmul.f32 v11, v10  }
0x3f7: {  	v11 =	vmul.f32 v17, v17;
	v17 =	vsub.f32 v20, v53;
	v13 =	vsub.f32 v13, v55  }
0x3f8: {  	v10 =	vld [tilespmem:s18+$0xFFFFFFE0];
	v60 =	vmul.f32 v14, v15;
	v14 =	vmul.f32 v14, v57;
	v61 =	vadd.f32 v8, v6  }
0x3f9: {  	s30 =	simm.s32 $0x181;
	v63 =	vld [tilespmem:s18+$0xFFFFFFF0];
	v6 =	vsub.f32 v58, v16;
	v8 =	vadd.f32 v12, v11;
	v12 =	vmul.f32 v59, v15  }
0x3fa: {  	v7 =	vmov s30;
	v62 =	vld [tilespmem:s18+$0xFFFFFFB0];
	v15 =	vmul.f32 v17, v17;
	v13 =	vmul.f32 v13, v13;
	(xrf2) =	vadd.scan.msk.f32 $0xffff, v61  }
0x3fb: {  	v16 =	vadd.f32 v18, v23;
	v18 =	vmul.f32 v59, v57;
	v17 =	vsub.f32 v6, v19  }
0x3fc: {  	v19 =	vshrl.u32 v8, $0x1;
	v6 =	vadd.f32 v13, v15;
	v12 =	vadd.f32 v12, v14  }
0x3fd: {  	v11 =	vmul.f32 $5.000000000e-01, v8;
	v10 =	vsub.f32 v16, v10;
	v16 =	vsub.f32 v60, v18  }
0x3fe: {  	v13 =	vsub.s32 $0x5F3759DF, v19;
	v14 =	vmul.f32 v17, v17;
	v17 =	vsub.f32 v12, v63  }
0x3ff: {  	v10 =	vmul.f32 v10, v10;
	v15 =	vsub.f32 v16, v62;
	v16 =	vshrl.u32 v6, $0x1  }
0x400: {  	[tilespmem:v7+s23+$0x0] =	vst.idx.msk vm0, v9;
	v18 =	vmul.f32 v13, v11;
	v12 =	vmul.f32 $5.000000000e-01, v6;
	v9 =	vsub.s32 $0x5F3759DF, v16  }
0x401: {  	s20 =	simm.s32 $0xFFFFFFFE;
	s26 =	simm.s32 $0x183;
	v10 =	vadd.f32 v10, v14;
	v14 =	vmul.f32 v15, v15;
	v15 =	vmul.f32 v17, v17  }
0x402: {  	s24 =	simm.s32 $0x0;
	s25 =	simm.s32 $0x2;
	v7 =	vmov s26;
	s26 =	simm.s32 $0x4880;
	v16 =	vmul.f32 v13, v18;
	v17 =	vmul.f32 v9, v12  }
.LBB2_8:
0x403: {  	v18 =	vld [tilespmem:s26+$0x30];
	v19 =	vshrl.u32 v10, $0x1;
	v20 =	vmul.f32 $5.000000000e-01, v10;
	v14 =	vadd.f32 v15, v14;
	s29 =	smov.u32 s25  }
0x404: {  	s3 =	sadd.s32 $0x100, s3;
	v15 =	vld [tilespmem:s26+$0x70];
	v16 =	vsub.f32 $1.500000000e+00, v16;
	v17 =	vmul.f32 v9, v17;
	v19 =	vsub.s32 $0x5F3759DF, v19;
	v21, _, _ =	vpop (xrf2)  }
0x405: {  	v22 =	vld [tilespmem:s3+$0x30];
	v23 =	vmul.f32 v19, v20;
	v24 =	vshrl.u32 v14, $0x1;
	v21 =	vsub.f32 $9.000000000e+00, v21  }
0x406: {  	v25 =	vld [tilespmem:s3+$0x70];
	v13 =	vmul.f32 v13, v16;
	v16 =	vsub.s32 $0x5F3759DF, v24;
	v24 =	vmul.f32 $5.000000000e-01, v14  }
0x407: {  	v3 =	vmul.f32 v3, v0;
	v17 =	vsub.f32 $1.500000000e+00, v17;
	v26 =	vld [tilespmem:s26+$0x20];
	v23 =	vmul.f32 v19, v23;
	[tilespmem:v7+s23+$0x0] =	vst.idx.msk vm0, v21  }
0x408: {  	v0 =	vmov v10;
	v21 =	vld [tilespmem:s26+$0x60];
	v7 =	vmul.f32 v13, v11;
	v11 =	vmul.f32 v16, v24  }
0x409: {  	v2 =	vmul.f32 v4, v2;
	v9 =	vmul.f32 v9, v17;
	v10 =	vld [tilespmem:s3+$0x20];
	v17 =	vsub.f32 $1.500000000e+00, v23  }
0x40a: {  	v3 =	vadd.f32 v3, v5;
	v4 =	vld [tilespmem:s3+$0x60];
	v7 =	vmul.f32 v7, v13;
	v11 =	vmul.f32 v16, v11  }
0x40b: {  	v12 =	vmul.f32 v9, v12;
	v5 =	vld [tilespmem:s26+$0x10];
	v17 =	vmul.f32 v19, v17  }
0x40c: {  	v23 =	vmul.f32 v2, v1;
	v1 =	vmovc v14;
	v19 =	vld [tilespmem:s26+$0x50];
	v7 =	vsub.f32 $1.500000000e+00, v7;
	v11 =	vsub.f32 $1.500000000e+00, v11  }
0x40d: {  	v12 =	vmul.f32 v12, v9;
	v14 =	vld [tilespmem:s3+$0x10];
	v20 =	vmul.f32 v17, v20  }
0x40e: {  	v3 =	vadd.f32 v23, v3;
	v27 =	vld [tilespmem:s3+$0x50];
	v7 =	vmul.f32 v7, v13;
	v2 =	vmul.f32 v16, v11  }
0x40f: {  	v12 =	vsub.f32 $1.500000000e+00, v12;
	v11 =	vld [tilespmem:s26+$0x0];
	v13 =	vmul.f32 v20, v17  }
0x410: {  	v16 =	vld [tilespmem:s26+$0x40];
	v7 =	vmul.f32 v7, v8;
	v8 =	vmul.f32 v2, v24;
	(xrf2) =	vadd.scan.msk.f32 $0xffff, v3  }
0x411: {  	v23 =	vmul.f32 v25, v15;
	v20 =	vmul.f32 v22, v18;
	v3 =	vld [tilespmem:s3+$0x0];
	v13 =	vsub.f32 $1.500000000e+00, v13  }
0x412: {  	v15 =	vmul.f32 v22, v15;
	v18 =	vmul.f32 v25, v18;
	v24 =	vld [tilespmem:s3+$0x40];
	v22 =	vadd.f32 $0.0e+00, v7  }
0x413: {  	s18 =	sadd.s32 $0x100, s18;
	v25 =	vmul.f32 v10, v26;
	v28 =	vmul.f32 v4, v21;
	v7 =	vld [tilespmem:s26+$0xFFFFFFC0]  }
0x414: {  	s25 =	sadd.s32 $0x2, s25;
	v4 =	vmul.f32 v4, v26;
	v10 =	vmul.f32 v10, v21;
	v21 =	vld [tilespmem:s18+$0x30]  }
0x415: {  	s30 =	sadd.s32 $0x182, s20;
	s20 =	smov.u32 s24;
	p0 =	slt.u32 s25, $0x7E;
	v26 =	vmul.f32 v14, v5;
	v29 =	vmul.f32 v27, v19;
	v30 =	vld [tilespmem:s18+$0x70]  }
0x416: {  	s24 =	smov.u32 s29;
	v14 =	vmul.f32 v14, v19;
	v5 =	vmul.f32 v27, v5;
	v27 =	vmov s30;
	v19 =	vld [tilespmem:s18+$0x20]  }
0x417: {  	v27 =	vand.u32 $0xFFFFFFFE, v27;
	v32 =	vmul.f32 v3, v11;
	v31 =	vld [tilespmem:s18+$0x0];
	v33 =	vmul.f32 v24, v16  }
0x418: {  	v20 =	vsub.f32 v20, v23;
	v15 =	vadd.f32 v18, v15;
	v11 =	vmul.f32 v24, v11;
	v34 =	vld [tilespmem:s18+$0x40]  }
0x419: {  	v18 =	vsub.f32 v25, v28;
	v4 =	vadd.f32 v4, v10;
	v3 =	vmul.f32 v3, v16;
	v16 =	vld [tilespmem:s18+$0x10]  }
0x41a: {  	v9 =	vmul.f32 v12, v9;
	v23 =	vsub.f32 v26, v29;
	v5 =	vadd.f32 v5, v14;
	v10 =	vld [tilespmem:s18+$0x50];
	v12, _, _ =	vpop (xrf2)  }
0x41b: {  	v8 =	vmul.f32 v8, v2;
	v14 =	vsub.f32 v32, v33;
	v3 =	vadd.f32 v11, v3;
	v11 =	vld [tilespmem:s18+$0x60]  }
0x41c: {  	v6 =	vmul.f32 v9, v6;
	v20 =	vsub.f32 v20, v21;
	v15 =	vsub.f32 v15, v30;
	v24 =	vld [tilespmem:s3+$0xFFFFFF80]  }
0x41d: {  	v14 =	vsub.f32 v14, v31;
	v9 =	vld [tilespmem:s3+$0xFFFFFFC0];
	v21 =	vsub.f32 v3, v34;
	v3 =	vmul.f32 v13, v17  }
0x41e: {  	v17 =	vsub.f32 v18, v19;
	v18 =	vbroadcast v27, $0x0;
	v13 =	vld [tilespmem:s26+$0xFFFFFF80];
	v16 =	vsub.f32 v23, v16  }
0x41f: {  	v14 =	vmul.f32 v14, v14;
	v19 =	vld [tilespmem:s26+$0xFFFFFF90];
	v21 =	vmul.f32 v21, v21;
	v5 =	vsub.f32 v5, v10  }
0x420: {  	v15 =	vmul.f32 v15, v15;
	v10 =	vld [tilespmem:s26+$0xFFFFFFD0];
	v4 =	vsub.f32 v4, v11;
	v11 =	vmul.f32 v20, v20  }
0x421: {  	v16 =	vmul.f32 v16, v16;
	v20 =	vld [tilespmem:s3+$0xFFFFFF90];
	v14 =	vadd.f32 v21, v14;
	v5 =	vmul.f32 v5, v5  }
0x422: {  	v17 =	vmul.f32 v17, v17;
	v21 =	vld [tilespmem:s3+$0xFFFFFFD0];
	v23 =	vmul.f32 v4, v4;
	v4 =	vsub.f32 $1.500000000e+00, v8  }
0x423: {  	v8 =	vld [tilespmem:s18+$0xFFFFFF80];
	v25 =	vshrl.u32 v14, $0x1;
	v26 =	vmul.f32 $5.000000000e-01, v14;
	v16 =	vadd.f32 v5, v16  }
0x424: {  	v11 =	vadd.f32 v15, v11;
	v27 =	vld [tilespmem:s18+$0xFFFFFFC0];
	v25 =	vsub.s32 $0x5F3759DF, v25;
	v17 =	vadd.f32 v23, v17  }
0x425: {  	v15 =	vld [tilespmem:s26+$0xFFFFFFA0];
	v5 =	vmul.f32 v25, v26;
	v23 =	vshrl.u32 v16, $0x1;
	v28 =	vmul.f32 $5.000000000e-01, v16  }
0x426: {  	v29 =	vld [tilespmem:s26+$0xFFFFFFE0];
	v23 =	vsub.s32 $0x5F3759DF, v23;
	v30 =	vshrl.u32 v17, $0x1;
	v31 =	vmul.f32 $5.000000000e-01, v17  }
0x427: {  	v32 =	vld [tilespmem:s3+$0xFFFFFFA0];
	v5 =	vmul.f32 v25, v5;
	v33 =	vmul.f32 v23, v28;
	v30 =	vsub.s32 $0x5F3759DF, v30  }
0x428: {  	v36 =	vshrl.u32 v11, $0x1;
	v37 =	vmul.f32 $5.000000000e-01, v11;
	v34 =	vld [tilespmem:s3+$0xFFFFFFE0];
	v35 =	vmul.f32 v30, v31  }
0x429: {  	v36 =	vsub.s32 $0x5F3759DF, v36;
	v38 =	vld [tilespmem:s18+$0xFFFFFF90];
	v39 =	vsub.f32 $1.500000000e+00, v5;
	v33 =	vmul.f32 v23, v33  }
0x42a: {  	v41 =	vmul.f32 v36, v37;
	v5 =	vadd.f32 v6, v22;
	v40 =	vld [tilespmem:s18+$0xFFFFFFD0];
	v35 =	vmul.f32 v30, v35  }
0x42b: {  	v6 =	vmul.f32 v24, v13;
	v22 =	vld [tilespmem:s26+$0xFFFFFFB0];
	v25 =	vmul.f32 v25, v39;
	v33 =	vsub.f32 $1.500000000e+00, v33  }
0x42c: {  	v41 =	vmul.f32 v36, v41;
	v39 =	vmul.f32 v9, v7;
	v42 =	vld [tilespmem:s26+$0xFFFFFFF0];
	v35 =	vsub.f32 $1.500000000e+00, v35  }
0x42d: {  	v12 =	vsub.f32 $9.000000000e+00, v12;
	v43 =	vld [tilespmem:s3+$0xFFFFFFB0];
	v26 =	vmul.f32 v25, v26;
	v23 =	vmul.f32 v23, v33  }
0x42e: {  	v9 =	vmul.f32 v9, v13;
	v33 =	vsub.f32 $1.500000000e+00, v41;
	v13 =	vld [tilespmem:s3+$0xFFFFFFF0];
	v30 =	vmul.f32 v30, v35  }
0x42f: {  	v6 =	vsub.f32 v6, v39;
	v35 =	vld [tilespmem:s18+$0xFFFFFFA0];
	v26 =	vmul.f32 v26, v25;
	v28 =	vmul.f32 v23, v28  }
0x430: {  	v7 =	vmul.f32 v24, v7;
	v33 =	vmul.f32 v36, v33;
	v24 =	vld [tilespmem:s18+$0xFFFFFFE0];
	[tilespmem:v18+s23+$0x0] =	vst.idx.msk vm0, v12  }
0x431: {  	v12 =	vld [tilespmem:s18+$0xFFFFFFB0];
	v18 =	vsub.f32 $1.500000000e+00, v26;
	v26 =	vmul.f32 v28, v23;
	v28 =	vmul.f32 v30, v31  }
0x432: {  	v7 =	vadd.f32 v9, v7;
	v9 =	vmul.f32 v20, v19;
	v36 =	vmul.f32 v33, v37;
	v31 =	vld [tilespmem:s18+$0xFFFFFFF0]  }
0x433: {  	v18 =	vmul.f32 v18, v25;
	v25 =	vsub.f32 $1.500000000e+00, v26;
	v26 =	vmul.f32 v28, v30  }
0x434: {  	v6 =	vsub.f32 v6, v8;
	v8 =	vmul.f32 v21, v10;
	v28 =	vmul.f32 v36, v33  }
0x435: {  	v14 =	vmul.f32 v18, v14;
	v18 =	vmul.f32 v25, v23;
	v23 =	vsub.f32 $1.500000000e+00, v26  }
0x436: {  	v19 =	vmul.f32 v21, v19;
	v10 =	vmul.f32 v20, v10;
	v20 =	vsub.f32 $1.500000000e+00, v28  }
0x437: {  	v14 =	vadd.f32 $0.0e+00, v14;
	v16 =	vmul.f32 v18, v16;
	v18 =	vmul.f32 v23, v30  }
0x438: {  	v7 =	vsub.f32 v7, v27;
	v8 =	vsub.f32 v9, v8;
	v9 =	vmul.f32 v32, v15  }
0x439: {  	v14 =	vadd.f32 v16, v14;
	v16 =	vmul.f32 v18, v17;
	v17 =	vmul.f32 v20, v33  }
0x43a: {  	v10 =	vadd.f32 v19, v10;
	v15 =	vmul.f32 v34, v15;
	v18 =	vmul.f32 v34, v29  }
0x43b: {  	v19 =	vmul.f32 v32, v29;
	v14 =	vadd.f32 v16, v14;
	v11 =	vmul.f32 v17, v11  }
0x43c: {  	v6 =	vmul.f32 v6, v6;
	v7 =	vmul.f32 v7, v7;
	v16 =	vsub.f32 v8, v38  }
0x43d: {  	v10 =	vsub.f32 v10, v40;
	v17 =	vmul.f32 v43, v22;
	v11 =	vadd.f32 v11, v14  }
0x43e: {  	v9 =	vsub.f32 v9, v18;
	v14 =	vadd.f32 v15, v19;
	v15 =	vmul.f32 v13, v42  }
0x43f: {  	v8 =	vadd.f32 v7, v6;
	v7 =	vmul.f32 v13, v22;
	v13 =	vmul.f32 v43, v42;
	(xrf2) =	vadd.scan.msk.f32 $0xffff, v11  }
0x440: {  	v10 =	vmul.f32 v10, v10;
	v6 =	vmul.f32 v16, v16;
	v9 =	vsub.f32 v9, v35  }
0x441: {  	v16 =	vshrl.u32 v8, $0x1;
	v14 =	vsub.f32 v14, v24;
	v15 =	vsub.f32 v17, v15  }
0x442: {  	v11 =	vmul.f32 $5.000000000e-01, v8;
	v6 =	vadd.f32 v10, v6;
	v7 =	vadd.f32 v7, v13  }
.Ltmp3:
0x443: {  	v9 =	vmul.f32 v9, v9;
	v10 =	vmul.f32 v14, v14;
	v14 =	vsub.f32 v15, v12;
	(pc) =	sbr.rel @p0 .LBB2_8-.Ltmp3, $4  }
0x444: {  	v13 =	vsub.s32 $0x5F3759DF, v16;
	v15 =	vshrl.u32 v6, $0x1;
	v7 =	vsub.f32 v7, v31  }
0x445: {  	v16 =	vmul.f32 v13, v11;
	v12 =	vmul.f32 $5.000000000e-01, v6;
	v10 =	vadd.f32 v10, v9  }
0x446: {  	s29 =	sadd.s32 $0x183, s24;
	v9 =	vsub.s32 $0x5F3759DF, v15;
	v14 =	vmul.f32 v14, v14;
	v15 =	vmul.f32 v7, v7  }
0x447: {  	s26 =	sadd.s32 $0x100, s26;
	v16 =	vmul.f32 v13, v16;
	v7 =	vmov s29;
	v17 =	vmul.f32 v9, v12  }
0x448: {  	v18 =	vshrl.u32 v10, $0x1;
	v19 =	vmul.f32 $5.000000000e-01, v10;
	v14 =	vadd.f32 v15, v14  }
0x449: {  	v38 =	vsub.f32 $1.500000000e+00, v16;
	v39 =	vmul.f32 v9, v17;
	v40 =	vsub.s32 $0x5F3759DF, v18  }
0x44a: {  	v18 =	vmul.f32 v40, v19;
	v20 =	vshrl.u32 v14, $0x1;
	v21 =	vmul.f32 $5.000000000e-01, v14  }
0x44b: {  	v13 =	vmul.f32 v13, v38;
	v41 =	vsub.s32 $0x5F3759DF, v20;
	v16 =	vsub.f32 $1.500000000e+00, v39  }
0x44c: {  	v18 =	vmul.f32 v40, v18;
	v20 =	vmul.f32 v41, v21  }
0x44d: {  	v11 =	vmul.f32 v13, v11;
	v42 =	vmul.f32 v9, v16  }
0x44e: {  	v43 =	vsub.f32 $1.500000000e+00, v18;
	v44 =	vmul.f32 v41, v20  }
0x44f: {  	v11 =	vmul.f32 v11, v13;
	v12 =	vmul.f32 v42, v12  }
0x450: {  	v16 =	vmul.f32 v40, v43;
	v45 =	vsub.f32 $1.500000000e+00, v44  }
0x451: {  	v11 =	vsub.f32 $1.500000000e+00, v11;
	v12 =	vmul.f32 v12, v42  }
0x452: {  	v46 =	vmul.f32 v16, v19;
	v15 =	vmul.f32 v41, v45  }
0x453: {  	v11 =	vmul.f32 v11, v13  }
0x454: {  	v12 =	vsub.f32 $1.500000000e+00, v12;
	v47 =	vmul.f32 v46, v16;
	v17 =	vmul.f32 v15, v21  }
0x455: {  	v8 =	vmul.f32 v11, v8  }
0x456: {  	v9 =	vmul.f32 v12, v42;
	v48 =	vsub.f32 $1.500000000e+00, v47;
	v49 =	vmul.f32 v17, v15  }
0x457: {  	v8 =	vadd.f32 $0.0e+00, v8  }
0x458: {  	v6 =	vmul.f32 v9, v6;
	v50 =	vmul.f32 v48, v16;
	v51 =	vsub.f32 $1.500000000e+00, v49  }
0x459: {  	v0 =	vmul.f32 v3, v0;
	v2 =	vmul.f32 v4, v2  }
0x45a: {  	v52 =	vadd.f32 v6, v8;
	v53 =	vmul.f32 v50, v10;
	v54 =	vmul.f32 v51, v15  }
0x45b: {  	v0 =	vadd.f32 v0, v5;
	v1 =	vmul.f32 v2, v1  }
0x45c: {  	v55 =	vadd.f32 v53, v52;
	v56 =	vmul.f32 v54, v14  }
0x45d: {  	v0 =	vadd.f32 v1, v0  }
0x45e: {  	v57 =	vadd.f32 v56, v55  }
0x45f: {  	(xrf2) =	vadd.scan.msk.f32 $0xffff, v0  }
0x460: {  	(xrf2) =	vadd.scan.msk.f32 $0xffff, v57;
	_ =	sdelay $0x2  }
0x461: {  	s3 =	sadd.s32 $0x182, s20  }
0x462: {  	s30 =	sadd.s32 $0x182, s24;
	v58 =	vmov s3  }
0x463: {  	v59 =	vmov s30;
	v0 =	vand.u32 $0xFFFFFFFE, v58  }
0x464: {  	v1 =	vand.u32 $0xFFFFFFFE, v59;
	v0 =	vbroadcast v0, $0x0  }
0x465: {  	v1 =	vbroadcast v1, $0x0  }
0x466: {  	v60, _, _ =	vpop (xrf2)  }
0x467: {  	v2 =	vsub.f32 $9.000000000e+00, v60;
	v61, _, _ =	vpop (xrf2)  }
0x468: {  	v3 =	vsub.f32 $9.000000000e+00, v61;
	v62, _, _ =	vpop (xrf2)  }
0x469: {  	s0 =	sadd.s32 $0x1, s0;
	[tilespmem:v7+s23+$0x0] =	vst.idx.msk vm0, v2;
	v63 =	vsub.f32 $9.000000000e+00, v62  }
0x46a: {  	p0 =	sne.s32 s0, s9;
	[tilespmem:v0+s23+$0x0] =	vst.idx.msk vm0, v3  }
.Ltmp4:
0x46b: {  	[tilespmem:v1+s23+$0x0] =	vst.idx.msk vm0, v63;
	(pc) =	sbr.rel @p0 .LBB2_1-.Ltmp4, $4  }
0x46c: {  	[hbm4b:s8+s2] =	stream.linear.scatter [tilespmem:s23], [sflag:$0x3], $0x200, $0x38;
	[tilespmem:$0x18800] =	vst v63  }
0x46d: {  	_ =	swait.ge [sflag:s10], $0x200  }
0x46e: {  	[sflag:s10] =	ssyncset.done $0x0  }
0x46f: {  	[sflag:s10] =	ssyncadd.s32 $0xFFFFFE00  }
0x470: {  	_ =	sfence.sel $0x180000  }
0x471: {  	[bflag:$0x0] =	sbarrier.arrive $0xFFFF  }
0x472: {  	_ =	strace $0x90000047  }
0x473: {  	s0 =	stileid.u32;
	[bflag:$0x2] =	sbarrier.arrive $0xFFFF  }
0x474: {  	p0 =	sne.s32 s0, $0x0;
	s0 =	rddreg [dreg:$0x6]  }
0x475: {  	s0 =	sadd.s32 @!p0 $0x100000, s0  }
0x476: {  	[sflag:s0] =	ssyncadd.tile.s32 @!p0 $0x1;
	_ =	shalt  }
.Lfunc_end2:
_tile_overlayer_lowered:
.L_overlay_start_2:
0x477: {  	(tag) =	ssettag $0x2  }
0x478: {  	s0 =	rddreg [dreg:$0x0];
	s2 =	stileid.u32  }
0x479: {  	s1 =	rddreg [dreg:$0x1];
	p0 =	sne.s32 s2, $0x0  }
0x47a: {  	s3 =	rddreg [dreg:$0x2];
	[bflag:$0x3] =	sbarrier.arrive $0xFFFF;
	s2 =	simm.s32 @!p0 $0x1C03  }
0x47b: {  	[timem:s3], [sflag:s2] =	dma.local @!p0 [hbm:s0], s1  }
0x47c: {  	s0 =	simm.s32 @!p0 $0x3  }
0x47d: {  	_ =	swait.ge @!p0 [sflag:s0], s1  }
0x47e: {  	s1 =	ssub.s32 @!p0 $0x0, s1;
	[sflag:s0] =	ssyncset.done @!p0 $0x0  }
0x47f: {  	[sflag:s0] =	ssyncadd.s32 @!p0 s1  }
0x480: {  	[bflag:$0x3] =	sbarrier.arrive $0xFFFF  }
0x481: {  	_ =	shalt  }

</sc_bundles>
